<compile_context>
chip_gen: v7x
topology: tpu7x:2x2x1
jax: 0.10.2.dev20260603
libtpu: 0.0.44.dev20260713+nightly
codegen_flags: <defaults>
</compile_context>

<pallas_src>
import functools

import jax
import jax.numpy as jnp
from jax import lax
from jax.experimental import pallas as pl
from jax.experimental.pallas import tpu as pltpu
from jax.experimental.pallas import tpu_sc as plsc

_N = 10000
_E = 320000
_D = 128
_NC = 2
_NS = 16
_NW = _NC * _NS
_C = 125
_NCH = 80
_NPH = 4
_PH = _NCH // _NPH
_RT0 = 624
_RT1 = 640
_BASE1 = _RT0 * (_NS - 1)
_BM = 2000
_ERT0 = 640
_NPAD = _ERT0 * _NS


def _per_tile_slab(sid, copy_fn):
    @pl.when(sid < _NS - 1)
    def _():
        copy_fn(sid * _RT0, _RT0)

    @pl.when(sid == _NS - 1)
    def _():
        copy_fn(_BASE1, _RT1)




def _sc_mesh():
    return plsc.VectorSubcoreMesh(
        core_axis_name="c", subcore_axis_name="s",
        num_cores=_NC, num_subcores=_NS)


def _deg_body(dst_hbm, zeros_hbm, out_hbm, idx_v, ones_v, acc_sh, sem):
    cid = lax.axis_index("c")
    sid = lax.axis_index("s")
    wid = cid * _NS + sid
    base = sid * _ERT0
    for i in range(8):
        ones_v[pl.ds(16 * i, 16)] = jnp.ones((16,), jnp.float32)
    pltpu.sync_copy(zeros_hbm, acc_sh.at[pl.ds(base, _ERT0)])
    pltpu.sync_copy(dst_hbm.at[wid], idx_v)
    plsc.subcore_barrier()

    def chunk(t, carry):
        p = t // _PH
        j = t - p * _PH
        pltpu.async_copy(ones_v.at[pl.ds(0, _C)],
                         acc_sh.at[idx_v.at[p, j]], sem, add=True)
        return carry

    lax.fori_loop(0, _NCH, chunk, 0)

    def drain(t, carry):
        p = t // _PH
        j = t - p * _PH
        pltpu.make_async_copy(ones_v.at[pl.ds(0, _C)],
                              acc_sh.at[idx_v.at[p, j]], sem).wait()
        return carry

    lax.fori_loop(0, _NCH, drain, 0)
    plsc.subcore_barrier()
    pltpu.sync_copy(acc_sh.at[pl.ds(base, _ERT0)],
                    out_hbm.at[cid, pl.ds(base, _ERT0)])


@functools.cache
def _deg_call():
    return pl.kernel(
        _deg_body,
        out_type=jax.ShapeDtypeStruct((_NC, _NPAD), jnp.float32),
        mesh=_sc_mesh(),
        scratch_types=[
            pltpu.VMEM((_NPH, _PH, _C), jnp.int32),
            pltpu.VMEM((128,), jnp.float32),
            pltpu.VMEM_SHARED((_NPAD,), jnp.float32),
            pltpu.SemaphoreType.DMA,
        ],
    )


def _scat_body(g_hbm, src_hbm, dst_hbm, zeros_hbm, out_hbm,
               src_v, dst_v, rows_v, acc_sh, sem0, sem1, isem0, isem1):
    cid = lax.axis_index("c")
    sid = lax.axis_index("s")
    wid = cid * _NS + sid

    @pl.when(cid == 0)
    def _():
        _per_tile_slab(sid, lambda b, n: pltpu.sync_copy(
            g_hbm.at[pl.ds(b, n)], acc_sh.at[pl.ds(b, n)]))

    @pl.when(cid != 0)
    def _():
        _per_tile_slab(sid, lambda b, n: pltpu.sync_copy(
            zeros_hbm.at[pl.ds(0, n)], acc_sh.at[pl.ds(b, n)]))

    plsc.subcore_barrier()

    def idx_load(p, j, sem):
        pltpu.async_copy(src_hbm.at[wid, p], src_v.at[j], sem)
        pltpu.async_copy(dst_hbm.at[wid, p], dst_v.at[j], sem)

    def idx_wait(p, j, sem):
        pltpu.make_async_copy(src_hbm.at[wid, p], src_v.at[j], sem).wait()
        pltpu.make_async_copy(dst_hbm.at[wid, p], dst_v.at[j], sem).wait()

    isems = (isem0, isem1)
    idx_load(0, 0, isem0)

    def outer(i, carry):
        for j in range(2):
            p = 2 * i + j
            idx_wait(p, j, isems[j])

            @pl.when(p + 1 < _NPH)
            def _():
                idx_load(p + 1, 1 - j, isems[1 - j])

            sv = src_v.at[j]
            dv = dst_v.at[j]
            pltpu.async_copy(g_hbm.at[sv.at[0]], rows_v.at[0], sem0)

            def body(k, c, sv=sv, dv=dv):
                a = 2 * k
                b = a + 1
                pltpu.make_async_copy(
                    g_hbm.at[sv.at[a]], rows_v.at[0], sem0).wait()
                pltpu.async_copy(g_hbm.at[sv.at[b]], rows_v.at[1], sem1)
                pltpu.sync_copy(rows_v.at[0], acc_sh.at[dv.at[a]], add=True)
                pltpu.make_async_copy(
                    g_hbm.at[sv.at[b]], rows_v.at[1], sem1).wait()

                @pl.when(k + 1 < _PH // 2)
                def _():
                    pltpu.async_copy(g_hbm.at[sv.at[a + 2]],
                                     rows_v.at[0], sem0)

                pltpu.sync_copy(rows_v.at[1], acc_sh.at[dv.at[b]], add=True)
                return c

            lax.fori_loop(0, _PH // 2, body, 0)
        return carry

    lax.fori_loop(0, _NPH // 2, outer, 0)
    plsc.subcore_barrier()
    _per_tile_slab(sid, lambda b, n: pltpu.sync_copy(
        acc_sh.at[pl.ds(b, n)], out_hbm.at[cid, pl.ds(b, n)]))


@functools.cache
def _scat_call():
    return pl.kernel(
        _scat_body,
        out_type=jax.ShapeDtypeStruct((_NC, _N, _D), jnp.float32),
        mesh=_sc_mesh(),
        scratch_types=[
            pltpu.VMEM((2, _PH, _C), jnp.int32),
            pltpu.VMEM((2, _PH, _C), jnp.int32),
            pltpu.VMEM((2, _C, _D), jnp.float32),
            pltpu.VMEM_SHARED((_N, _D), jnp.float32),
            pltpu.SemaphoreType.DMA,
            pltpu.SemaphoreType.DMA,
            pltpu.SemaphoreType.DMA,
            pltpu.SemaphoreType.DMA,
        ],
    )


def _stage1_body(degp_ref, x_ref, w1_ref, g1_ref, dis_ref):
    degp = degp_ref[...]
    deg = degp[:, 0:1] + degp[:, 1:2] + 1.0
    dis = lax.rsqrt(deg)
    dis_ref[...] = dis
    g1_ref[...] = jnp.dot(x_ref[...], w1_ref[...],
                          preferred_element_type=jnp.float32) * dis


def _stage2_body(y_ref, dis_ref, b1_ref, w2_ref, g2_ref):
    y = y_ref[...]
    dis = dis_ref[...]
    h = jnp.maximum(dis * (y[0] + y[1]) + b1_ref[...], 0.0)
    g2_ref[...] = jnp.dot(h, w2_ref[...],
                          preferred_element_type=jnp.float32) * dis


def _stage3_body(y_ref, dis_ref, b2_ref, wd1_ref, bd1_ref, wd2_ref, bd2_ref,
                 o_ref):
    y = y_ref[...]
    dis = dis_ref[...]
    h2 = jnp.maximum(dis * (y[0] + y[1]) + b2_ref[...], 0.0)
    h3 = jnp.maximum(jnp.dot(h2, wd1_ref[...],
                             preferred_element_type=jnp.float32)
                     + bd1_ref[...], 0.0)
    o_ref[...] = jnp.dot(h3, wd2_ref[...],
                         preferred_element_type=jnp.float32) + bd2_ref[...]


def _full(shape):
    return pl.BlockSpec(shape, lambda i: (0,) * len(shape))


def _rows(shape, dim=0):
    def idx(i):
        out = [0] * len(shape)
        out[dim] = i
        return tuple(out)
    return pl.BlockSpec(shape, idx)


@functools.cache
def _stage1_call():
    return pl.pallas_call(
        _stage1_body,
        grid=(_N // _BM,),
        in_specs=[_rows((_BM, _NC)), _rows((_BM, _D)), _full((_D, _D))],
        out_specs=[_rows((_BM, _D)), _rows((_BM, 1))],
        out_shape=[jax.ShapeDtypeStruct((_N, _D), jnp.float32),
                   jax.ShapeDtypeStruct((_N, 1), jnp.float32)],
    )


@functools.cache
def _stage2_call():
    return pl.pallas_call(
        _stage2_body,
        grid=(_N // _BM,),
        in_specs=[_rows((_NC, _BM, _D), 1), _rows((_BM, 1)),
                  _full((1, _D)), _full((_D, _D))],
        out_specs=_rows((_BM, _D)),
        out_shape=jax.ShapeDtypeStruct((_N, _D), jnp.float32),
    )


@functools.cache
def _stage3_call():
    return pl.pallas_call(
        _stage3_body,
        grid=(_N // _BM,),
        in_specs=[_rows((_NC, _BM, _D), 1), _rows((_BM, 1)),
                  _full((1, _D)), _full((_D, _D)), _full((1, _D)),
                  _full((_D, _D)), _full((1, _D))],
        out_specs=_rows((_BM, _D)),
        out_shape=jax.ShapeDtypeStruct((_N, _D), jnp.float32),
    )


def kernel(x, edge_index, W1, b1, W2, b2, Wd1, bd1, Wd2, bd2):
    src = edge_index[0].reshape(_NW, _NPH, _PH, _C)
    dst = edge_index[1].reshape(_NW, _NPH, _PH, _C)
    zeros_d = jnp.zeros((_RT1, _D), jnp.float32)
    zeros_w = jnp.zeros((_ERT0,), jnp.float32)

    degp = _deg_call()(dst, zeros_w)
    g1, dis = _stage1_call()(degp[:, :_N].T, x, W1)
    y1 = _scat_call()(g1, src, dst, zeros_d)
    g2 = _stage2_call()(y1, dis, b1.reshape(1, _D), W2)
    y2 = _scat_call()(g2, src, dst, zeros_d)
    return _stage3_call()(y2, dis, b2.reshape(1, _D), Wd1,
                          bd1.reshape(1, _D), Wd2, bd2.reshape(1, _D))

# --- scband reference (transcript-rebuilt; emitter-appended) ---
"""Pipeline reference for scband-simple-gcn-81870666596916 (READ-ONLY COPY).

The authoritative reference and input builder live on the scoring server;
editing this copy changes nothing except your own understanding.
"""

import jax, jax.numpy as jnp
import numpy as np

N = 10000
E = 320000
D_IN = 128
D_HID = 128
D_OUT = 128


def setup_inputs(seed: int = 0) -> dict:
    key = jax.random.key(seed)
    ks = jax.random.split(key, 12)
    x = jax.random.normal(ks[0], (N, D_IN), dtype=jnp.float32)
    edge_index = jax.random.randint(ks[1], (2, E), 0, N)
    s1 = 1.0 / np.sqrt(D_IN)
    s2 = 1.0 / np.sqrt(D_HID)
    W1 = jax.random.normal(ks[2], (D_IN, D_HID), dtype=jnp.float32) * s1
    b1 = jnp.zeros((D_HID,), dtype=jnp.float32)
    W2 = jax.random.normal(ks[3], (D_HID, D_HID), dtype=jnp.float32) * s2
    b2 = jnp.zeros((D_HID,), dtype=jnp.float32)
    Wd1 = jax.random.normal(ks[4], (D_HID, D_HID), dtype=jnp.float32) * s2
    bd1 = jnp.zeros((D_HID,), dtype=jnp.float32)
    Wd2 = jax.random.normal(ks[5], (D_HID, D_OUT), dtype=jnp.float32) * s2
    bd2 = jnp.zeros((D_OUT,), dtype=jnp.float32)
    return {"x": x, "edge_index": edge_index, "W1": W1, "b1": b1, "W2": W2, "b2": b2, "Wd1": Wd1, "bd1": bd1, "Wd2": Wd2, "bd2": bd2}


def _gcn_conv(x, W, b, src, dst, norm):
    # PyG GCNConv: h = x @ W; messages scaled by sym-norm; scatter-add to dst; add bias
    h = x @ W
    msg = h[src] * norm[:, None]
    out = jnp.zeros_like(h).at[dst].add(msg)
    return out + b


def reference(x, edge_index, W1, b1, W2, b2, Wd1, bd1, Wd2, bd2):
    n = x.shape[0]
    loop = jnp.arange(n, dtype=edge_index.dtype)
    src = jnp.concatenate([edge_index[0], loop])
    dst = jnp.concatenate([edge_index[1], loop])
    deg = jnp.zeros((n,), dtype=x.dtype).at[dst].add(1.0)
    dis = jnp.where(deg > 0, 1.0 / jnp.sqrt(deg), 0.0)
    norm = dis[src] * dis[dst]
    h = jax.nn.relu(_gcn_conv(x, W1, b1, src, dst, norm))
    h = jax.nn.relu(_gcn_conv(h, W2, b2, src, dst, norm))
    h = jax.nn.relu(h @ Wd1 + bd1)
    return h @ Wd2 + bd2

if __name__ == "__main__":
    import jax
    _d = setup_inputs()
    print(jax.jit(kernel)(*tuple(_d.values())))

</pallas_src>

<mosaic_0001>
#map = affine_map<(d0, d1) -> (0, 0)>
#map1 = affine_map<(d0, d1) -> (0, 0, 0, 0)>
#map2 = affine_map<(d0, d1) -> (0, 0, 0)>
module attributes {stable_mosaic.version = 14 : i64} {
  func.func @_scat_body(%arg0: i32, %arg1: i32, %arg2: memref<10000x128xf32, #tpu.memory_space<hbm>>, %arg3: memref<32x4x20x125xi32, #tpu.memory_space<hbm>>, %arg4: memref<32x4x20x125xi32, #tpu.memory_space<hbm>>, %arg5: memref<640x128xf32, #tpu.memory_space<hbm>>, %arg6: memref<2x10000x128xf32, #tpu.memory_space<hbm>>, %arg7: memref<2x20x125xi32, #tpu.memory_space<vmem>>, %arg8: memref<2x20x125xi32, #tpu.memory_space<vmem>>, %arg9: memref<2x125x128xf32, #tpu.memory_space<vmem>>, %arg10: memref<10000x128xf32, #tpu.memory_space<vmem_shared>>, %arg11: memref<!tpu.dma_semaphore, #tpu.memory_space<semaphore_mem>>, %arg12: memref<!tpu.dma_semaphore, #tpu.memory_space<semaphore_mem>>, %arg13: memref<!tpu.dma_semaphore, #tpu.memory_space<semaphore_mem>>, %arg14: memref<!tpu.dma_semaphore, #tpu.memory_space<semaphore_mem>>) attributes {dimension_semantics = [#tpu.dimension_semantics<core_parallel>, #tpu.dimension_semantics<subcore_parallel>], iteration_bounds = array<i64: 2, 16>, scalar_prefetch = 0 : i64, scratch_operands = 8 : i64, tpu.core_type = #tpu.core_type<sc_vector_subcore>, window_params = [{transform_indices = #map}, {transform_indices = #map1}, {transform_indices = #map1}, {transform_indices = #map}, {transform_indices = #map2}]} {
    %mul3A = arith.constant 16 : i32
    %mul3A_0 = arith.muli %arg0, %mul3A : i32
    %add3A = arith.addi %mul3A_0, %arg1 : i32
    %eq3A = arith.constant 0 : i32
    %eq3A_1 = arith.cmpi eq, %arg0, %eq3A : i32
    %convert_element_type3A = arith.extui %eq3A_1 : i1 to i32
    %cond3A = arith.constant 0 : i32
    %cond3A_2 = arith.cmpi ne, %convert_element_type3A, %cond3A : i32
    scf.if %cond3A_2 {
      %lt3A_57 = arith.constant 15 : i32
      %lt3A_58 = arith.cmpi slt, %arg1, %lt3A_57 : i32
      %convert_element_type3A_59 = arith.extui %lt3A_58 : i1 to i32
      %cond3A_60 = arith.constant 0 : i32
      %cond3A_61 = arith.cmpi ne, %convert_element_type3A_59, %cond3A_60 : i32
      scf.if %cond3A_61 {
        %mul3A_67 = arith.constant 624 : i32
        %mul3A_68 = arith.muli %arg1, %mul3A_67 : i32
        "tpu.region"() ({
          %run_scoped3A = tpu.sem_alloc : memref<!tpu.dma_semaphore, #tpu.memory_space<semaphore_mem>>
          %dma_start3A_69 = arith.constant 0 : i32
          %dma_start3A_70 = tpu.memref_slice %arg10[%mul3A_68, %dma_start3A_69] : memref<10000x128xf32, #tpu.memory_space<vmem_shared>> -> memref<624x128xf32, #tpu.memory_space<vmem_shared>>
          %dma_start3A_71 = arith.constant 0 : i32
          %dma_start3A_72 = tpu.memref_slice %arg2[%mul3A_68, %dma_start3A_71] : memref<10000x128xf32, #tpu.memory_space<hbm>> -> memref<624x128xf32, #tpu.memory_space<hbm>>
          tpu.enqueue_dma source(%dma_start3A_72 : memref<624x128xf32, #tpu.memory_space<hbm>>) target(%dma_start3A_70 : memref<624x128xf32, #tpu.memory_space<vmem_shared>>) target_semaphore(%run_scoped3A : memref<!tpu.dma_semaphore, #tpu.memory_space<semaphore_mem>>)
          %dma_wait3A = arith.constant 0 : i32
          %dma_wait3A_73 = tpu.memref_slice %arg10[%mul3A_68, %dma_wait3A] : memref<10000x128xf32, #tpu.memory_space<vmem_shared>> -> memref<624x128xf32, #tpu.memory_space<vmem_shared>>
          %dma_wait3A_74 = arith.constant 0 : i32
          %dma_wait3A_75 = tpu.memref_slice %arg2[%mul3A_68, %dma_wait3A_74] : memref<10000x128xf32, #tpu.memory_space<hbm>> -> memref<624x128xf32, #tpu.memory_space<hbm>>
          tpu.wait_dma2 semaphore(%run_scoped3A : memref<!tpu.dma_semaphore, #tpu.memory_space<semaphore_mem>>) src(%dma_wait3A_75 : memref<624x128xf32, #tpu.memory_space<hbm>>) dst(%dma_wait3A_73 : memref<624x128xf32, #tpu.memory_space<vmem_shared>>)
          tpu.yield
        }) : () -> ()
      } else {
      }
      %eq3A_62 = arith.constant 15 : i32
      %eq3A_63 = arith.cmpi eq, %arg1, %eq3A_62 : i32
      %convert_element_type3A_64 = arith.extui %eq3A_63 : i1 to i32
      %cond3A_65 = arith.constant 0 : i32
      %cond3A_66 = arith.cmpi ne, %convert_element_type3A_64, %cond3A_65 : i32
      scf.if %cond3A_66 {
        "tpu.region"() ({
          %run_scoped3A = tpu.sem_alloc : memref<!tpu.dma_semaphore, #tpu.memory_space<semaphore_mem>>
          %dma_start3A_67 = arith.constant 9360 : i32
          %dma_start3A_68 = arith.constant 0 : i32
          %dma_start3A_69 = tpu.memref_slice %arg10[%dma_start3A_67, %dma_start3A_68] : memref<10000x128xf32, #tpu.memory_space<vmem_shared>> -> memref<640x128xf32, #tpu.memory_space<vmem_shared>>
          %dma_start3A_70 = arith.constant 9360 : i32
          %dma_start3A_71 = arith.constant 0 : i32
          %dma_start3A_72 = tpu.memref_slice %arg2[%dma_start3A_70, %dma_start3A_71] : memref<10000x128xf32, #tpu.memory_space<hbm>> -> memref<640x128xf32, #tpu.memory_space<hbm>>
          tpu.enqueue_dma source(%dma_start3A_72 : memref<640x128xf32, #tpu.memory_space<hbm>>) target(%dma_start3A_69 : memref<640x128xf32, #tpu.memory_space<vmem_shared>>) target_semaphore(%run_scoped3A : memref<!tpu.dma_semaphore, #tpu.memory_space<semaphore_mem>>)
          %dma_wait3A = arith.constant 9360 : i32
          %dma_wait3A_73 = arith.constant 0 : i32
          %dma_wait3A_74 = tpu.memref_slice %arg10[%dma_wait3A, %dma_wait3A_73] : memref<10000x128xf32, #tpu.memory_space<vmem_shared>> -> memref<640x128xf32, #tpu.memory_space<vmem_shared>>
          %dma_wait3A_75 = arith.constant 9360 : i32
          %dma_wait3A_76 = arith.constant 0 : i32
          %dma_wait3A_77 = tpu.memref_slice %arg2[%dma_wait3A_75, %dma_wait3A_76] : memref<10000x128xf32, #tpu.memory_space<hbm>> -> memref<640x128xf32, #tpu.memory_space<hbm>>
          tpu.wait_dma2 semaphore(%run_scoped3A : memref<!tpu.dma_semaphore, #tpu.memory_space<semaphore_mem>>) src(%dma_wait3A_77 : memref<640x128xf32, #tpu.memory_space<hbm>>) dst(%dma_wait3A_74 : memref<640x128xf32, #tpu.memory_space<vmem_shared>>)
          tpu.yield
        }) : () -> ()
      } else {
      }
    } else {
    }
    %ne3A = arith.constant 0 : i32
    %ne3A_3 = arith.cmpi ne, %arg0, %ne3A : i32
    %convert_element_type3A_4 = arith.extui %ne3A_3 : i1 to i32
    %cond3A_5 = arith.constant 0 : i32
    %cond3A_6 = arith.cmpi ne, %convert_element_type3A_4, %cond3A_5 : i32
    scf.if %cond3A_6 {
      %lt3A_57 = arith.constant 15 : i32
      %lt3A_58 = arith.cmpi slt, %arg1, %lt3A_57 : i32
      %convert_element_type3A_59 = arith.extui %lt3A_58 : i1 to i32
      %cond3A_60 = arith.constant 0 : i32
      %cond3A_61 = arith.cmpi ne, %convert_element_type3A_59, %cond3A_60 : i32
      scf.if %cond3A_61 {
        %mul3A_67 = arith.constant 624 : i32
        %mul3A_68 = arith.muli %arg1, %mul3A_67 : i32
        "tpu.region"() ({
          %run_scoped3A = tpu.sem_alloc : memref<!tpu.dma_semaphore, #tpu.memory_space<semaphore_mem>>
          %dma_start3A_69 = arith.constant 0 : i32
          %dma_start3A_70 = tpu.memref_slice %arg10[%mul3A_68, %dma_start3A_69] : memref<10000x128xf32, #tpu.memory_space<vmem_shared>> -> memref<624x128xf32, #tpu.memory_space<vmem_shared>>
          %dma_start3A_71 = arith.constant 0 : i32
          %dma_start3A_72 = arith.constant 0 : i32
          %dma_start3A_73 = tpu.memref_slice %arg5[%dma_start3A_71, %dma_start3A_72] : memref<640x128xf32, #tpu.memory_space<hbm>> -> memref<624x128xf32, #tpu.memory_space<hbm>>
          tpu.enqueue_dma source(%dma_start3A_73 : memref<624x128xf32, #tpu.memory_space<hbm>>) target(%dma_start3A_70 : memref<624x128xf32, #tpu.memory_space<vmem_shared>>) target_semaphore(%run_scoped3A : memref<!tpu.dma_semaphore, #tpu.memory_space<semaphore_mem>>)
          %dma_wait3A = arith.constant 0 : i32
          %dma_wait3A_74 = tpu.memref_slice %arg10[%mul3A_68, %dma_wait3A] : memref<10000x128xf32, #tpu.memory_space<vmem_shared>> -> memref<624x128xf32, #tpu.memory_space<vmem_shared>>
          %dma_wait3A_75 = arith.constant 0 : i32
          %dma_wait3A_76 = arith.constant 0 : i32
          %dma_wait3A_77 = tpu.memref_slice %arg5[%dma_wait3A_75, %dma_wait3A_76] : memref<640x128xf32, #tpu.memory_space<hbm>> -> memref<624x128xf32, #tpu.memory_space<hbm>>
          tpu.wait_dma2 semaphore(%run_scoped3A : memref<!tpu.dma_semaphore, #tpu.memory_space<semaphore_mem>>) src(%dma_wait3A_77 : memref<624x128xf32, #tpu.memory_space<hbm>>) dst(%dma_wait3A_74 : memref<624x128xf32, #tpu.memory_space<vmem_shared>>)
          tpu.yield
        }) : () -> ()
      } else {
      }
      %eq3A_62 = arith.constant 15 : i32
      %eq3A_63 = arith.cmpi eq, %arg1, %eq3A_62 : i32
      %convert_element_type3A_64 = arith.extui %eq3A_63 : i1 to i32
      %cond3A_65 = arith.constant 0 : i32
      %cond3A_66 = arith.cmpi ne, %convert_element_type3A_64, %cond3A_65 : i32
      scf.if %cond3A_66 {
        "tpu.region"() ({
          %run_scoped3A = tpu.sem_alloc : memref<!tpu.dma_semaphore, #tpu.memory_space<semaphore_mem>>
          %dma_start3A_67 = arith.constant 9360 : i32
          %dma_start3A_68 = arith.constant 0 : i32
          %dma_start3A_69 = tpu.memref_slice %arg10[%dma_start3A_67, %dma_start3A_68] : memref<10000x128xf32, #tpu.memory_space<vmem_shared>> -> memref<640x128xf32, #tpu.memory_space<vmem_shared>>
          %dma_start3A_70 = arith.constant 0 : i32
          %dma_start3A_71 = arith.constant 0 : i32
          %dma_start3A_72 = tpu.memref_slice %arg5[%dma_start3A_70, %dma_start3A_71] : memref<640x128xf32, #tpu.memory_space<hbm>> -> memref<640x128xf32, #tpu.memory_space<hbm>>
          tpu.enqueue_dma source(%dma_start3A_72 : memref<640x128xf32, #tpu.memory_space<hbm>>) target(%dma_start3A_69 : memref<640x128xf32, #tpu.memory_space<vmem_shared>>) target_semaphore(%run_scoped3A : memref<!tpu.dma_semaphore, #tpu.memory_space<semaphore_mem>>)
          %dma_wait3A = arith.constant 9360 : i32
          %dma_wait3A_73 = arith.constant 0 : i32
          %dma_wait3A_74 = tpu.memref_slice %arg10[%dma_wait3A, %dma_wait3A_73] : memref<10000x128xf32, #tpu.memory_space<vmem_shared>> -> memref<640x128xf32, #tpu.memory_space<vmem_shared>>
          %dma_wait3A_75 = arith.constant 0 : i32
          %dma_wait3A_76 = arith.constant 0 : i32
          %dma_wait3A_77 = tpu.memref_slice %arg5[%dma_wait3A_75, %dma_wait3A_76] : memref<640x128xf32, #tpu.memory_space<hbm>> -> memref<640x128xf32, #tpu.memory_space<hbm>>
          tpu.wait_dma2 semaphore(%run_scoped3A : memref<!tpu.dma_semaphore, #tpu.memory_space<semaphore_mem>>) src(%dma_wait3A_77 : memref<640x128xf32, #tpu.memory_space<hbm>>) dst(%dma_wait3A_74 : memref<640x128xf32, #tpu.memory_space<vmem_shared>>)
          tpu.yield
        }) : () -> ()
      } else {
      }
    } else {
    }
    %barrier3A = arith.constant 0 : index
    tpu.barrier barrier_id(%barrier3A)
    %dma_start3A = arith.constant 0 : i32
    %dma_start3A_7 = arith.constant 0 : i32
    %dma_start3A_8 = arith.constant 0 : i32
    %dma_start3A_9 = arith.constant 0 : i32
    %dma_start3A_10 = tpu.memref_slice %arg7[%dma_start3A_7, %dma_start3A_8, %dma_start3A_9] : memref<2x20x125xi32, #tpu.memory_space<vmem>> -> memref<1x20x125xi32, #tpu.memory_space<vmem>>
    %dma_start3A_11 = tpu.memref_squeeze %dma_start3A_10 : memref<1x20x125xi32, #tpu.memory_space<vmem>> -> memref<20x125xi32, #tpu.memory_space<vmem>>
    %dma_start3A_12 = arith.constant 0 : i32
    %dma_start3A_13 = arith.constant 0 : i32
    %dma_start3A_14 = tpu.memref_slice %arg3[%add3A, %dma_start3A, %dma_start3A_12, %dma_start3A_13] : memref<32x4x20x125xi32, #tpu.memory_space<hbm>> -> memref<1x1x20x125xi32, #tpu.memory_space<hbm>>
    %dma_start3A_15 = tpu.memref_squeeze %dma_start3A_14 : memref<1x1x20x125xi32, #tpu.memory_space<hbm>> -> memref<20x125xi32, #tpu.memory_space<hbm>>
    %dma_start3A_16 = arith.constant 0 : i32
    %dma_start3A_17 = arith.constant 0 : i32
    %dma_start3A_18 = tpu.memref_slice %arg7[%dma_start3A_7, %dma_start3A_16, %dma_start3A_17] : memref<2x20x125xi32, #tpu.memory_space<vmem>> -> memref<1x20x125xi32, #tpu.memory_space<vmem>>
    %dma_start3A_19 = tpu.memref_squeeze %dma_start3A_18 : memref<1x20x125xi32, #tpu.memory_space<vmem>> -> memref<20x125xi32, #tpu.memory_space<vmem>>
    %dma_start3A_20 = arith.constant 0 : i32
    %dma_start3A_21 = arith.constant 0 : i32
    %dma_start3A_22 = tpu.memref_slice %arg3[%add3A, %dma_start3A, %dma_start3A_20, %dma_start3A_21] : memref<32x4x20x125xi32, #tpu.memory_space<hbm>> -> memref<1x1x20x125xi32, #tpu.memory_space<hbm>>
    %dma_start3A_23 = tpu.memref_squeeze %dma_start3A_22 : memref<1x1x20x125xi32, #tpu.memory_space<hbm>> -> memref<20x125xi32, #tpu.memory_space<hbm>>
    tpu.enqueue_dma source(%dma_start3A_23 : memref<20x125xi32, #tpu.memory_space<hbm>>) target(%dma_start3A_19 : memref<20x125xi32, #tpu.memory_space<vmem>>) target_semaphore(%arg13 : memref<!tpu.dma_semaphore, #tpu.memory_space<semaphore_mem>>)
    %dma_start3A_24 = arith.constant 0 : i32
    %dma_start3A_25 = arith.constant 0 : i32
    %dma_start3A_26 = arith.constant 0 : i32
    %dma_start3A_27 = arith.constant 0 : i32
    %dma_start3A_28 = tpu.memref_slice %arg8[%dma_start3A_25, %dma_start3A_26, %dma_start3A_27] : memref<2x20x125xi32, #tpu.memory_space<vmem>> -> memref<1x20x125xi32, #tpu.memory_space<vmem>>
    %dma_start3A_29 = tpu.memref_squeeze %dma_start3A_28 : memref<1x20x125xi32, #tpu.memory_space<vmem>> -> memref<20x125xi32, #tpu.memory_space<vmem>>
    %dma_start3A_30 = arith.constant 0 : i32
    %dma_start3A_31 = arith.constant 0 : i32
    %dma_start3A_32 = tpu.memref_slice %arg4[%add3A, %dma_start3A_24, %dma_start3A_30, %dma_start3A_31] : memref<32x4x20x125xi32, #tpu.memory_space<hbm>> -> memref<1x1x20x125xi32, #tpu.memory_space<hbm>>
    %dma_start3A_33 = tpu.memref_squeeze %dma_start3A_32 : memref<1x1x20x125xi32, #tpu.memory_space<hbm>> -> memref<20x125xi32, #tpu.memory_space<hbm>>
    %dma_start3A_34 = arith.constant 0 : i32
    %dma_start3A_35 = arith.constant 0 : i32
    %dma_start3A_36 = tpu.memref_slice %arg8[%dma_start3A_25, %dma_start3A_34, %dma_start3A_35] : memref<2x20x125xi32, #tpu.memory_space<vmem>> -> memref<1x20x125xi32, #tpu.memory_space<vmem>>
    %dma_start3A_37 = tpu.memref_squeeze %dma_start3A_36 : memref<1x20x125xi32, #tpu.memory_space<vmem>> -> memref<20x125xi32, #tpu.memory_space<vmem>>
    %dma_start3A_38 = arith.constant 0 : i32
    %dma_start3A_39 = arith.constant 0 : i32
    %dma_start3A_40 = tpu.memref_slice %arg4[%add3A, %dma_start3A_24, %dma_start3A_38, %dma_start3A_39] : memref<32x4x20x125xi32, #tpu.memory_space<hbm>> -> memref<1x1x20x125xi32, #tpu.memory_space<hbm>>
    %dma_start3A_41 = tpu.memref_squeeze %dma_start3A_40 : memref<1x1x20x125xi32, #tpu.memory_space<hbm>> -> memref<20x125xi32, #tpu.memory_space<hbm>>
    tpu.enqueue_dma source(%dma_start3A_41 : memref<20x125xi32, #tpu.memory_space<hbm>>) target(%dma_start3A_37 : memref<20x125xi32, #tpu.memory_space<vmem>>) target_semaphore(%arg13 : memref<!tpu.dma_semaphore, #tpu.memory_space<semaphore_mem>>)
    %scan3A = arith.constant 0 : i32
    %scan3A_42 = arith.constant 0 : i32
    %scan3A_43 = arith.constant 2 : i32
    %scan3A_44 = arith.addi %scan3A_42, %scan3A_43 : i32
    %scan3A_45 = arith.constant 1 : i32
    scf.for %scan3A_57 = %scan3A_42 to %scan3A_44 step %scan3A_45  : i32 {
      %mul3A_58 = arith.constant 2 : i32
      %mul3A_59 = arith.muli %mul3A_58, %scan3A_57 : i32
      %add3A_60 = arith.constant 0 : i32
      %add3A_61 = arith.addi %mul3A_59, %add3A_60 : i32
      %dma_wait3A = arith.constant 0 : i32
      %dma_wait3A_62 = arith.constant 0 : i32
      %dma_wait3A_63 = arith.constant 0 : i32
      %dma_wait3A_64 = tpu.memref_slice %arg7[%dma_wait3A, %dma_wait3A_62, %dma_wait3A_63] : memref<2x20x125xi32, #tpu.memory_space<vmem>> -> memref<1x20x125xi32, #tpu.memory_space<vmem>>
      %dma_wait3A_65 = tpu.memref_squeeze %dma_wait3A_64 : memref<1x20x125xi32, #tpu.memory_space<vmem>> -> memref<20x125xi32, #tpu.memory_space<vmem>>
      %dma_wait3A_66 = arith.constant 0 : i32
      %dma_wait3A_67 = arith.constant 0 : i32
      %dma_wait3A_68 = tpu.memref_slice %arg3[%add3A, %add3A_61, %dma_wait3A_66, %dma_wait3A_67] : memref<32x4x20x125xi32, #tpu.memory_space<hbm>> -> memref<1x1x20x125xi32, #tpu.memory_space<hbm>>
      %dma_wait3A_69 = tpu.memref_squeeze %dma_wait3A_68 : memref<1x1x20x125xi32, #tpu.memory_space<hbm>> -> memref<20x125xi32, #tpu.memory_space<hbm>>
      %dma_wait3A_70 = arith.constant 0 : i32
      %dma_wait3A_71 = arith.constant 0 : i32
      %dma_wait3A_72 = tpu.memref_slice %arg7[%dma_wait3A, %dma_wait3A_70, %dma_wait3A_71] : memref<2x20x125xi32, #tpu.memory_space<vmem>> -> memref<1x20x125xi32, #tpu.memory_space<vmem>>
      %dma_wait3A_73 = tpu.memref_squeeze %dma_wait3A_72 : memref<1x20x125xi32, #tpu.memory_space<vmem>> -> memref<20x125xi32, #tpu.memory_space<vmem>>
      %dma_wait3A_74 = arith.constant 0 : i32
      %dma_wait3A_75 = arith.constant 0 : i32
      %dma_wait3A_76 = tpu.memref_slice %arg3[%add3A, %add3A_61, %dma_wait3A_74, %dma_wait3A_75] : memref<32x4x20x125xi32, #tpu.memory_space<hbm>> -> memref<1x1x20x125xi32, #tpu.memory_space<hbm>>
      %dma_wait3A_77 = tpu.memref_squeeze %dma_wait3A_76 : memref<1x1x20x125xi32, #tpu.memory_space<hbm>> -> memref<20x125xi32, #tpu.memory_space<hbm>>
      tpu.wait_dma2 semaphore(%arg13 : memref<!tpu.dma_semaphore, #tpu.memory_space<semaphore_mem>>) src(%dma_wait3A_77 : memref<20x125xi32, #tpu.memory_space<hbm>>) dst(%dma_wait3A_73 : memref<20x125xi32, #tpu.memory_space<vmem>>)
      %dma_wait3A_78 = arith.constant 0 : i32
      %dma_wait3A_79 = arith.constant 0 : i32
      %dma_wait3A_80 = arith.constant 0 : i32
      %dma_wait3A_81 = tpu.memref_slice %arg8[%dma_wait3A_78, %dma_wait3A_79, %dma_wait3A_80] : memref<2x20x125xi32, #tpu.memory_space<vmem>> -> memref<1x20x125xi32, #tpu.memory_space<vmem>>
      %dma_wait3A_82 = tpu.memref_squeeze %dma_wait3A_81 : memref<1x20x125xi32, #tpu.memory_space<vmem>> -> memref<20x125xi32, #tpu.memory_space<vmem>>
      %dma_wait3A_83 = arith.constant 0 : i32
      %dma_wait3A_84 = arith.constant 0 : i32
      %dma_wait3A_85 = tpu.memref_slice %arg4[%add3A, %add3A_61, %dma_wait3A_83, %dma_wait3A_84] : memref<32x4x20x125xi32, #tpu.memory_space<hbm>> -> memref<1x1x20x125xi32, #tpu.memory_space<hbm>>
      %dma_wait3A_86 = tpu.memref_squeeze %dma_wait3A_85 : memref<1x1x20x125xi32, #tpu.memory_space<hbm>> -> memref<20x125xi32, #tpu.memory_space<hbm>>
      %dma_wait3A_87 = arith.constant 0 : i32
      %dma_wait3A_88 = arith.constant 0 : i32
      %dma_wait3A_89 = tpu.memref_slice %arg8[%dma_wait3A_78, %dma_wait3A_87, %dma_wait3A_88] : memref<2x20x125xi32, #tpu.memory_space<vmem>> -> memref<1x20x125xi32, #tpu.memory_space<vmem>>
      %dma_wait3A_90 = tpu.memref_squeeze %dma_wait3A_89 : memref<1x20x125xi32, #tpu.memory_space<vmem>> -> memref<20x125xi32, #tpu.memory_space<vmem>>
      %dma_wait3A_91 = arith.constant 0 : i32
      %dma_wait3A_92 = arith.constant 0 : i32
      %dma_wait3A_93 = tpu.memref_slice %arg4[%add3A, %add3A_61, %dma_wait3A_91, %dma_wait3A_92] : memref<32x4x20x125xi32, #tpu.memory_space<hbm>> -> memref<1x1x20x125xi32, #tpu.memory_space<hbm>>
      %dma_wait3A_94 = tpu.memref_squeeze %dma_wait3A_93 : memref<1x1x20x125xi32, #tpu.memory_space<hbm>> -> memref<20x125xi32, #tpu.memory_space<hbm>>
      tpu.wait_dma2 semaphore(%arg13 : memref<!tpu.dma_semaphore, #tpu.memory_space<semaphore_mem>>) src(%dma_wait3A_94 : memref<20x125xi32, #tpu.memory_space<hbm>>) dst(%dma_wait3A_90 : memref<20x125xi32, #tpu.memory_space<vmem>>)
      %add3A_95 = arith.constant 1 : i32
      %add3A_96 = arith.addi %add3A_61, %add3A_95 : i32
      %lt3A_97 = arith.constant 4 : i32
      %lt3A_98 = arith.cmpi slt, %add3A_96, %lt3A_97 : i32
      %convert_element_type3A_99 = arith.extui %lt3A_98 : i1 to i32
      %cond3A_100 = arith.constant 0 : i32
      %cond3A_101 = arith.cmpi ne, %convert_element_type3A_99, %cond3A_100 : i32
      scf.if %cond3A_101 {
        %add3A_197 = arith.constant 1 : i32
        %add3A_198 = arith.addi %add3A_61, %add3A_197 : i32
        %dma_start3A_199 = arith.constant 1 : i32
        %dma_start3A_200 = arith.constant 0 : i32
        %dma_start3A_201 = arith.constant 0 : i32
        %dma_start3A_202 = tpu.memref_slice %arg7[%dma_start3A_199, %dma_start3A_200, %dma_start3A_201] : memref<2x20x125xi32, #tpu.memory_space<vmem>> -> memref<1x20x125xi32, #tpu.memory_space<vmem>>
        %dma_start3A_203 = tpu.memref_squeeze %dma_start3A_202 : memref<1x20x125xi32, #tpu.memory_space<vmem>> -> memref<20x125xi32, #tpu.memory_space<vmem>>
        %dma_start3A_204 = arith.constant 0 : i32
        %dma_start3A_205 = arith.constant 0 : i32
        %dma_start3A_206 = tpu.memref_slice %arg3[%add3A, %add3A_198, %dma_start3A_204, %dma_start3A_205] : memref<32x4x20x125xi32, #tpu.memory_space<hbm>> -> memref<1x1x20x125xi32, #tpu.memory_space<hbm>>
        %dma_start3A_207 = tpu.memref_squeeze %dma_start3A_206 : memref<1x1x20x125xi32, #tpu.memory_space<hbm>> -> memref<20x125xi32, #tpu.memory_space<hbm>>
        %dma_start3A_208 = arith.constant 0 : i32
        %dma_start3A_209 = arith.constant 0 : i32
        %dma_start3A_210 = tpu.memref_slice %arg7[%dma_start3A_199, %dma_start3A_208, %dma_start3A_209] : memref<2x20x125xi32, #tpu.memory_space<vmem>> -> memref<1x20x125xi32, #tpu.memory_space<vmem>>
        %dma_start3A_211 = tpu.memref_squeeze %dma_start3A_210 : memref<1x20x125xi32, #tpu.memory_space<vmem>> -> memref<20x125xi32, #tpu.memory_space<vmem>>
        %dma_start3A_212 = arith.constant 0 : i32
        %dma_start3A_213 = arith.constant 0 : i32
        %dma_start3A_214 = tpu.memref_slice %arg3[%add3A, %add3A_198, %dma_start3A_212, %dma_start3A_213] : memref<32x4x20x125xi32, #tpu.memory_space<hbm>> -> memref<1x1x20x125xi32, #tpu.memory_space<hbm>>
        %dma_start3A_215 = tpu.memref_squeeze %dma_start3A_214 : memref<1x1x20x125xi32, #tpu.memory_space<hbm>> -> memref<20x125xi32, #tpu.memory_space<hbm>>
        tpu.enqueue_dma source(%dma_start3A_215 : memref<20x125xi32, #tpu.memory_space<hbm>>) target(%dma_start3A_211 : memref<20x125xi32, #tpu.memory_space<vmem>>) target_semaphore(%arg14 : memref<!tpu.dma_semaphore, #tpu.memory_space<semaphore_mem>>)
        %dma_start3A_216 = arith.constant 1 : i32
        %dma_start3A_217 = arith.constant 0 : i32
        %dma_start3A_218 = arith.constant 0 : i32
        %dma_start3A_219 = tpu.memref_slice %arg8[%dma_start3A_216, %dma_start3A_217, %dma_start3A_218] : memref<2x20x125xi32, #tpu.memory_space<vmem>> -> memref<1x20x125xi32, #tpu.memory_space<vmem>>
        %dma_start3A_220 = tpu.memref_squeeze %dma_start3A_219 : memref<1x20x125xi32, #tpu.memory_space<vmem>> -> memref<20x125xi32, #tpu.memory_space<vmem>>
        %dma_start3A_221 = arith.constant 0 : i32
        %dma_start3A_222 = arith.constant 0 : i32
        %dma_start3A_223 = tpu.memref_slice %arg4[%add3A, %add3A_198, %dma_start3A_221, %dma_start3A_222] : memref<32x4x20x125xi32, #tpu.memory_space<hbm>> -> memref<1x1x20x125xi32, #tpu.memory_space<hbm>>
        %dma_start3A_224 = tpu.memref_squeeze %dma_start3A_223 : memref<1x1x20x125xi32, #tpu.memory_space<hbm>> -> memref<20x125xi32, #tpu.memory_space<hbm>>
        %dma_start3A_225 = arith.constant 0 : i32
        %dma_start3A_226 = arith.constant 0 : i32
        %dma_start3A_227 = tpu.memref_slice %arg8[%dma_start3A_216, %dma_start3A_225, %dma_start3A_226] : memref<2x20x125xi32, #tpu.memory_space<vmem>> -> memref<1x20x125xi32, #tpu.memory_space<vmem>>
        %dma_start3A_228 = tpu.memref_squeeze %dma_start3A_227 : memref<1x20x125xi32, #tpu.memory_space<vmem>> -> memref<20x125xi32, #tpu.memory_space<vmem>>
        %dma_start3A_229 = arith.constant 0 : i32
        %dma_start3A_230 = arith.constant 0 : i32
        %dma_start3A_231 = tpu.memref_slice %arg4[%add3A, %add3A_198, %dma_start3A_229, %dma_start3A_230] : memref<32x4x20x125xi32, #tpu.memory_space<hbm>> -> memref<1x1x20x125xi32, #tpu.memory_space<hbm>>
        %dma_start3A_232 = tpu.memref_squeeze %dma_start3A_231 : memref<1x1x20x125xi32, #tpu.memory_space<hbm>> -> memref<20x125xi32, #tpu.memory_space<hbm>>
        tpu.enqueue_dma source(%dma_start3A_232 : memref<20x125xi32, #tpu.memory_space<hbm>>) target(%dma_start3A_228 : memref<20x125xi32, #tpu.memory_space<vmem>>) target_semaphore(%arg14 : memref<!tpu.dma_semaphore, #tpu.memory_space<semaphore_mem>>)
      } else {
      }
      %dma_start3A_102 = arith.constant 0 : i32
      %dma_start3A_103 = arith.constant 0 : i32
      %dma_start3A_104 = arith.constant 0 : i32
      %dma_start3A_105 = arith.constant 0 : i32
      %dma_start3A_106 = arith.constant 0 : i32
      %dma_start3A_107 = tpu.memref_slice %arg9[%dma_start3A_104, %dma_start3A_105, %dma_start3A_106] : memref<2x125x128xf32, #tpu.memory_space<vmem>> -> memref<1x125x128xf32, #tpu.memory_space<vmem>>
      %dma_start3A_108 = tpu.memref_squeeze %dma_start3A_107 : memref<1x125x128xf32, #tpu.memory_space<vmem>> -> memref<125x128xf32, #tpu.memory_space<vmem>>
      %dma_start3A_109 = arith.constant 0 : i32
      %dma_start3A_110 = arith.constant 0 : i32
      %dma_start3A_111 = tpu.memref_slice %arg7[%dma_start3A_102, %dma_start3A_109, %dma_start3A_110] : memref<2x20x125xi32, #tpu.memory_space<vmem>> -> memref<1x20x125xi32, #tpu.memory_space<vmem>>
      %dma_start3A_112 = tpu.memref_squeeze %dma_start3A_111 : memref<1x20x125xi32, #tpu.memory_space<vmem>> -> memref<20x125xi32, #tpu.memory_space<vmem>>
      %dma_start3A_113 = arith.constant 0 : i32
      %dma_start3A_114 = tpu.memref_slice %dma_start3A_112[%dma_start3A_103, %dma_start3A_113] : memref<20x125xi32, #tpu.memory_space<vmem>> -> memref<1x125xi32, #tpu.memory_space<vmem>>
      %dma_start3A_115 = tpu.memref_squeeze %dma_start3A_114 : memref<1x125xi32, #tpu.memory_space<vmem>> -> memref<125xi32, #tpu.memory_space<vmem>>
      %dma_start3A_116 = arith.constant 0 : i32
      %dma_start3A_117 = arith.constant 0 : i32
      %dma_start3A_118 = tpu.memref_slice %arg2[%dma_start3A_116, %dma_start3A_117] : memref<10000x128xf32, #tpu.memory_space<hbm>> -> memref<10000x128xf32, #tpu.memory_space<hbm>>
      tpu.enqueue_indirect_dma source(%dma_start3A_118 : memref<10000x128xf32, #tpu.memory_space<hbm>>) target(%dma_start3A_108 : memref<125x128xf32, #tpu.memory_space<vmem>>) offsets(%dma_start3A_115 : memref<125xi32, #tpu.memory_space<vmem>>) semaphore(%arg11 : memref<!tpu.dma_semaphore, #tpu.memory_space<semaphore_mem>>)
      %scan3A_119 = arith.constant 0 : i32
      %scan3A_120 = arith.constant 0 : i32
      %scan3A_121 = arith.constant 0 : i32
      %scan3A_122 = arith.constant 0 : i32
      %scan3A_123 = arith.constant 10 : i32
      %scan3A_124 = arith.addi %scan3A_122, %scan3A_123 : i32
      %scan3A_125 = arith.constant 1 : i32
      scf.for %scan3A_197 = %scan3A_122 to %scan3A_124 step %scan3A_125  : i32 {
        %mul3A_198 = arith.constant 2 : i32
        %mul3A_199 = arith.muli %mul3A_198, %scan3A_197 : i32
        %add3A_200 = arith.constant 1 : i32
        %add3A_201 = arith.addi %mul3A_199, %add3A_200 : i32
        %dma_wait3A_202 = arith.constant 0 : i32
        %dma_wait3A_203 = arith.constant 0 : i32
        %dma_wait3A_204 = arith.constant 0 : i32
        %dma_wait3A_205 = tpu.memref_slice %arg9[%dma_wait3A_202, %dma_wait3A_203, %dma_wait3A_204] : memref<2x125x128xf32, #tpu.memory_space<vmem>> -> memref<1x125x128xf32, #tpu.memory_space<vmem>>
        %dma_wait3A_206 = tpu.memref_squeeze %dma_wait3A_205 : memref<1x125x128xf32, #tpu.memory_space<vmem>> -> memref<125x128xf32, #tpu.memory_space<vmem>>
        %dma_wait3A_207 = arith.constant 0 : i32
        %dma_wait3A_208 = arith.constant 0 : i32
        %dma_wait3A_209 = tpu.memref_slice %arg7[%scan3A_120, %dma_wait3A_207, %dma_wait3A_208] : memref<2x20x125xi32, #tpu.memory_space<vmem>> -> memref<1x20x125xi32, #tpu.memory_space<vmem>>
        %dma_wait3A_210 = tpu.memref_squeeze %dma_wait3A_209 : memref<1x20x125xi32, #tpu.memory_space<vmem>> -> memref<20x125xi32, #tpu.memory_space<vmem>>
        %dma_wait3A_211 = arith.constant 0 : i32
        %dma_wait3A_212 = tpu.memref_slice %dma_wait3A_210[%mul3A_199, %dma_wait3A_211] : memref<20x125xi32, #tpu.memory_space<vmem>> -> memref<1x125xi32, #tpu.memory_space<vmem>>
        %dma_wait3A_213 = tpu.memref_squeeze %dma_wait3A_212 : memref<1x125xi32, #tpu.memory_space<vmem>> -> memref<125xi32, #tpu.memory_space<vmem>>
        %dma_wait3A_214 = arith.constant 0 : i32
        %dma_wait3A_215 = arith.constant 0 : i32
        %dma_wait3A_216 = tpu.memref_slice %arg2[%dma_wait3A_214, %dma_wait3A_215] : memref<10000x128xf32, #tpu.memory_space<hbm>> -> memref<10000x128xf32, #tpu.memory_space<hbm>>
        tpu.wait_indirect_dma semaphore(%arg11 : memref<!tpu.dma_semaphore, #tpu.memory_space<semaphore_mem>>) src(%dma_wait3A_216 : memref<10000x128xf32, #tpu.memory_space<hbm>>) dst(%dma_wait3A_206 : memref<125x128xf32, #tpu.memory_space<vmem>>)
        %dma_start3A_217 = arith.constant 1 : i32
        %dma_start3A_218 = arith.constant 0 : i32
        %dma_start3A_219 = arith.constant 0 : i32
        %dma_start3A_220 = tpu.memref_slice %arg9[%dma_start3A_217, %dma_start3A_218, %dma_start3A_219] : memref<2x125x128xf32, #tpu.memory_space<vmem>> -> memref<1x125x128xf32, #tpu.memory_space<vmem>>
        %dma_start3A_221 = tpu.memref_squeeze %dma_start3A_220 : memref<1x125x128xf32, #tpu.memory_space<vmem>> -> memref<125x128xf32, #tpu.memory_space<vmem>>
        %dma_start3A_222 = arith.constant 0 : i32
        %dma_start3A_223 = arith.constant 0 : i32
        %dma_start3A_224 = tpu.memref_slice %arg7[%scan3A_120, %dma_start3A_222, %dma_start3A_223] : memref<2x20x125xi32, #tpu.memory_space<vmem>> -> memref<1x20x125xi32, #tpu.memory_space<vmem>>
        %dma_start3A_225 = tpu.memref_squeeze %dma_start3A_224 : memref<1x20x125xi32, #tpu.memory_space<vmem>> -> memref<20x125xi32, #tpu.memory_space<vmem>>
        %dma_start3A_226 = arith.constant 0 : i32
        %dma_start3A_227 = tpu.memref_slice %dma_start3A_225[%add3A_201, %dma_start3A_226] : memref<20x125xi32, #tpu.memory_space<vmem>> -> memref<1x125xi32, #tpu.memory_space<vmem>>
        %dma_start3A_228 = tpu.memref_squeeze %dma_start3A_227 : memref<1x125xi32, #tpu.memory_space<vmem>> -> memref<125xi32, #tpu.memory_space<vmem>>
        %dma_start3A_229 = arith.constant 0 : i32
        %dma_start3A_230 = arith.constant 0 : i32
        %dma_start3A_231 = tpu.memref_slice %arg2[%dma_start3A_229, %dma_start3A_230] : memref<10000x128xf32, #tpu.memory_space<hbm>> -> memref<10000x128xf32, #tpu.memory_space<hbm>>
        tpu.enqueue_indirect_dma source(%dma_start3A_231 : memref<10000x128xf32, #tpu.memory_space<hbm>>) target(%dma_start3A_221 : memref<125x128xf32, #tpu.memory_space<vmem>>) offsets(%dma_start3A_228 : memref<125xi32, #tpu.memory_space<vmem>>) semaphore(%arg12 : memref<!tpu.dma_semaphore, #tpu.memory_space<semaphore_mem>>)
        %run_scoped3A = arith.constant 0 : i32
        "tpu.region"() ({
          %run_scoped3A_255 = tpu.sem_alloc : memref<!tpu.dma_semaphore, #tpu.memory_space<semaphore_mem>>
          %dma_start3A_256 = arith.constant 0 : i32
          %dma_start3A_257 = arith.constant 0 : i32
          %dma_start3A_258 = tpu.memref_slice %arg9[%run_scoped3A, %dma_start3A_256, %dma_start3A_257] : memref<2x125x128xf32, #tpu.memory_space<vmem>> -> memref<1x125x128xf32, #tpu.memory_space<vmem>>
          %dma_start3A_259 = tpu.memref_squeeze %dma_start3A_258 : memref<1x125x128xf32, #tpu.memory_space<vmem>> -> memref<125x128xf32, #tpu.memory_space<vmem>>
          %dma_start3A_260 = arith.constant 0 : i32
          %dma_start3A_261 = arith.constant 0 : i32
          %dma_start3A_262 = tpu.memref_slice %arg8[%scan3A_121, %dma_start3A_260, %dma_start3A_261] : memref<2x20x125xi32, #tpu.memory_space<vmem>> -> memref<1x20x125xi32, #tpu.memory_space<vmem>>
          %dma_start3A_263 = tpu.memref_squeeze %dma_start3A_262 : memref<1x20x125xi32, #tpu.memory_space<vmem>> -> memref<20x125xi32, #tpu.memory_space<vmem>>
          %dma_start3A_264 = arith.constant 0 : i32
          %dma_start3A_265 = tpu.memref_slice %dma_start3A_263[%mul3A_199, %dma_start3A_264] : memref<20x125xi32, #tpu.memory_space<vmem>> -> memref<1x125xi32, #tpu.memory_space<vmem>>
          %dma_start3A_266 = tpu.memref_squeeze %dma_start3A_265 : memref<1x125xi32, #tpu.memory_space<vmem>> -> memref<125xi32, #tpu.memory_space<vmem>>
          %dma_start3A_267 = arith.constant 0 : i32
          %dma_start3A_268 = arith.constant 0 : i32
          %dma_start3A_269 = tpu.memref_slice %arg10[%dma_start3A_267, %dma_start3A_268] : memref<10000x128xf32, #tpu.memory_space<vmem_shared>> -> memref<10000x128xf32, #tpu.memory_space<vmem_shared>>
          tpu.enqueue_indirect_dma source(%dma_start3A_259 : memref<125x128xf32, #tpu.memory_space<vmem>>) target(%dma_start3A_269 : memref<10000x128xf32, #tpu.memory_space<vmem_shared>>) offsets(%dma_start3A_266 : memref<125xi32, #tpu.memory_space<vmem>>) semaphore(%run_scoped3A_255 : memref<!tpu.dma_semaphore, #tpu.memory_space<semaphore_mem>>) {add = true}
          %dma_wait3A_270 = arith.constant 0 : i32
          %dma_wait3A_271 = arith.constant 0 : i32
          %dma_wait3A_272 = tpu.memref_slice %arg9[%run_scoped3A, %dma_wait3A_270, %dma_wait3A_271] : memref<2x125x128xf32, #tpu.memory_space<vmem>> -> memref<1x125x128xf32, #tpu.memory_space<vmem>>
          %dma_wait3A_273 = tpu.memref_squeeze %dma_wait3A_272 : memref<1x125x128xf32, #tpu.memory_space<vmem>> -> memref<125x128xf32, #tpu.memory_space<vmem>>
          %dma_wait3A_274 = arith.constant 0 : i32
          %dma_wait3A_275 = arith.constant 0 : i32
          %dma_wait3A_276 = tpu.memref_slice %arg8[%scan3A_121, %dma_wait3A_274, %dma_wait3A_275] : memref<2x20x125xi32, #tpu.memory_space<vmem>> -> memref<1x20x125xi32, #tpu.memory_space<vmem>>
          %dma_wait3A_277 = tpu.memref_squeeze %dma_wait3A_276 : memref<1x20x125xi32, #tpu.memory_space<vmem>> -> memref<20x125xi32, #tpu.memory_space<vmem>>
          %dma_wait3A_278 = arith.constant 0 : i32
          %dma_wait3A_279 = tpu.memref_slice %dma_wait3A_277[%mul3A_199, %dma_wait3A_278] : memref<20x125xi32, #tpu.memory_space<vmem>> -> memref<1x125xi32, #tpu.memory_space<vmem>>
          %dma_wait3A_280 = tpu.memref_squeeze %dma_wait3A_279 : memref<1x125xi32, #tpu.memory_space<vmem>> -> memref<125xi32, #tpu.memory_space<vmem>>
          %dma_wait3A_281 = arith.constant 0 : i32
          %dma_wait3A_282 = arith.constant 0 : i32
          %dma_wait3A_283 = tpu.memref_slice %arg10[%dma_wait3A_281, %dma_wait3A_282] : memref<10000x128xf32, #tpu.memory_space<vmem_shared>> -> memref<10000x128xf32, #tpu.memory_space<vmem_shared>>
          tpu.wait_indirect_dma semaphore(%run_scoped3A_255 : memref<!tpu.dma_semaphore, #tpu.memory_space<semaphore_mem>>) src(%dma_wait3A_273 : memref<125x128xf32, #tpu.memory_space<vmem>>) dst(%dma_wait3A_283 : memref<10000x128xf32, #tpu.memory_space<vmem_shared>>)
          tpu.yield
        }) : () -> ()
        %dma_wait3A_232 = arith.constant 1 : i32
        %dma_wait3A_233 = arith.constant 0 : i32
        %dma_wait3A_234 = arith.constant 0 : i32
        %dma_wait3A_235 = tpu.memref_slice %arg9[%dma_wait3A_232, %dma_wait3A_233, %dma_wait3A_234] : memref<2x125x128xf32, #tpu.memory_space<vmem>> -> memref<1x125x128xf32, #tpu.memory_space<vmem>>
        %dma_wait3A_236 = tpu.memref_squeeze %dma_wait3A_235 : memref<1x125x128xf32, #tpu.memory_space<vmem>> -> memref<125x128xf32, #tpu.memory_space<vmem>>
        %dma_wait3A_237 = arith.constant 0 : i32
        %dma_wait3A_238 = arith.constant 0 : i32
        %dma_wait3A_239 = tpu.memref_slice %arg7[%scan3A_120, %dma_wait3A_237, %dma_wait3A_238] : memref<2x20x125xi32, #tpu.memory_space<vmem>> -> memref<1x20x125xi32, #tpu.memory_space<vmem>>
        %dma_wait3A_240 = tpu.memref_squeeze %dma_wait3A_239 : memref<1x20x125xi32, #tpu.memory_space<vmem>> -> memref<20x125xi32, #tpu.memory_space<vmem>>
        %dma_wait3A_241 = arith.constant 0 : i32
        %dma_wait3A_242 = tpu.memref_slice %dma_wait3A_240[%add3A_201, %dma_wait3A_241] : memref<20x125xi32, #tpu.memory_space<vmem>> -> memref<1x125xi32, #tpu.memory_space<vmem>>
        %dma_wait3A_243 = tpu.memref_squeeze %dma_wait3A_242 : memref<1x125xi32, #tpu.memory_space<vmem>> -> memref<125xi32, #tpu.memory_space<vmem>>
        %dma_wait3A_244 = arith.constant 0 : i32
        %dma_wait3A_245 = arith.constant 0 : i32
        %dma_wait3A_246 = tpu.memref_slice %arg2[%dma_wait3A_244, %dma_wait3A_245] : memref<10000x128xf32, #tpu.memory_space<hbm>> -> memref<10000x128xf32, #tpu.memory_space<hbm>>
        tpu.wait_indirect_dma semaphore(%arg12 : memref<!tpu.dma_semaphore, #tpu.memory_space<semaphore_mem>>) src(%dma_wait3A_246 : memref<10000x128xf32, #tpu.memory_space<hbm>>) dst(%dma_wait3A_236 : memref<125x128xf32, #tpu.memory_space<vmem>>)
        %add3A_247 = arith.constant 1 : i32
        %add3A_248 = arith.addi %scan3A_197, %add3A_247 : i32
        %lt3A_249 = arith.constant 10 : i32
        %lt3A_250 = arith.cmpi slt, %add3A_248, %lt3A_249 : i32
        %convert_element_type3A_251 = arith.extui %lt3A_250 : i1 to i32
        %cond3A_252 = arith.constant 0 : i32
        %cond3A_253 = arith.cmpi ne, %convert_element_type3A_251, %cond3A_252 : i32
        scf.if %cond3A_253 {
          %add3A_255 = arith.constant 2 : i32
          %add3A_256 = arith.addi %mul3A_199, %add3A_255 : i32
          %dma_start3A_257 = arith.constant 0 : i32
          %dma_start3A_258 = arith.constant 0 : i32
          %dma_start3A_259 = arith.constant 0 : i32
          %dma_start3A_260 = tpu.memref_slice %arg9[%dma_start3A_257, %dma_start3A_258, %dma_start3A_259] : memref<2x125x128xf32, #tpu.memory_space<vmem>> -> memref<1x125x128xf32, #tpu.memory_space<vmem>>
          %dma_start3A_261 = tpu.memref_squeeze %dma_start3A_260 : memref<1x125x128xf32, #tpu.memory_space<vmem>> -> memref<125x128xf32, #tpu.memory_space<vmem>>
          %dma_start3A_262 = arith.constant 0 : i32
          %dma_start3A_263 = arith.constant 0 : i32
          %dma_start3A_264 = tpu.memref_slice %arg7[%scan3A_120, %dma_start3A_262, %dma_start3A_263] : memref<2x20x125xi32, #tpu.memory_space<vmem>> -> memref<1x20x125xi32, #tpu.memory_space<vmem>>
          %dma_start3A_265 = tpu.memref_squeeze %dma_start3A_264 : memref<1x20x125xi32, #tpu.memory_space<vmem>> -> memref<20x125xi32, #tpu.memory_space<vmem>>
          %dma_start3A_266 = arith.constant 0 : i32
          %dma_start3A_267 = tpu.memref_slice %dma_start3A_265[%add3A_256, %dma_start3A_266] : memref<20x125xi32, #tpu.memory_space<vmem>> -> memref<1x125xi32, #tpu.memory_space<vmem>>
          %dma_start3A_268 = tpu.memref_squeeze %dma_start3A_267 : memref<1x125xi32, #tpu.memory_space<vmem>> -> memref<125xi32, #tpu.memory_space<vmem>>
          %dma_start3A_269 = arith.constant 0 : i32
          %dma_start3A_270 = arith.constant 0 : i32
          %dma_start3A_271 = tpu.memref_slice %arg2[%dma_start3A_269, %dma_start3A_270] : memref<10000x128xf32, #tpu.memory_space<hbm>> -> memref<10000x128xf32, #tpu.memory_space<hbm>>
          tpu.enqueue_indirect_dma source(%dma_start3A_271 : memref<10000x128xf32, #tpu.memory_space<hbm>>) target(%dma_start3A_261 : memref<125x128xf32, #tpu.memory_space<vmem>>) offsets(%dma_start3A_268 : memref<125xi32, #tpu.memory_space<vmem>>) semaphore(%arg11 : memref<!tpu.dma_semaphore, #tpu.memory_space<semaphore_mem>>)
        } else {
        }
        %run_scoped3A_254 = arith.constant 1 : i32
        "tpu.region"() ({
          %run_scoped3A_255 = tpu.sem_alloc : memref<!tpu.dma_semaphore, #tpu.memory_space<semaphore_mem>>
          %dma_start3A_256 = arith.constant 0 : i32
          %dma_start3A_257 = arith.constant 0 : i32
          %dma_start3A_258 = tpu.memref_slice %arg9[%run_scoped3A_254, %dma_start3A_256, %dma_start3A_257] : memref<2x125x128xf32, #tpu.memory_space<vmem>> -> memref<1x125x128xf32, #tpu.memory_space<vmem>>
          %dma_start3A_259 = tpu.memref_squeeze %dma_start3A_258 : memref<1x125x128xf32, #tpu.memory_space<vmem>> -> memref<125x128xf32, #tpu.memory_space<vmem>>
          %dma_start3A_260 = arith.constant 0 : i32
          %dma_start3A_261 = arith.constant 0 : i32
          %dma_start3A_262 = tpu.memref_slice %arg8[%scan3A_121, %dma_start3A_260, %dma_start3A_261] : memref<2x20x125xi32, #tpu.memory_space<vmem>> -> memref<1x20x125xi32, #tpu.memory_space<vmem>>
          %dma_start3A_263 = tpu.memref_squeeze %dma_start3A_262 : memref<1x20x125xi32, #tpu.memory_space<vmem>> -> memref<20x125xi32, #tpu.memory_space<vmem>>
          %dma_start3A_264 = arith.constant 0 : i32
          %dma_start3A_265 = tpu.memref_slice %dma_start3A_263[%add3A_201, %dma_start3A_264] : memref<20x125xi32, #tpu.memory_space<vmem>> -> memref<1x125xi32, #tpu.memory_space<vmem>>
          %dma_start3A_266 = tpu.memref_squeeze %dma_start3A_265 : memref<1x125xi32, #tpu.memory_space<vmem>> -> memref<125xi32, #tpu.memory_space<vmem>>
          %dma_start3A_267 = arith.constant 0 : i32
          %dma_start3A_268 = arith.constant 0 : i32
          %dma_start3A_269 = tpu.memref_slice %arg10[%dma_start3A_267, %dma_start3A_268] : memref<10000x128xf32, #tpu.memory_space<vmem_shared>> -> memref<10000x128xf32, #tpu.memory_space<vmem_shared>>
          tpu.enqueue_indirect_dma source(%dma_start3A_259 : memref<125x128xf32, #tpu.memory_space<vmem>>) target(%dma_start3A_269 : memref<10000x128xf32, #tpu.memory_space<vmem_shared>>) offsets(%dma_start3A_266 : memref<125xi32, #tpu.memory_space<vmem>>) semaphore(%run_scoped3A_255 : memref<!tpu.dma_semaphore, #tpu.memory_space<semaphore_mem>>) {add = true}
          %dma_wait3A_270 = arith.constant 0 : i32
          %dma_wait3A_271 = arith.constant 0 : i32
          %dma_wait3A_272 = tpu.memref_slice %arg9[%run_scoped3A_254, %dma_wait3A_270, %dma_wait3A_271] : memref<2x125x128xf32, #tpu.memory_space<vmem>> -> memref<1x125x128xf32, #tpu.memory_space<vmem>>
          %dma_wait3A_273 = tpu.memref_squeeze %dma_wait3A_272 : memref<1x125x128xf32, #tpu.memory_space<vmem>> -> memref<125x128xf32, #tpu.memory_space<vmem>>
          %dma_wait3A_274 = arith.constant 0 : i32
          %dma_wait3A_275 = arith.constant 0 : i32
          %dma_wait3A_276 = tpu.memref_slice %arg8[%scan3A_121, %dma_wait3A_274, %dma_wait3A_275] : memref<2x20x125xi32, #tpu.memory_space<vmem>> -> memref<1x20x125xi32, #tpu.memory_space<vmem>>
          %dma_wait3A_277 = tpu.memref_squeeze %dma_wait3A_276 : memref<1x20x125xi32, #tpu.memory_space<vmem>> -> memref<20x125xi32, #tpu.memory_space<vmem>>
          %dma_wait3A_278 = arith.constant 0 : i32
          %dma_wait3A_279 = tpu.memref_slice %dma_wait3A_277[%add3A_201, %dma_wait3A_278] : memref<20x125xi32, #tpu.memory_space<vmem>> -> memref<1x125xi32, #tpu.memory_space<vmem>>
          %dma_wait3A_280 = tpu.memref_squeeze %dma_wait3A_279 : memref<1x125xi32, #tpu.memory_space<vmem>> -> memref<125xi32, #tpu.memory_space<vmem>>
          %dma_wait3A_281 = arith.constant 0 : i32
          %dma_wait3A_282 = arith.constant 0 : i32
          %dma_wait3A_283 = tpu.memref_slice %arg10[%dma_wait3A_281, %dma_wait3A_282] : memref<10000x128xf32, #tpu.memory_space<vmem_shared>> -> memref<10000x128xf32, #tpu.memory_space<vmem_shared>>
          tpu.wait_indirect_dma semaphore(%run_scoped3A_255 : memref<!tpu.dma_semaphore, #tpu.memory_space<semaphore_mem>>) src(%dma_wait3A_273 : memref<125x128xf32, #tpu.memory_space<vmem>>) dst(%dma_wait3A_283 : memref<10000x128xf32, #tpu.memory_space<vmem_shared>>)
          tpu.yield
        }) : () -> ()
      }
      %scan3A_126 = arith.constant 10 : i32
      %mul3A_127 = arith.constant 2 : i32
      %mul3A_128 = arith.muli %mul3A_127, %scan3A_57 : i32
      %add3A_129 = arith.constant 1 : i32
      %add3A_130 = arith.addi %mul3A_128, %add3A_129 : i32
      %dma_wait3A_131 = arith.constant 1 : i32
      %dma_wait3A_132 = arith.constant 0 : i32
      %dma_wait3A_133 = arith.constant 0 : i32
      %dma_wait3A_134 = tpu.memref_slice %arg7[%dma_wait3A_131, %dma_wait3A_132, %dma_wait3A_133] : memref<2x20x125xi32, #tpu.memory_space<vmem>> -> memref<1x20x125xi32, #tpu.memory_space<vmem>>
      %dma_wait3A_135 = tpu.memref_squeeze %dma_wait3A_134 : memref<1x20x125xi32, #tpu.memory_space<vmem>> -> memref<20x125xi32, #tpu.memory_space<vmem>>
      %dma_wait3A_136 = arith.constant 0 : i32
      %dma_wait3A_137 = arith.constant 0 : i32
      %dma_wait3A_138 = tpu.memref_slice %arg3[%add3A, %add3A_130, %dma_wait3A_136, %dma_wait3A_137] : memref<32x4x20x125xi32, #tpu.memory_space<hbm>> -> memref<1x1x20x125xi32, #tpu.memory_space<hbm>>
      %dma_wait3A_139 = tpu.memref_squeeze %dma_wait3A_138 : memref<1x1x20x125xi32, #tpu.memory_space<hbm>> -> memref<20x125xi32, #tpu.memory_space<hbm>>
      %dma_wait3A_140 = arith.constant 0 : i32
      %dma_wait3A_141 = arith.constant 0 : i32
      %dma_wait3A_142 = tpu.memref_slice %arg7[%dma_wait3A_131, %dma_wait3A_140, %dma_wait3A_141] : memref<2x20x125xi32, #tpu.memory_space<vmem>> -> memref<1x20x125xi32, #tpu.memory_space<vmem>>
      %dma_wait3A_143 = tpu.memref_squeeze %dma_wait3A_142 : memref<1x20x125xi32, #tpu.memory_space<vmem>> -> memref<20x125xi32, #tpu.memory_space<vmem>>
      %dma_wait3A_144 = arith.constant 0 : i32
      %dma_wait3A_145 = arith.constant 0 : i32
      %dma_wait3A_146 = tpu.memref_slice %arg3[%add3A, %add3A_130, %dma_wait3A_144, %dma_wait3A_145] : memref<32x4x20x125xi32, #tpu.memory_space<hbm>> -> memref<1x1x20x125xi32, #tpu.memory_space<hbm>>
      %dma_wait3A_147 = tpu.memref_squeeze %dma_wait3A_146 : memref<1x1x20x125xi32, #tpu.memory_space<hbm>> -> memref<20x125xi32, #tpu.memory_space<hbm>>
      tpu.wait_dma2 semaphore(%arg14 : memref<!tpu.dma_semaphore, #tpu.memory_space<semaphore_mem>>) src(%dma_wait3A_147 : memref<20x125xi32, #tpu.memory_space<hbm>>) dst(%dma_wait3A_143 : memref<20x125xi32, #tpu.memory_space<vmem>>)
      %dma_wait3A_148 = arith.constant 1 : i32
      %dma_wait3A_149 = arith.constant 0 : i32
      %dma_wait3A_150 = arith.constant 0 : i32
      %dma_wait3A_151 = tpu.memref_slice %arg8[%dma_wait3A_148, %dma_wait3A_149, %dma_wait3A_150] : memref<2x20x125xi32, #tpu.memory_space<vmem>> -> memref<1x20x125xi32, #tpu.memory_space<vmem>>
      %dma_wait3A_152 = tpu.memref_squeeze %dma_wait3A_151 : memref<1x20x125xi32, #tpu.memory_space<vmem>> -> memref<20x125xi32, #tpu.memory_space<vmem>>
      %dma_wait3A_153 = arith.constant 0 : i32
      %dma_wait3A_154 = arith.constant 0 : i32
      %dma_wait3A_155 = tpu.memref_slice %arg4[%add3A, %add3A_130, %dma_wait3A_153, %dma_wait3A_154] : memref<32x4x20x125xi32, #tpu.memory_space<hbm>> -> memref<1x1x20x125xi32, #tpu.memory_space<hbm>>
      %dma_wait3A_156 = tpu.memref_squeeze %dma_wait3A_155 : memref<1x1x20x125xi32, #tpu.memory_space<hbm>> -> memref<20x125xi32, #tpu.memory_space<hbm>>
      %dma_wait3A_157 = arith.constant 0 : i32
      %dma_wait3A_158 = arith.constant 0 : i32
      %dma_wait3A_159 = tpu.memref_slice %arg8[%dma_wait3A_148, %dma_wait3A_157, %dma_wait3A_158] : memref<2x20x125xi32, #tpu.memory_space<vmem>> -> memref<1x20x125xi32, #tpu.memory_space<vmem>>
      %dma_wait3A_160 = tpu.memref_squeeze %dma_wait3A_159 : memref<1x20x125xi32, #tpu.memory_space<vmem>> -> memref<20x125xi32, #tpu.memory_space<vmem>>
      %dma_wait3A_161 = arith.constant 0 : i32
      %dma_wait3A_162 = arith.constant 0 : i32
      %dma_wait3A_163 = tpu.memref_slice %arg4[%add3A, %add3A_130, %dma_wait3A_161, %dma_wait3A_162] : memref<32x4x20x125xi32, #tpu.memory_space<hbm>> -> memref<1x1x20x125xi32, #tpu.memory_space<hbm>>
      %dma_wait3A_164 = tpu.memref_squeeze %dma_wait3A_163 : memref<1x1x20x125xi32, #tpu.memory_space<hbm>> -> memref<20x125xi32, #tpu.memory_space<hbm>>
      tpu.wait_dma2 semaphore(%arg14 : memref<!tpu.dma_semaphore, #tpu.memory_space<semaphore_mem>>) src(%dma_wait3A_164 : memref<20x125xi32, #tpu.memory_space<hbm>>) dst(%dma_wait3A_160 : memref<20x125xi32, #tpu.memory_space<vmem>>)
      %add3A_165 = arith.constant 1 : i32
      %add3A_166 = arith.addi %add3A_130, %add3A_165 : i32
      %lt3A_167 = arith.constant 4 : i32
      %lt3A_168 = arith.cmpi slt, %add3A_166, %lt3A_167 : i32
      %convert_element_type3A_169 = arith.extui %lt3A_168 : i1 to i32
      %cond3A_170 = arith.constant 0 : i32
      %cond3A_171 = arith.cmpi ne, %convert_element_type3A_169, %cond3A_170 : i32
      scf.if %cond3A_171 {
        %add3A_197 = arith.constant 1 : i32
        %add3A_198 = arith.addi %add3A_130, %add3A_197 : i32
        %dma_start3A_199 = arith.constant 0 : i32
        %dma_start3A_200 = arith.constant 0 : i32
        %dma_start3A_201 = arith.constant 0 : i32
        %dma_start3A_202 = tpu.memref_slice %arg7[%dma_start3A_199, %dma_start3A_200, %dma_start3A_201] : memref<2x20x125xi32, #tpu.memory_space<vmem>> -> memref<1x20x125xi32, #tpu.memory_space<vmem>>
        %dma_start3A_203 = tpu.memref_squeeze %dma_start3A_202 : memref<1x20x125xi32, #tpu.memory_space<vmem>> -> memref<20x125xi32, #tpu.memory_space<vmem>>
        %dma_start3A_204 = arith.constant 0 : i32
        %dma_start3A_205 = arith.constant 0 : i32
        %dma_start3A_206 = tpu.memref_slice %arg3[%add3A, %add3A_198, %dma_start3A_204, %dma_start3A_205] : memref<32x4x20x125xi32, #tpu.memory_space<hbm>> -> memref<1x1x20x125xi32, #tpu.memory_space<hbm>>
        %dma_start3A_207 = tpu.memref_squeeze %dma_start3A_206 : memref<1x1x20x125xi32, #tpu.memory_space<hbm>> -> memref<20x125xi32, #tpu.memory_space<hbm>>
        %dma_start3A_208 = arith.constant 0 : i32
        %dma_start3A_209 = arith.constant 0 : i32
        %dma_start3A_210 = tpu.memref_slice %arg7[%dma_start3A_199, %dma_start3A_208, %dma_start3A_209] : memref<2x20x125xi32, #tpu.memory_space<vmem>> -> memref<1x20x125xi32, #tpu.memory_space<vmem>>
        %dma_start3A_211 = tpu.memref_squeeze %dma_start3A_210 : memref<1x20x125xi32, #tpu.memory_space<vmem>> -> memref<20x125xi32, #tpu.memory_space<vmem>>
        %dma_start3A_212 = arith.constant 0 : i32
        %dma_start3A_213 = arith.constant 0 : i32
        %dma_start3A_214 = tpu.memref_slice %arg3[%add3A, %add3A_198, %dma_start3A_212, %dma_start3A_213] : memref<32x4x20x125xi32, #tpu.memory_space<hbm>> -> memref<1x1x20x125xi32, #tpu.memory_space<hbm>>
        %dma_start3A_215 = tpu.memref_squeeze %dma_start3A_214 : memref<1x1x20x125xi32, #tpu.memory_space<hbm>> -> memref<20x125xi32, #tpu.memory_space<hbm>>
        tpu.enqueue_dma source(%dma_start3A_215 : memref<20x125xi32, #tpu.memory_space<hbm>>) target(%dma_start3A_211 : memref<20x125xi32, #tpu.memory_space<vmem>>) target_semaphore(%arg13 : memref<!tpu.dma_semaphore, #tpu.memory_space<semaphore_mem>>)
        %dma_start3A_216 = arith.constant 0 : i32
        %dma_start3A_217 = arith.constant 0 : i32
        %dma_start3A_218 = arith.constant 0 : i32
        %dma_start3A_219 = tpu.memref_slice %arg8[%dma_start3A_216, %dma_start3A_217, %dma_start3A_218] : memref<2x20x125xi32, #tpu.memory_space<vmem>> -> memref<1x20x125xi32, #tpu.memory_space<vmem>>
        %dma_start3A_220 = tpu.memref_squeeze %dma_start3A_219 : memref<1x20x125xi32, #tpu.memory_space<vmem>> -> memref<20x125xi32, #tpu.memory_space<vmem>>
        %dma_start3A_221 = arith.constant 0 : i32
        %dma_start3A_222 = arith.constant 0 : i32
        %dma_start3A_223 = tpu.memref_slice %arg4[%add3A, %add3A_198, %dma_start3A_221, %dma_start3A_222] : memref<32x4x20x125xi32, #tpu.memory_space<hbm>> -> memref<1x1x20x125xi32, #tpu.memory_space<hbm>>
        %dma_start3A_224 = tpu.memref_squeeze %dma_start3A_223 : memref<1x1x20x125xi32, #tpu.memory_space<hbm>> -> memref<20x125xi32, #tpu.memory_space<hbm>>
        %dma_start3A_225 = arith.constant 0 : i32
        %dma_start3A_226 = arith.constant 0 : i32
        %dma_start3A_227 = tpu.memref_slice %arg8[%dma_start3A_216, %dma_start3A_225, %dma_start3A_226] : memref<2x20x125xi32, #tpu.memory_space<vmem>> -> memref<1x20x125xi32, #tpu.memory_space<vmem>>
        %dma_start3A_228 = tpu.memref_squeeze %dma_start3A_227 : memref<1x20x125xi32, #tpu.memory_space<vmem>> -> memref<20x125xi32, #tpu.memory_space<vmem>>
        %dma_start3A_229 = arith.constant 0 : i32
        %dma_start3A_230 = arith.constant 0 : i32
        %dma_start3A_231 = tpu.memref_slice %arg4[%add3A, %add3A_198, %dma_start3A_229, %dma_start3A_230] : memref<32x4x20x125xi32, #tpu.memory_space<hbm>> -> memref<1x1x20x125xi32, #tpu.memory_space<hbm>>
        %dma_start3A_232 = tpu.memref_squeeze %dma_start3A_231 : memref<1x1x20x125xi32, #tpu.memory_space<hbm>> -> memref<20x125xi32, #tpu.memory_space<hbm>>
        tpu.enqueue_dma source(%dma_start3A_232 : memref<20x125xi32, #tpu.memory_space<hbm>>) target(%dma_start3A_228 : memref<20x125xi32, #tpu.memory_space<vmem>>) target_semaphore(%arg13 : memref<!tpu.dma_semaphore, #tpu.memory_space<semaphore_mem>>)
      } else {
      }
      %dma_start3A_172 = arith.constant 1 : i32
      %dma_start3A_173 = arith.constant 0 : i32
      %dma_start3A_174 = arith.constant 0 : i32
      %dma_start3A_175 = arith.constant 0 : i32
      %dma_start3A_176 = arith.constant 0 : i32
      %dma_start3A_177 = tpu.memref_slice %arg9[%dma_start3A_174, %dma_start3A_175, %dma_start3A_176] : memref<2x125x128xf32, #tpu.memory_space<vmem>> -> memref<1x125x128xf32, #tpu.memory_space<vmem>>
      %dma_start3A_178 = tpu.memref_squeeze %dma_start3A_177 : memref<1x125x128xf32, #tpu.memory_space<vmem>> -> memref<125x128xf32, #tpu.memory_space<vmem>>
      %dma_start3A_179 = arith.constant 0 : i32
      %dma_start3A_180 = arith.constant 0 : i32
      %dma_start3A_181 = tpu.memref_slice %arg7[%dma_start3A_172, %dma_start3A_179, %dma_start3A_180] : memref<2x20x125xi32, #tpu.memory_space<vmem>> -> memref<1x20x125xi32, #tpu.memory_space<vmem>>
      %dma_start3A_182 = tpu.memref_squeeze %dma_start3A_181 : memref<1x20x125xi32, #tpu.memory_space<vmem>> -> memref<20x125xi32, #tpu.memory_space<vmem>>
      %dma_start3A_183 = arith.constant 0 : i32
      %dma_start3A_184 = tpu.memref_slice %dma_start3A_182[%dma_start3A_173, %dma_start3A_183] : memref<20x125xi32, #tpu.memory_space<vmem>> -> memref<1x125xi32, #tpu.memory_space<vmem>>
      %dma_start3A_185 = tpu.memref_squeeze %dma_start3A_184 : memref<1x125xi32, #tpu.memory_space<vmem>> -> memref<125xi32, #tpu.memory_space<vmem>>
      %dma_start3A_186 = arith.constant 0 : i32
      %dma_start3A_187 = arith.constant 0 : i32
      %dma_start3A_188 = tpu.memref_slice %arg2[%dma_start3A_186, %dma_start3A_187] : memref<10000x128xf32, #tpu.memory_space<hbm>> -> memref<10000x128xf32, #tpu.memory_space<hbm>>
      tpu.enqueue_indirect_dma source(%dma_start3A_188 : memref<10000x128xf32, #tpu.memory_space<hbm>>) target(%dma_start3A_178 : memref<125x128xf32, #tpu.memory_space<vmem>>) offsets(%dma_start3A_185 : memref<125xi32, #tpu.memory_space<vmem>>) semaphore(%arg11 : memref<!tpu.dma_semaphore, #tpu.memory_space<semaphore_mem>>)
      %scan3A_189 = arith.constant 0 : i32
      %scan3A_190 = arith.constant 1 : i32
      %scan3A_191 = arith.constant 1 : i32
      %scan3A_192 = arith.constant 0 : i32
      %scan3A_193 = arith.constant 10 : i32
      %scan3A_194 = arith.addi %scan3A_192, %scan3A_193 : i32
      %scan3A_195 = arith.constant 1 : i32
      scf.for %scan3A_197 = %scan3A_192 to %scan3A_194 step %scan3A_195  : i32 {
        %mul3A_198 = arith.constant 2 : i32
        %mul3A_199 = arith.muli %mul3A_198, %scan3A_197 : i32
        %add3A_200 = arith.constant 1 : i32
        %add3A_201 = arith.addi %mul3A_199, %add3A_200 : i32
        %dma_wait3A_202 = arith.constant 0 : i32
        %dma_wait3A_203 = arith.constant 0 : i32
        %dma_wait3A_204 = arith.constant 0 : i32
        %dma_wait3A_205 = tpu.memref_slice %arg9[%dma_wait3A_202, %dma_wait3A_203, %dma_wait3A_204] : memref<2x125x128xf32, #tpu.memory_space<vmem>> -> memref<1x125x128xf32, #tpu.memory_space<vmem>>
        %dma_wait3A_206 = tpu.memref_squeeze %dma_wait3A_205 : memref<1x125x128xf32, #tpu.memory_space<vmem>> -> memref<125x128xf32, #tpu.memory_space<vmem>>
        %dma_wait3A_207 = arith.constant 0 : i32
        %dma_wait3A_208 = arith.constant 0 : i32
        %dma_wait3A_209 = tpu.memref_slice %arg7[%scan3A_190, %dma_wait3A_207, %dma_wait3A_208] : memref<2x20x125xi32, #tpu.memory_space<vmem>> -> memref<1x20x125xi32, #tpu.memory_space<vmem>>
        %dma_wait3A_210 = tpu.memref_squeeze %dma_wait3A_209 : memref<1x20x125xi32, #tpu.memory_space<vmem>> -> memref<20x125xi32, #tpu.memory_space<vmem>>
        %dma_wait3A_211 = arith.constant 0 : i32
        %dma_wait3A_212 = tpu.memref_slice %dma_wait3A_210[%mul3A_199, %dma_wait3A_211] : memref<20x125xi32, #tpu.memory_space<vmem>> -> memref<1x125xi32, #tpu.memory_space<vmem>>
        %dma_wait3A_213 = tpu.memref_squeeze %dma_wait3A_212 : memref<1x125xi32, #tpu.memory_space<vmem>> -> memref<125xi32, #tpu.memory_space<vmem>>
        %dma_wait3A_214 = arith.constant 0 : i32
        %dma_wait3A_215 = arith.constant 0 : i32
        %dma_wait3A_216 = tpu.memref_slice %arg2[%dma_wait3A_214, %dma_wait3A_215] : memref<10000x128xf32, #tpu.memory_space<hbm>> -> memref<10000x128xf32, #tpu.memory_space<hbm>>
        tpu.wait_indirect_dma semaphore(%arg11 : memref<!tpu.dma_semaphore, #tpu.memory_space<semaphore_mem>>) src(%dma_wait3A_216 : memref<10000x128xf32, #tpu.memory_space<hbm>>) dst(%dma_wait3A_206 : memref<125x128xf32, #tpu.memory_space<vmem>>)
        %dma_start3A_217 = arith.constant 1 : i32
        %dma_start3A_218 = arith.constant 0 : i32
        %dma_start3A_219 = arith.constant 0 : i32
        %dma_start3A_220 = tpu.memref_slice %arg9[%dma_start3A_217, %dma_start3A_218, %dma_start3A_219] : memref<2x125x128xf32, #tpu.memory_space<vmem>> -> memref<1x125x128xf32, #tpu.memory_space<vmem>>
        %dma_start3A_221 = tpu.memref_squeeze %dma_start3A_220 : memref<1x125x128xf32, #tpu.memory_space<vmem>> -> memref<125x128xf32, #tpu.memory_space<vmem>>
        %dma_start3A_222 = arith.constant 0 : i32
        %dma_start3A_223 = arith.constant 0 : i32
        %dma_start3A_224 = tpu.memref_slice %arg7[%scan3A_190, %dma_start3A_222, %dma_start3A_223] : memref<2x20x125xi32, #tpu.memory_space<vmem>> -> memref<1x20x125xi32, #tpu.memory_space<vmem>>
        %dma_start3A_225 = tpu.memref_squeeze %dma_start3A_224 : memref<1x20x125xi32, #tpu.memory_space<vmem>> -> memref<20x125xi32, #tpu.memory_space<vmem>>
        %dma_start3A_226 = arith.constant 0 : i32
        %dma_start3A_227 = tpu.memref_slice %dma_start3A_225[%add3A_201, %dma_start3A_226] : memref<20x125xi32, #tpu.memory_space<vmem>> -> memref<1x125xi32, #tpu.memory_space<vmem>>
        %dma_start3A_228 = tpu.memref_squeeze %dma_start3A_227 : memref<1x125xi32, #tpu.memory_space<vmem>> -> memref<125xi32, #tpu.memory_space<vmem>>
        %dma_start3A_229 = arith.constant 0 : i32
        %dma_start3A_230 = arith.constant 0 : i32
        %dma_start3A_231 = tpu.memref_slice %arg2[%dma_start3A_229, %dma_start3A_230] : memref<10000x128xf32, #tpu.memory_space<hbm>> -> memref<10000x128xf32, #tpu.memory_space<hbm>>
        tpu.enqueue_indirect_dma source(%dma_start3A_231 : memref<10000x128xf32, #tpu.memory_space<hbm>>) target(%dma_start3A_221 : memref<125x128xf32, #tpu.memory_space<vmem>>) offsets(%dma_start3A_228 : memref<125xi32, #tpu.memory_space<vmem>>) semaphore(%arg12 : memref<!tpu.dma_semaphore, #tpu.memory_space<semaphore_mem>>)
        %run_scoped3A = arith.constant 0 : i32
        "tpu.region"() ({
          %run_scoped3A_255 = tpu.sem_alloc : memref<!tpu.dma_semaphore, #tpu.memory_space<semaphore_mem>>
          %dma_start3A_256 = arith.constant 0 : i32
          %dma_start3A_257 = arith.constant 0 : i32
          %dma_start3A_258 = tpu.memref_slice %arg9[%run_scoped3A, %dma_start3A_256, %dma_start3A_257] : memref<2x125x128xf32, #tpu.memory_space<vmem>> -> memref<1x125x128xf32, #tpu.memory_space<vmem>>
          %dma_start3A_259 = tpu.memref_squeeze %dma_start3A_258 : memref<1x125x128xf32, #tpu.memory_space<vmem>> -> memref<125x128xf32, #tpu.memory_space<vmem>>
          %dma_start3A_260 = arith.constant 0 : i32
          %dma_start3A_261 = arith.constant 0 : i32
          %dma_start3A_262 = tpu.memref_slice %arg8[%scan3A_191, %dma_start3A_260, %dma_start3A_261] : memref<2x20x125xi32, #tpu.memory_space<vmem>> -> memref<1x20x125xi32, #tpu.memory_space<vmem>>
          %dma_start3A_263 = tpu.memref_squeeze %dma_start3A_262 : memref<1x20x125xi32, #tpu.memory_space<vmem>> -> memref<20x125xi32, #tpu.memory_space<vmem>>
          %dma_start3A_264 = arith.constant 0 : i32
          %dma_start3A_265 = tpu.memref_slice %dma_start3A_263[%mul3A_199, %dma_start3A_264] : memref<20x125xi32, #tpu.memory_space<vmem>> -> memref<1x125xi32, #tpu.memory_space<vmem>>
          %dma_start3A_266 = tpu.memref_squeeze %dma_start3A_265 : memref<1x125xi32, #tpu.memory_space<vmem>> -> memref<125xi32, #tpu.memory_space<vmem>>
          %dma_start3A_267 = arith.constant 0 : i32
          %dma_start3A_268 = arith.constant 0 : i32
          %dma_start3A_269 = tpu.memref_slice %arg10[%dma_start3A_267, %dma_start3A_268] : memref<10000x128xf32, #tpu.memory_space<vmem_shared>> -> memref<10000x128xf32, #tpu.memory_space<vmem_shared>>
          tpu.enqueue_indirect_dma source(%dma_start3A_259 : memref<125x128xf32, #tpu.memory_space<vmem>>) target(%dma_start3A_269 : memref<10000x128xf32, #tpu.memory_space<vmem_shared>>) offsets(%dma_start3A_266 : memref<125xi32, #tpu.memory_space<vmem>>) semaphore(%run_scoped3A_255 : memref<!tpu.dma_semaphore, #tpu.memory_space<semaphore_mem>>) {add = true}
          %dma_wait3A_270 = arith.constant 0 : i32
          %dma_wait3A_271 = arith.constant 0 : i32
          %dma_wait3A_272 = tpu.memref_slice %arg9[%run_scoped3A, %dma_wait3A_270, %dma_wait3A_271] : memref<2x125x128xf32, #tpu.memory_space<vmem>> -> memref<1x125x128xf32, #tpu.memory_space<vmem>>
          %dma_wait3A_273 = tpu.memref_squeeze %dma_wait3A_272 : memref<1x125x128xf32, #tpu.memory_space<vmem>> -> memref<125x128xf32, #tpu.memory_space<vmem>>
          %dma_wait3A_274 = arith.constant 0 : i32
          %dma_wait3A_275 = arith.constant 0 : i32
          %dma_wait3A_276 = tpu.memref_slice %arg8[%scan3A_191, %dma_wait3A_274, %dma_wait3A_275] : memref<2x20x125xi32, #tpu.memory_space<vmem>> -> memref<1x20x125xi32, #tpu.memory_space<vmem>>
          %dma_wait3A_277 = tpu.memref_squeeze %dma_wait3A_276 : memref<1x20x125xi32, #tpu.memory_space<vmem>> -> memref<20x125xi32, #tpu.memory_space<vmem>>
          %dma_wait3A_278 = arith.constant 0 : i32
          %dma_wait3A_279 = tpu.memref_slice %dma_wait3A_277[%mul3A_199, %dma_wait3A_278] : memref<20x125xi32, #tpu.memory_space<vmem>> -> memref<1x125xi32, #tpu.memory_space<vmem>>
          %dma_wait3A_280 = tpu.memref_squeeze %dma_wait3A_279 : memref<1x125xi32, #tpu.memory_space<vmem>> -> memref<125xi32, #tpu.memory_space<vmem>>
          %dma_wait3A_281 = arith.constant 0 : i32
          %dma_wait3A_282 = arith.constant 0 : i32
          %dma_wait3A_283 = tpu.memref_slice %arg10[%dma_wait3A_281, %dma_wait3A_282] : memref<10000x128xf32, #tpu.memory_space<vmem_shared>> -> memref<10000x128xf32, #tpu.memory_space<vmem_shared>>
          tpu.wait_indirect_dma semaphore(%run_scoped3A_255 : memref<!tpu.dma_semaphore, #tpu.memory_space<semaphore_mem>>) src(%dma_wait3A_273 : memref<125x128xf32, #tpu.memory_space<vmem>>) dst(%dma_wait3A_283 : memref<10000x128xf32, #tpu.memory_space<vmem_shared>>)
          tpu.yield
        }) : () -> ()
        %dma_wait3A_232 = arith.constant 1 : i32
        %dma_wait3A_233 = arith.constant 0 : i32
        %dma_wait3A_234 = arith.constant 0 : i32
        %dma_wait3A_235 = tpu.memref_slice %arg9[%dma_wait3A_232, %dma_wait3A_233, %dma_wait3A_234] : memref<2x125x128xf32, #tpu.memory_space<vmem>> -> memref<1x125x128xf32, #tpu.memory_space<vmem>>
        %dma_wait3A_236 = tpu.memref_squeeze %dma_wait3A_235 : memref<1x125x128xf32, #tpu.memory_space<vmem>> -> memref<125x128xf32, #tpu.memory_space<vmem>>
        %dma_wait3A_237 = arith.constant 0 : i32
        %dma_wait3A_238 = arith.constant 0 : i32
        %dma_wait3A_239 = tpu.memref_slice %arg7[%scan3A_190, %dma_wait3A_237, %dma_wait3A_238] : memref<2x20x125xi32, #tpu.memory_space<vmem>> -> memref<1x20x125xi32, #tpu.memory_space<vmem>>
        %dma_wait3A_240 = tpu.memref_squeeze %dma_wait3A_239 : memref<1x20x125xi32, #tpu.memory_space<vmem>> -> memref<20x125xi32, #tpu.memory_space<vmem>>
        %dma_wait3A_241 = arith.constant 0 : i32
        %dma_wait3A_242 = tpu.memref_slice %dma_wait3A_240[%add3A_201, %dma_wait3A_241] : memref<20x125xi32, #tpu.memory_space<vmem>> -> memref<1x125xi32, #tpu.memory_space<vmem>>
        %dma_wait3A_243 = tpu.memref_squeeze %dma_wait3A_242 : memref<1x125xi32, #tpu.memory_space<vmem>> -> memref<125xi32, #tpu.memory_space<vmem>>
        %dma_wait3A_244 = arith.constant 0 : i32
        %dma_wait3A_245 = arith.constant 0 : i32
        %dma_wait3A_246 = tpu.memref_slice %arg2[%dma_wait3A_244, %dma_wait3A_245] : memref<10000x128xf32, #tpu.memory_space<hbm>> -> memref<10000x128xf32, #tpu.memory_space<hbm>>
        tpu.wait_indirect_dma semaphore(%arg12 : memref<!tpu.dma_semaphore, #tpu.memory_space<semaphore_mem>>) src(%dma_wait3A_246 : memref<10000x128xf32, #tpu.memory_space<hbm>>) dst(%dma_wait3A_236 : memref<125x128xf32, #tpu.memory_space<vmem>>)
        %add3A_247 = arith.constant 1 : i32
        %add3A_248 = arith.addi %scan3A_197, %add3A_247 : i32
        %lt3A_249 = arith.constant 10 : i32
        %lt3A_250 = arith.cmpi slt, %add3A_248, %lt3A_249 : i32
        %convert_element_type3A_251 = arith.extui %lt3A_250 : i1 to i32
        %cond3A_252 = arith.constant 0 : i32
        %cond3A_253 = arith.cmpi ne, %convert_element_type3A_251, %cond3A_252 : i32
        scf.if %cond3A_253 {
          %add3A_255 = arith.constant 2 : i32
          %add3A_256 = arith.addi %mul3A_199, %add3A_255 : i32
          %dma_start3A_257 = arith.constant 0 : i32
          %dma_start3A_258 = arith.constant 0 : i32
          %dma_start3A_259 = arith.constant 0 : i32
          %dma_start3A_260 = tpu.memref_slice %arg9[%dma_start3A_257, %dma_start3A_258, %dma_start3A_259] : memref<2x125x128xf32, #tpu.memory_space<vmem>> -> memref<1x125x128xf32, #tpu.memory_space<vmem>>
          %dma_start3A_261 = tpu.memref_squeeze %dma_start3A_260 : memref<1x125x128xf32, #tpu.memory_space<vmem>> -> memref<125x128xf32, #tpu.memory_space<vmem>>
          %dma_start3A_262 = arith.constant 0 : i32
          %dma_start3A_263 = arith.constant 0 : i32
          %dma_start3A_264 = tpu.memref_slice %arg7[%scan3A_190, %dma_start3A_262, %dma_start3A_263] : memref<2x20x125xi32, #tpu.memory_space<vmem>> -> memref<1x20x125xi32, #tpu.memory_space<vmem>>
          %dma_start3A_265 = tpu.memref_squeeze %dma_start3A_264 : memref<1x20x125xi32, #tpu.memory_space<vmem>> -> memref<20x125xi32, #tpu.memory_space<vmem>>
          %dma_start3A_266 = arith.constant 0 : i32
          %dma_start3A_267 = tpu.memref_slice %dma_start3A_265[%add3A_256, %dma_start3A_266] : memref<20x125xi32, #tpu.memory_space<vmem>> -> memref<1x125xi32, #tpu.memory_space<vmem>>
          %dma_start3A_268 = tpu.memref_squeeze %dma_start3A_267 : memref<1x125xi32, #tpu.memory_space<vmem>> -> memref<125xi32, #tpu.memory_space<vmem>>
          %dma_start3A_269 = arith.constant 0 : i32
          %dma_start3A_270 = arith.constant 0 : i32
          %dma_start3A_271 = tpu.memref_slice %arg2[%dma_start3A_269, %dma_start3A_270] : memref<10000x128xf32, #tpu.memory_space<hbm>> -> memref<10000x128xf32, #tpu.memory_space<hbm>>
          tpu.enqueue_indirect_dma source(%dma_start3A_271 : memref<10000x128xf32, #tpu.memory_space<hbm>>) target(%dma_start3A_261 : memref<125x128xf32, #tpu.memory_space<vmem>>) offsets(%dma_start3A_268 : memref<125xi32, #tpu.memory_space<vmem>>) semaphore(%arg11 : memref<!tpu.dma_semaphore, #tpu.memory_space<semaphore_mem>>)
        } else {
        }
        %run_scoped3A_254 = arith.constant 1 : i32
        "tpu.region"() ({
          %run_scoped3A_255 = tpu.sem_alloc : memref<!tpu.dma_semaphore, #tpu.memory_space<semaphore_mem>>
          %dma_start3A_256 = arith.constant 0 : i32
          %dma_start3A_257 = arith.constant 0 : i32
          %dma_start3A_258 = tpu.memref_slice %arg9[%run_scoped3A_254, %dma_start3A_256, %dma_start3A_257] : memref<2x125x128xf32, #tpu.memory_space<vmem>> -> memref<1x125x128xf32, #tpu.memory_space<vmem>>
          %dma_start3A_259 = tpu.memref_squeeze %dma_start3A_258 : memref<1x125x128xf32, #tpu.memory_space<vmem>> -> memref<125x128xf32, #tpu.memory_space<vmem>>
          %dma_start3A_260 = arith.constant 0 : i32
          %dma_start3A_261 = arith.constant 0 : i32
          %dma_start3A_262 = tpu.memref_slice %arg8[%scan3A_191, %dma_start3A_260, %dma_start3A_261] : memref<2x20x125xi32, #tpu.memory_space<vmem>> -> memref<1x20x125xi32, #tpu.memory_space<vmem>>
          %dma_start3A_263 = tpu.memref_squeeze %dma_start3A_262 : memref<1x20x125xi32, #tpu.memory_space<vmem>> -> memref<20x125xi32, #tpu.memory_space<vmem>>
          %dma_start3A_264 = arith.constant 0 : i32
          %dma_start3A_265 = tpu.memref_slice %dma_start3A_263[%add3A_201, %dma_start3A_264] : memref<20x125xi32, #tpu.memory_space<vmem>> -> memref<1x125xi32, #tpu.memory_space<vmem>>
          %dma_start3A_266 = tpu.memref_squeeze %dma_start3A_265 : memref<1x125xi32, #tpu.memory_space<vmem>> -> memref<125xi32, #tpu.memory_space<vmem>>
          %dma_start3A_267 = arith.constant 0 : i32
          %dma_start3A_268 = arith.constant 0 : i32
          %dma_start3A_269 = tpu.memref_slice %arg10[%dma_start3A_267, %dma_start3A_268] : memref<10000x128xf32, #tpu.memory_space<vmem_shared>> -> memref<10000x128xf32, #tpu.memory_space<vmem_shared>>
          tpu.enqueue_indirect_dma source(%dma_start3A_259 : memref<125x128xf32, #tpu.memory_space<vmem>>) target(%dma_start3A_269 : memref<10000x128xf32, #tpu.memory_space<vmem_shared>>) offsets(%dma_start3A_266 : memref<125xi32, #tpu.memory_space<vmem>>) semaphore(%run_scoped3A_255 : memref<!tpu.dma_semaphore, #tpu.memory_space<semaphore_mem>>) {add = true}
          %dma_wait3A_270 = arith.constant 0 : i32
          %dma_wait3A_271 = arith.constant 0 : i32
          %dma_wait3A_272 = tpu.memref_slice %arg9[%run_scoped3A_254, %dma_wait3A_270, %dma_wait3A_271] : memref<2x125x128xf32, #tpu.memory_space<vmem>> -> memref<1x125x128xf32, #tpu.memory_space<vmem>>
          %dma_wait3A_273 = tpu.memref_squeeze %dma_wait3A_272 : memref<1x125x128xf32, #tpu.memory_space<vmem>> -> memref<125x128xf32, #tpu.memory_space<vmem>>
          %dma_wait3A_274 = arith.constant 0 : i32
          %dma_wait3A_275 = arith.constant 0 : i32
          %dma_wait3A_276 = tpu.memref_slice %arg8[%scan3A_191, %dma_wait3A_274, %dma_wait3A_275] : memref<2x20x125xi32, #tpu.memory_space<vmem>> -> memref<1x20x125xi32, #tpu.memory_space<vmem>>
          %dma_wait3A_277 = tpu.memref_squeeze %dma_wait3A_276 : memref<1x20x125xi32, #tpu.memory_space<vmem>> -> memref<20x125xi32, #tpu.memory_space<vmem>>
          %dma_wait3A_278 = arith.constant 0 : i32
          %dma_wait3A_279 = tpu.memref_slice %dma_wait3A_277[%add3A_201, %dma_wait3A_278] : memref<20x125xi32, #tpu.memory_space<vmem>> -> memref<1x125xi32, #tpu.memory_space<vmem>>
          %dma_wait3A_280 = tpu.memref_squeeze %dma_wait3A_279 : memref<1x125xi32, #tpu.memory_space<vmem>> -> memref<125xi32, #tpu.memory_space<vmem>>
          %dma_wait3A_281 = arith.constant 0 : i32
          %dma_wait3A_282 = arith.constant 0 : i32
          %dma_wait3A_283 = tpu.memref_slice %arg10[%dma_wait3A_281, %dma_wait3A_282] : memref<10000x128xf32, #tpu.memory_space<vmem_shared>> -> memref<10000x128xf32, #tpu.memory_space<vmem_shared>>
          tpu.wait_indirect_dma semaphore(%run_scoped3A_255 : memref<!tpu.dma_semaphore, #tpu.memory_space<semaphore_mem>>) src(%dma_wait3A_273 : memref<125x128xf32, #tpu.memory_space<vmem>>) dst(%dma_wait3A_283 : memref<10000x128xf32, #tpu.memory_space<vmem_shared>>)
          tpu.yield
        }) : () -> ()
      }
      %scan3A_196 = arith.constant 10 : i32
    }
    %scan3A_46 = arith.constant 2 : i32
    %barrier3A_47 = arith.constant 0 : index
    tpu.barrier barrier_id(%barrier3A_47)
    %lt3A = arith.constant 15 : i32
    %lt3A_48 = arith.cmpi slt, %arg1, %lt3A : i32
    %convert_element_type3A_49 = arith.extui %lt3A_48 : i1 to i32
    %cond3A_50 = arith.constant 0 : i32
    %cond3A_51 = arith.cmpi ne, %convert_element_type3A_49, %cond3A_50 : i32
    scf.if %cond3A_51 {
      %mul3A_57 = arith.constant 624 : i32
      %mul3A_58 = arith.muli %arg1, %mul3A_57 : i32
      "tpu.region"() ({
        %run_scoped3A = tpu.sem_alloc : memref<!tpu.dma_semaphore, #tpu.memory_space<semaphore_mem>>
        %dma_start3A_59 = arith.constant 0 : i32
        %dma_start3A_60 = tpu.memref_slice %arg6[%arg0, %mul3A_58, %dma_start3A_59] : memref<2x10000x128xf32, #tpu.memory_space<hbm>> -> memref<1x624x128xf32, #tpu.memory_space<hbm>>
        %dma_start3A_61 = tpu.memref_squeeze %dma_start3A_60 : memref<1x624x128xf32, #tpu.memory_space<hbm>> -> memref<624x128xf32, #tpu.memory_space<hbm>>
        %dma_start3A_62 = arith.constant 0 : i32
        %dma_start3A_63 = tpu.memref_slice %arg10[%mul3A_58, %dma_start3A_62] : memref<10000x128xf32, #tpu.memory_space<vmem_shared>> -> memref<624x128xf32, #tpu.memory_space<vmem_shared>>
        tpu.enqueue_dma source(%dma_start3A_63 : memref<624x128xf32, #tpu.memory_space<vmem_shared>>) target(%dma_start3A_61 : memref<624x128xf32, #tpu.memory_space<hbm>>) target_semaphore(%run_scoped3A : memref<!tpu.dma_semaphore, #tpu.memory_space<semaphore_mem>>)
        %dma_wait3A = arith.constant 0 : i32
        %dma_wait3A_64 = tpu.memref_slice %arg6[%arg0, %mul3A_58, %dma_wait3A] : memref<2x10000x128xf32, #tpu.memory_space<hbm>> -> memref<1x624x128xf32, #tpu.memory_space<hbm>>
        %dma_wait3A_65 = tpu.memref_squeeze %dma_wait3A_64 : memref<1x624x128xf32, #tpu.memory_space<hbm>> -> memref<624x128xf32, #tpu.memory_space<hbm>>
        %dma_wait3A_66 = arith.constant 0 : i32
        %dma_wait3A_67 = tpu.memref_slice %arg10[%mul3A_58, %dma_wait3A_66] : memref<10000x128xf32, #tpu.memory_space<vmem_shared>> -> memref<624x128xf32, #tpu.memory_space<vmem_shared>>
        tpu.wait_dma2 semaphore(%run_scoped3A : memref<!tpu.dma_semaphore, #tpu.memory_space<semaphore_mem>>) src(%dma_wait3A_67 : memref<624x128xf32, #tpu.memory_space<vmem_shared>>) dst(%dma_wait3A_65 : memref<624x128xf32, #tpu.memory_space<hbm>>)
        tpu.yield
      }) : () -> ()
    } else {
    }
    %eq3A_52 = arith.constant 15 : i32
    %eq3A_53 = arith.cmpi eq, %arg1, %eq3A_52 : i32
    %convert_element_type3A_54 = arith.extui %eq3A_53 : i1 to i32
    %cond3A_55 = arith.constant 0 : i32
    %cond3A_56 = arith.cmpi ne, %convert_element_type3A_54, %cond3A_55 : i32
    scf.if %cond3A_56 {
      "tpu.region"() ({
        %run_scoped3A = tpu.sem_alloc : memref<!tpu.dma_semaphore, #tpu.memory_space<semaphore_mem>>
        %dma_start3A_57 = arith.constant 9360 : i32
        %dma_start3A_58 = arith.constant 0 : i32
        %dma_start3A_59 = tpu.memref_slice %arg6[%arg0, %dma_start3A_57, %dma_start3A_58] : memref<2x10000x128xf32, #tpu.memory_space<hbm>> -> memref<1x640x128xf32, #tpu.memory_space<hbm>>
        %dma_start3A_60 = tpu.memref_squeeze %dma_start3A_59 : memref<1x640x128xf32, #tpu.memory_space<hbm>> -> memref<640x128xf32, #tpu.memory_space<hbm>>
        %dma_start3A_61 = arith.constant 9360 : i32
        %dma_start3A_62 = arith.constant 0 : i32
        %dma_start3A_63 = tpu.memref_slice %arg10[%dma_start3A_61, %dma_start3A_62] : memref<10000x128xf32, #tpu.memory_space<vmem_shared>> -> memref<640x128xf32, #tpu.memory_space<vmem_shared>>
        tpu.enqueue_dma source(%dma_start3A_63 : memref<640x128xf32, #tpu.memory_space<vmem_shared>>) target(%dma_start3A_60 : memref<640x128xf32, #tpu.memory_space<hbm>>) target_semaphore(%run_scoped3A : memref<!tpu.dma_semaphore, #tpu.memory_space<semaphore_mem>>)
        %dma_wait3A = arith.constant 9360 : i32
        %dma_wait3A_64 = arith.constant 0 : i32
        %dma_wait3A_65 = tpu.memref_slice %arg6[%arg0, %dma_wait3A, %dma_wait3A_64] : memref<2x10000x128xf32, #tpu.memory_space<hbm>> -> memref<1x640x128xf32, #tpu.memory_space<hbm>>
        %dma_wait3A_66 = tpu.memref_squeeze %dma_wait3A_65 : memref<1x640x128xf32, #tpu.memory_space<hbm>> -> memref<640x128xf32, #tpu.memory_space<hbm>>
        %dma_wait3A_67 = arith.constant 9360 : i32
        %dma_wait3A_68 = arith.constant 0 : i32
        %dma_wait3A_69 = tpu.memref_slice %arg10[%dma_wait3A_67, %dma_wait3A_68] : memref<10000x128xf32, #tpu.memory_space<vmem_shared>> -> memref<640x128xf32, #tpu.memory_space<vmem_shared>>
        tpu.wait_dma2 semaphore(%run_scoped3A : memref<!tpu.dma_semaphore, #tpu.memory_space<semaphore_mem>>) src(%dma_wait3A_69 : memref<640x128xf32, #tpu.memory_space<vmem_shared>>) dst(%dma_wait3A_66 : memref<640x128xf32, #tpu.memory_space<hbm>>)
        tpu.yield
      }) : () -> ()
    } else {
    }
    return
  }
}

#map = affine_map<(d0, d1) -> (0, 0)>
#map1 = affine_map<(d0, d1) -> (0, 0, 0, 0)>
#map2 = affine_map<(d0, d1) -> (0, 0, 0)>
module attributes {stable_mosaic.version = 14 : i64} {
  func.func @_scat_body(%arg0: i32, %arg1: i32, %arg2: memref<10000x128xf32, #tpu.memory_space<hbm>>, %arg3: memref<32x4x20x125xi32, #tpu.memory_space<hbm>>, %arg4: memref<32x4x20x125xi32, #tpu.memory_space<hbm>>, %arg5: memref<640x128xf32, #tpu.memory_space<hbm>>, %arg6: memref<2x10000x128xf32, #tpu.memory_space<hbm>>, %arg7: memref<2x20x125xi32, #tpu.memory_space<vmem>>, %arg8: memref<2x20x125xi32, #tpu.memory_space<vmem>>, %arg9: memref<2x125x128xf32, #tpu.memory_space<vmem>>, %arg10: memref<10000x128xf32, #tpu.memory_space<vmem_shared>>, %arg11: memref<!tpu.dma_semaphore, #tpu.memory_space<semaphore_mem>>, %arg12: memref<!tpu.dma_semaphore, #tpu.memory_space<semaphore_mem>>, %arg13: memref<!tpu.dma_semaphore, #tpu.memory_space<semaphore_mem>>, %arg14: memref<!tpu.dma_semaphore, #tpu.memory_space<semaphore_mem>>) attributes {dimension_semantics = [#tpu.dimension_semantics<core_parallel>, #tpu.dimension_semantics<subcore_parallel>], iteration_bounds = array<i64: 2, 16>, scalar_prefetch = 0 : i64, scratch_operands = 8 : i64, tpu.core_type = #tpu.core_type<sc_vector_subcore>, window_params = [{transform_indices = #map}, {transform_indices = #map1}, {transform_indices = #map1}, {transform_indices = #map}, {transform_indices = #map2}]} {
    %mul3A = arith.constant 16 : i32
    %mul3A_0 = arith.muli %arg0, %mul3A : i32
    %add3A = arith.addi %mul3A_0, %arg1 : i32
    %eq3A = arith.constant 0 : i32
    %eq3A_1 = arith.cmpi eq, %arg0, %eq3A : i32
    %convert_element_type3A = arith.extui %eq3A_1 : i1 to i32
    %cond3A = arith.constant 0 : i32
    %cond3A_2 = arith.cmpi ne, %convert_element_type3A, %cond3A : i32
    scf.if %cond3A_2 {
      %lt3A_57 = arith.constant 15 : i32
      %lt3A_58 = arith.cmpi slt, %arg1, %lt3A_57 : i32
      %convert_element_type3A_59 = arith.extui %lt3A_58 : i1 to i32
      %cond3A_60 = arith.constant 0 : i32
      %cond3A_61 = arith.cmpi ne, %convert_element_type3A_59, %cond3A_60 : i32
      scf.if %cond3A_61 {
        %mul3A_67 = arith.constant 624 : i32
        %mul3A_68 = arith.muli %arg1, %mul3A_67 : i32
        "tpu.region"() ({
          %run_scoped3A = tpu.sem_alloc : memref<!tpu.dma_semaphore, #tpu.memory_space<semaphore_mem>>
          %dma_start3A_69 = arith.constant 0 : i32
          %dma_start3A_70 = tpu.memref_slice %arg10[%mul3A_68, %dma_start3A_69] : memref<10000x128xf32, #tpu.memory_space<vmem_shared>> -> memref<624x128xf32, #tpu.memory_space<vmem_shared>>
          %dma_start3A_71 = arith.constant 0 : i32
          %dma_start3A_72 = tpu.memref_slice %arg2[%mul3A_68, %dma_start3A_71] : memref<10000x128xf32, #tpu.memory_space<hbm>> -> memref<624x128xf32, #tpu.memory_space<hbm>>
          tpu.enqueue_dma source(%dma_start3A_72 : memref<624x128xf32, #tpu.memory_space<hbm>>) target(%dma_start3A_70 : memref<624x128xf32, #tpu.memory_space<vmem_shared>>) target_semaphore(%run_scoped3A : memref<!tpu.dma_semaphore, #tpu.memory_space<semaphore_mem>>)
          %dma_wait3A = arith.constant 0 : i32
          %dma_wait3A_73 = tpu.memref_slice %arg10[%mul3A_68, %dma_wait3A] : memref<10000x128xf32, #tpu.memory_space<vmem_shared>> -> memref<624x128xf32, #tpu.memory_space<vmem_shared>>
          %dma_wait3A_74 = arith.constant 0 : i32
          %dma_wait3A_75 = tpu.memref_slice %arg2[%mul3A_68, %dma_wait3A_74] : memref<10000x128xf32, #tpu.memory_space<hbm>> -> memref<624x128xf32, #tpu.memory_space<hbm>>
          tpu.wait_dma2 semaphore(%run_scoped3A : memref<!tpu.dma_semaphore, #tpu.memory_space<semaphore_mem>>) src(%dma_wait3A_75 : memref<624x128xf32, #tpu.memory_space<hbm>>) dst(%dma_wait3A_73 : memref<624x128xf32, #tpu.memory_space<vmem_shared>>)
          tpu.yield
        }) : () -> ()
      } else {
      }
      %eq3A_62 = arith.constant 15 : i32
      %eq3A_63 = arith.cmpi eq, %arg1, %eq3A_62 : i32
      %convert_element_type3A_64 = arith.extui %eq3A_63 : i1 to i32
      %cond3A_65 = arith.constant 0 : i32
      %cond3A_66 = arith.cmpi ne, %convert_element_type3A_64, %cond3A_65 : i32
      scf.if %cond3A_66 {
        "tpu.region"() ({
          %run_scoped3A = tpu.sem_alloc : memref<!tpu.dma_semaphore, #tpu.memory_space<semaphore_mem>>
          %dma_start3A_67 = arith.constant 9360 : i32
          %dma_start3A_68 = arith.constant 0 : i32
          %dma_start3A_69 = tpu.memref_slice %arg10[%dma_start3A_67, %dma_start3A_68] : memref<10000x128xf32, #tpu.memory_space<vmem_shared>> -> memref<640x128xf32, #tpu.memory_space<vmem_shared>>
          %dma_start3A_70 = arith.constant 9360 : i32
          %dma_start3A_71 = arith.constant 0 : i32
          %dma_start3A_72 = tpu.memref_slice %arg2[%dma_start3A_70, %dma_start3A_71] : memref<10000x128xf32, #tpu.memory_space<hbm>> -> memref<640x128xf32, #tpu.memory_space<hbm>>
          tpu.enqueue_dma source(%dma_start3A_72 : memref<640x128xf32, #tpu.memory_space<hbm>>) target(%dma_start3A_69 : memref<640x128xf32, #tpu.memory_space<vmem_shared>>) target_semaphore(%run_scoped3A : memref<!tpu.dma_semaphore, #tpu.memory_space<semaphore_mem>>)
          %dma_wait3A = arith.constant 9360 : i32
          %dma_wait3A_73 = arith.constant 0 : i32
          %dma_wait3A_74 = tpu.memref_slice %arg10[%dma_wait3A, %dma_wait3A_73] : memref<10000x128xf32, #tpu.memory_space<vmem_shared>> -> memref<640x128xf32, #tpu.memory_space<vmem_shared>>
          %dma_wait3A_75 = arith.constant 9360 : i32
          %dma_wait3A_76 = arith.constant 0 : i32
          %dma_wait3A_77 = tpu.memref_slice %arg2[%dma_wait3A_75, %dma_wait3A_76] : memref<10000x128xf32, #tpu.memory_space<hbm>> -> memref<640x128xf32, #tpu.memory_space<hbm>>
          tpu.wait_dma2 semaphore(%run_scoped3A : memref<!tpu.dma_semaphore, #tpu.memory_space<semaphore_mem>>) src(%dma_wait3A_77 : memref<640x128xf32, #tpu.memory_space<hbm>>) dst(%dma_wait3A_74 : memref<640x128xf32, #tpu.memory_space<vmem_shared>>)
          tpu.yield
        }) : () -> ()
      } else {
      }
    } else {
    }
    %ne3A = arith.constant 0 : i32
    %ne3A_3 = arith.cmpi ne, %arg0, %ne3A : i32
    %convert_element_type3A_4 = arith.extui %ne3A_3 : i1 to i32
    %cond3A_5 = arith.constant 0 : i32
    %cond3A_6 = arith.cmpi ne, %convert_element_type3A_4, %cond3A_5 : i32
    scf.if %cond3A_6 {
      %lt3A_57 = arith.constant 15 : i32
      %lt3A_58 = arith.cmpi slt, %arg1, %lt3A_57 : i32
      %convert_element_type3A_59 = arith.extui %lt3A_58 : i1 to i32
      %cond3A_60 = arith.constant 0 : i32
      %cond3A_61 = arith.cmpi ne, %convert_element_type3A_59, %cond3A_60 : i32
      scf.if %cond3A_61 {
        %mul3A_67 = arith.constant 624 : i32
        %mul3A_68 = arith.muli %arg1, %mul3A_67 : i32
        "tpu.region"() ({
          %run_scoped3A = tpu.sem_alloc : memref<!tpu.dma_semaphore, #tpu.memory_space<semaphore_mem>>
          %dma_start3A_69 = arith.constant 0 : i32
          %dma_start3A_70 = tpu.memref_slice %arg10[%mul3A_68, %dma_start3A_69] : memref<10000x128xf32, #tpu.memory_space<vmem_shared>> -> memref<624x128xf32, #tpu.memory_space<vmem_shared>>
          %dma_start3A_71 = arith.constant 0 : i32
          %dma_start3A_72 = arith.constant 0 : i32
          %dma_start3A_73 = tpu.memref_slice %arg5[%dma_start3A_71, %dma_start3A_72] : memref<640x128xf32, #tpu.memory_space<hbm>> -> memref<624x128xf32, #tpu.memory_space<hbm>>
          tpu.enqueue_dma source(%dma_start3A_73 : memref<624x128xf32, #tpu.memory_space<hbm>>) target(%dma_start3A_70 : memref<624x128xf32, #tpu.memory_space<vmem_shared>>) target_semaphore(%run_scoped3A : memref<!tpu.dma_semaphore, #tpu.memory_space<semaphore_mem>>)
          %dma_wait3A = arith.constant 0 : i32
          %dma_wait3A_74 = tpu.memref_slice %arg10[%mul3A_68, %dma_wait3A] : memref<10000x128xf32, #tpu.memory_space<vmem_shared>> -> memref<624x128xf32, #tpu.memory_space<vmem_shared>>
          %dma_wait3A_75 = arith.constant 0 : i32
          %dma_wait3A_76 = arith.constant 0 : i32
          %dma_wait3A_77 = tpu.memref_slice %arg5[%dma_wait3A_75, %dma_wait3A_76] : memref<640x128xf32, #tpu.memory_space<hbm>> -> memref<624x128xf32, #tpu.memory_space<hbm>>
          tpu.wait_dma2 semaphore(%run_scoped3A : memref<!tpu.dma_semaphore, #tpu.memory_space<semaphore_mem>>) src(%dma_wait3A_77 : memref<624x128xf32, #tpu.memory_space<hbm>>) dst(%dma_wait3A_74 : memref<624x128xf32, #tpu.memory_space<vmem_shared>>)
          tpu.yield
        }) : () -> ()
      } else {
      }
      %eq3A_62 = arith.constant 15 : i32
      %eq3A_63 = arith.cmpi eq, %arg1, %eq3A_62 : i32
      %convert_element_type3A_64 = arith.extui %eq3A_63 : i1 to i32
      %cond3A_65 = arith.constant 0 : i32
      %cond3A_66 = arith.cmpi ne, %convert_element_type3A_64, %cond3A_65 : i32
      scf.if %cond3A_66 {
        "tpu.region"() ({
          %run_scoped3A = tpu.sem_alloc : memref<!tpu.dma_semaphore, #tpu.memory_space<semaphore_mem>>
          %dma_start3A_67 = arith.constant 9360 : i32
          %dma_start3A_68 = arith.constant 0 : i32
          %dma_start3A_69 = tpu.memref_slice %arg10[%dma_start3A_67, %dma_start3A_68] : memref<10000x128xf32, #tpu.memory_space<vmem_shared>> -> memref<640x128xf32, #tpu.memory_space<vmem_shared>>
          %dma_start3A_70 = arith.constant 0 : i32
          %dma_start3A_71 = arith.constant 0 : i32
          %dma_start3A_72 = tpu.memref_slice %arg5[%dma_start3A_70, %dma_start3A_71] : memref<640x128xf32, #tpu.memory_space<hbm>> -> memref<640x128xf32, #tpu.memory_space<hbm>>
          tpu.enqueue_dma source(%dma_start3A_72 : memref<640x128xf32, #tpu.memory_space<hbm>>) target(%dma_start3A_69 : memref<640x128xf32, #tpu.memory_space<vmem_shared>>) target_semaphore(%run_scoped3A : memref<!tpu.dma_semaphore, #tpu.memory_space<semaphore_mem>>)
          %dma_wait3A = arith.constant 9360 : i32
          %dma_wait3A_73 = arith.constant 0 : i32
          %dma_wait3A_74 = tpu.memref_slice %arg10[%dma_wait3A, %dma_wait3A_73] : memref<10000x128xf32, #tpu.memory_space<vmem_shared>> -> memref<640x128xf32, #tpu.memory_space<vmem_shared>>
          %dma_wait3A_75 = arith.constant 0 : i32
          %dma_wait3A_76 = arith.constant 0 : i32
          %dma_wait3A_77 = tpu.memref_slice %arg5[%dma_wait3A_75, %dma_wait3A_76] : memref<640x128xf32, #tpu.memory_space<hbm>> -> memref<640x128xf32, #tpu.memory_space<hbm>>
          tpu.wait_dma2 semaphore(%run_scoped3A : memref<!tpu.dma_semaphore, #tpu.memory_space<semaphore_mem>>) src(%dma_wait3A_77 : memref<640x128xf32, #tpu.memory_space<hbm>>) dst(%dma_wait3A_74 : memref<640x128xf32, #tpu.memory_space<vmem_shared>>)
          tpu.yield
        }) : () -> ()
      } else {
      }
    } else {
    }
    %barrier3A = arith.constant 0 : index
    tpu.barrier barrier_id(%barrier3A)
    %dma_start3A = arith.constant 0 : i32
    %dma_start3A_7 = arith.constant 0 : i32
    %dma_start3A_8 = arith.constant 0 : i32
    %dma_start3A_9 = arith.constant 0 : i32
    %dma_start3A_10 = tpu.memref_slice %arg7[%dma_start3A_7, %dma_start3A_8, %dma_start3A_9] : memref<2x20x125xi32, #tpu.memory_space<vmem>> -> memref<1x20x125xi32, #tpu.memory_space<vmem>>
    %dma_start3A_11 = tpu.memref_squeeze %dma_start3A_10 : memref<1x20x125xi32, #tpu.memory_space<vmem>> -> memref<20x125xi32, #tpu.memory_space<vmem>>
    %dma_start3A_12 = arith.constant 0 : i32
    %dma_start3A_13 = arith.constant 0 : i32
    %dma_start3A_14 = tpu.memref_slice %arg3[%add3A, %dma_start3A, %dma_start3A_12, %dma_start3A_13] : memref<32x4x20x125xi32, #tpu.memory_space<hbm>> -> memref<1x1x20x125xi32, #tpu.memory_space<hbm>>
    %dma_start3A_15 = tpu.memref_squeeze %dma_start3A_14 : memref<1x1x20x125xi32, #tpu.memory_space<hbm>> -> memref<20x125xi32, #tpu.memory_space<hbm>>
    %dma_start3A_16 = arith.constant 0 : i32
    %dma_start3A_17 = arith.constant 0 : i32
    %dma_start3A_18 = tpu.memref_slice %arg7[%dma_start3A_7, %dma_start3A_16, %dma_start3A_17] : memref<2x20x125xi32, #tpu.memory_space<vmem>> -> memref<1x20x125xi32, #tpu.memory_space<vmem>>
    %dma_start3A_19 = tpu.memref_squeeze %dma_start3A_18 : memref<1x20x125xi32, #tpu.memory_space<vmem>> -> memref<20x125xi32, #tpu.memory_space<vmem>>
    %dma_start3A_20 = arith.constant 0 : i32
    %dma_start3A_21 = arith.constant 0 : i32
    %dma_start3A_22 = tpu.memref_slice %arg3[%add3A, %dma_start3A, %dma_start3A_20, %dma_start3A_21] : memref<32x4x20x125xi32, #tpu.memory_space<hbm>> -> memref<1x1x20x125xi32, #tpu.memory_space<hbm>>
    %dma_start3A_23 = tpu.memref_squeeze %dma_start3A_22 : memref<1x1x20x125xi32, #tpu.memory_space<hbm>> -> memref<20x125xi32, #tpu.memory_space<hbm>>
    tpu.enqueue_dma source(%dma_start3A_23 : memref<20x125xi32, #tpu.memory_space<hbm>>) target(%dma_start3A_19 : memref<20x125xi32, #tpu.memory_space<vmem>>) target_semaphore(%arg13 : memref<!tpu.dma_semaphore, #tpu.memory_space<semaphore_mem>>)
    %dma_start3A_24 = arith.constant 0 : i32
    %dma_start3A_25 = arith.constant 0 : i32
    %dma_start3A_26 = arith.constant 0 : i32
    %dma_start3A_27 = arith.constant 0 : i32
    %dma_start3A_28 = tpu.memref_slice %arg8[%dma_start3A_25, %dma_start3A_26, %dma_start3A_27] : memref<2x20x125xi32, #tpu.memory_space<vmem>> -> memref<1x20x125xi32, #tpu.memory_space<vmem>>
    %dma_start3A_29 = tpu.memref_squeeze %dma_start3A_28 : memref<1x20x125xi32, #tpu.memory_space<vmem>> -> memref<20x125xi32, #tpu.memory_space<vmem>>
    %dma_start3A_30 = arith.constant 0 : i32
    %dma_start3A_31 = arith.constant 0 : i32
    %dma_start3A_32 = tpu.memref_slice %arg4[%add3A, %dma_start3A_24, %dma_start3A_30, %dma_start3A_31] : memref<32x4x20x125xi32, #tpu.memory_space<hbm>> -> memref<1x1x20x125xi32, #tpu.memory_space<hbm>>
    %dma_start3A_33 = tpu.memref_squeeze %dma_start3A_32 : memref<1x1x20x125xi32, #tpu.memory_space<hbm>> -> memref<20x125xi32, #tpu.memory_space<hbm>>
    %dma_start3A_34 = arith.constant 0 : i32
    %dma_start3A_35 = arith.constant 0 : i32
    %dma_start3A_36 = tpu.memref_slice %arg8[%dma_start3A_25, %dma_start3A_34, %dma_start3A_35] : memref<2x20x125xi32, #tpu.memory_space<vmem>> -> memref<1x20x125xi32, #tpu.memory_space<vmem>>
    %dma_start3A_37 = tpu.memref_squeeze %dma_start3A_36 : memref<1x20x125xi32, #tpu.memory_space<vmem>> -> memref<20x125xi32, #tpu.memory_space<vmem>>
    %dma_start3A_38 = arith.constant 0 : i32
    %dma_start3A_39 = arith.constant 0 : i32
    %dma_start3A_40 = tpu.memref_slice %arg4[%add3A, %dma_start3A_24, %dma_start3A_38, %dma_start3A_39] : memref<32x4x20x125xi32, #tpu.memory_space<hbm>> -> memref<1x1x20x125xi32, #tpu.memory_space<hbm>>
    %dma_start3A_41 = tpu.memref_squeeze %dma_start3A_40 : memref<1x1x20x125xi32, #tpu.memory_space<hbm>> -> memref<20x125xi32, #tpu.memory_space<hbm>>
    tpu.enqueue_dma source(%dma_start3A_41 : memref<20x125xi32, #tpu.memory_space<hbm>>) target(%dma_start3A_37 : memref<20x125xi32, #tpu.memory_space<vmem>>) target_semaphore(%arg13 : memref<!tpu.dma_semaphore, #tpu.memory_space<semaphore_mem>>)
    %scan3A = arith.constant 0 : i32
    %scan3A_42 = arith.constant 0 : i32
    %scan3A_43 = arith.constant 2 : i32
    %scan3A_44 = arith.addi %scan3A_42, %scan3A_43 : i32
    %scan3A_45 = arith.constant 1 : i32
    scf.for %scan3A_57 = %scan3A_42 to %scan3A_44 step %scan3A_45  : i32 {
      %mul3A_58 = arith.constant 2 : i32
      %mul3A_59 = arith.muli %mul3A_58, %scan3A_57 : i32
      %add3A_60 = arith.constant 0 : i32
      %add3A_61 = arith.addi %mul3A_59, %add3A_60 : i32
      %dma_wait3A = arith.constant 0 : i32
      %dma_wait3A_62 = arith.constant 0 : i32
      %dma_wait3A_63 = arith.constant 0 : i32
      %dma_wait3A_64 = tpu.memref_slice %arg7[%dma_wait3A, %dma_wait3A_62, %dma_wait3A_63] : memref<2x20x125xi32, #tpu.memory_space<vmem>> -> memref<1x20x125xi32, #tpu.memory_space<vmem>>
      %dma_wait3A_65 = tpu.memref_squeeze %dma_wait3A_64 : memref<1x20x125xi32, #tpu.memory_space<vmem>> -> memref<20x125xi32, #tpu.memory_space<vmem>>
      %dma_wait3A_66 = arith.constant 0 : i32
      %dma_wait3A_67 = arith.constant 0 : i32
      %dma_wait3A_68 = tpu.memref_slice %arg3[%add3A, %add3A_61, %dma_wait3A_66, %dma_wait3A_67] : memref<32x4x20x125xi32, #tpu.memory_space<hbm>> -> memref<1x1x20x125xi32, #tpu.memory_space<hbm>>
      %dma_wait3A_69 = tpu.memref_squeeze %dma_wait3A_68 : memref<1x1x20x125xi32, #tpu.memory_space<hbm>> -> memref<20x125xi32, #tpu.memory_space<hbm>>
      %dma_wait3A_70 = arith.constant 0 : i32
      %dma_wait3A_71 = arith.constant 0 : i32
      %dma_wait3A_72 = tpu.memref_slice %arg7[%dma_wait3A, %dma_wait3A_70, %dma_wait3A_71] : memref<2x20x125xi32, #tpu.memory_space<vmem>> -> memref<1x20x125xi32, #tpu.memory_space<vmem>>
      %dma_wait3A_73 = tpu.memref_squeeze %dma_wait3A_72 : memref<1x20x125xi32, #tpu.memory_space<vmem>> -> memref<20x125xi32, #tpu.memory_space<vmem>>
      %dma_wait3A_74 = arith.constant 0 : i32
      %dma_wait3A_75 = arith.constant 0 : i32
      %dma_wait3A_76 = tpu.memref_slice %arg3[%add3A, %add3A_61, %dma_wait3A_74, %dma_wait3A_75] : memref<32x4x20x125xi32, #tpu.memory_space<hbm>> -> memref<1x1x20x125xi32, #tpu.memory_space<hbm>>
      %dma_wait3A_77 = tpu.memref_squeeze %dma_wait3A_76 : memref<1x1x20x125xi32, #tpu.memory_space<hbm>> -> memref<20x125xi32, #tpu.memory_space<hbm>>
      tpu.wait_dma2 semaphore(%arg13 : memref<!tpu.dma_semaphore, #tpu.memory_space<semaphore_mem>>) src(%dma_wait3A_77 : memref<20x125xi32, #tpu.memory_space<hbm>>) dst(%dma_wait3A_73 : memref<20x125xi32, #tpu.memory_space<vmem>>)
      %dma_wait3A_78 = arith.constant 0 : i32
      %dma_wait3A_79 = arith.constant 0 : i32
      %dma_wait3A_80 = arith.constant 0 : i32
      %dma_wait3A_81 = tpu.memref_slice %arg8[%dma_wait3A_78, %dma_wait3A_79, %dma_wait3A_80] : memref<2x20x125xi32, #tpu.memory_space<vmem>> -> memref<1x20x125xi32, #tpu.memory_space<vmem>>
      %dma_wait3A_82 = tpu.memref_squeeze %dma_wait3A_81 : memref<1x20x125xi32, #tpu.memory_space<vmem>> -> memref<20x125xi32, #tpu.memory_space<vmem>>
      %dma_wait3A_83 = arith.constant 0 : i32
      %dma_wait3A_84 = arith.constant 0 : i32
      %dma_wait3A_85 = tpu.memref_slice %arg4[%add3A, %add3A_61, %dma_wait3A_83, %dma_wait3A_84] : memref<32x4x20x125xi32, #tpu.memory_space<hbm>> -> memref<1x1x20x125xi32, #tpu.memory_space<hbm>>
      %dma_wait3A_86 = tpu.memref_squeeze %dma_wait3A_85 : memref<1x1x20x125xi32, #tpu.memory_space<hbm>> -> memref<20x125xi32, #tpu.memory_space<hbm>>
      %dma_wait3A_87 = arith.constant 0 : i32
      %dma_wait3A_88 = arith.constant 0 : i32
      %dma_wait3A_89 = tpu.memref_slice %arg8[%dma_wait3A_78, %dma_wait3A_87, %dma_wait3A_88] : memref<2x20x125xi32, #tpu.memory_space<vmem>> -> memref<1x20x125xi32, #tpu.memory_space<vmem>>
      %dma_wait3A_90 = tpu.memref_squeeze %dma_wait3A_89 : memref<1x20x125xi32, #tpu.memory_space<vmem>> -> memref<20x125xi32, #tpu.memory_space<vmem>>
      %dma_wait3A_91 = arith.constant 0 : i32
      %dma_wait3A_92 = arith.constant 0 : i32
      %dma_wait3A_93 = tpu.memref_slice %arg4[%add3A, %add3A_61, %dma_wait3A_91, %dma_wait3A_92] : memref<32x4x20x125xi32, #tpu.memory_space<hbm>> -> memref<1x1x20x125xi32, #tpu.memory_space<hbm>>
      %dma_wait3A_94 = tpu.memref_squeeze %dma_wait3A_93 : memref<1x1x20x125xi32, #tpu.memory_space<hbm>> -> memref<20x125xi32, #tpu.memory_space<hbm>>
      tpu.wait_dma2 semaphore(%arg13 : memref<!tpu.dma_semaphore, #tpu.memory_space<semaphore_mem>>) src(%dma_wait3A_94 : memref<20x125xi32, #tpu.memory_space<hbm>>) dst(%dma_wait3A_90 : memref<20x125xi32, #tpu.memory_space<vmem>>)
      %add3A_95 = arith.constant 1 : i32
      %add3A_96 = arith.addi %add3A_61, %add3A_95 : i32
      %lt3A_97 = arith.constant 4 : i32
      %lt3A_98 = arith.cmpi slt, %add3A_96, %lt3A_97 : i32
      %convert_element_type3A_99 = arith.extui %lt3A_98 : i1 to i32
      %cond3A_100 = arith.constant 0 : i32
      %cond3A_101 = arith.cmpi ne, %convert_element_type3A_99, %cond3A_100 : i32
      scf.if %cond3A_101 {
        %add3A_197 = arith.constant 1 : i32
        %add3A_198 = arith.addi %add3A_61, %add3A_197 : i32
        %dma_start3A_199 = arith.constant 1 : i32
        %dma_start3A_200 = arith.constant 0 : i32
        %dma_start3A_201 = arith.constant 0 : i32
        %dma_start3A_202 = tpu.memref_slice %arg7[%dma_start3A_199, %dma_start3A_200, %dma_start3A_201] : memref<2x20x125xi32, #tpu.memory_space<vmem>> -> memref<1x20x125xi32, #tpu.memory_space<vmem>>
        %dma_start3A_203 = tpu.memref_squeeze %dma_start3A_202 : memref<1x20x125xi32, #tpu.memory_space<vmem>> -> memref<20x125xi32, #tpu.memory_space<vmem>>
        %dma_start3A_204 = arith.constant 0 : i32
        %dma_start3A_205 = arith.constant 0 : i32
        %dma_start3A_206 = tpu.memref_slice %arg3[%add3A, %add3A_198, %dma_start3A_204, %dma_start3A_205] : memref<32x4x20x125xi32, #tpu.memory_space<hbm>> -> memref<1x1x20x125xi32, #tpu.memory_space<hbm>>
        %dma_start3A_207 = tpu.memref_squeeze %dma_start3A_206 : memref<1x1x20x125xi32, #tpu.memory_space<hbm>> -> memref<20x125xi32, #tpu.memory_space<hbm>>
        %dma_start3A_208 = arith.constant 0 : i32
        %dma_start3A_209 = arith.constant 0 : i32
        %dma_start3A_210 = tpu.memref_slice %arg7[%dma_start3A_199, %dma_start3A_208, %dma_start3A_209] : memref<2x20x125xi32, #tpu.memory_space<vmem>> -> memref<1x20x125xi32, #tpu.memory_space<vmem>>
        %dma_start3A_211 = tpu.memref_squeeze %dma_start3A_210 : memref<1x20x125xi32, #tpu.memory_space<vmem>> -> memref<20x125xi32, #tpu.memory_space<vmem>>
        %dma_start3A_212 = arith.constant 0 : i32
        %dma_start3A_213 = arith.constant 0 : i32
        %dma_start3A_214 = tpu.memref_slice %arg3[%add3A, %add3A_198, %dma_start3A_212, %dma_start3A_213] : memref<32x4x20x125xi32, #tpu.memory_space<hbm>> -> memref<1x1x20x125xi32, #tpu.memory_space<hbm>>
        %dma_start3A_215 = tpu.memref_squeeze %dma_start3A_214 : memref<1x1x20x125xi32, #tpu.memory_space<hbm>> -> memref<20x125xi32, #tpu.memory_space<hbm>>
        tpu.enqueue_dma source(%dma_start3A_215 : memref<20x125xi32, #tpu.memory_space<hbm>>) target(%dma_start3A_211 : memref<20x125xi32, #tpu.memory_space<vmem>>) target_semaphore(%arg14 : memref<!tpu.dma_semaphore, #tpu.memory_space<semaphore_mem>>)
        %dma_start3A_216 = arith.constant 1 : i32
        %dma_start3A_217 = arith.constant 0 : i32
        %dma_start3A_218 = arith.constant 0 : i32
        %dma_start3A_219 = tpu.memref_slice %arg8[%dma_start3A_216, %dma_start3A_217, %dma_start3A_218] : memref<2x20x125xi32, #tpu.memory_space<vmem>> -> memref<1x20x125xi32, #tpu.memory_space<vmem>>
        %dma_start3A_220 = tpu.memref_squeeze %dma_start3A_219 : memref<1x20x125xi32, #tpu.memory_space<vmem>> -> memref<20x125xi32, #tpu.memory_space<vmem>>
        %dma_start3A_221 = arith.constant 0 : i32
        %dma_start3A_222 = arith.constant 0 : i32
        %dma_start3A_223 = tpu.memref_slice %arg4[%add3A, %add3A_198, %dma_start3A_221, %dma_start3A_222] : memref<32x4x20x125xi32, #tpu.memory_space<hbm>> -> memref<1x1x20x125xi32, #tpu.memory_space<hbm>>
        %dma_start3A_224 = tpu.memref_squeeze %dma_start3A_223 : memref<1x1x20x125xi32, #tpu.memory_space<hbm>> -> memref<20x125xi32, #tpu.memory_space<hbm>>
        %dma_start3A_225 = arith.constant 0 : i32
        %dma_start3A_226 = arith.constant 0 : i32
        %dma_start3A_227 = tpu.memref_slice %arg8[%dma_start3A_216, %dma_start3A_225, %dma_start3A_226] : memref<2x20x125xi32, #tpu.memory_space<vmem>> -> memref<1x20x125xi32, #tpu.memory_space<vmem>>
        %dma_start3A_228 = tpu.memref_squeeze %dma_start3A_227 : memref<1x20x125xi32, #tpu.memory_space<vmem>> -> memref<20x125xi32, #tpu.memory_space<vmem>>
        %dma_start3A_229 = arith.constant 0 : i32
        %dma_start3A_230 = arith.constant 0 : i32
        %dma_start3A_231 = tpu.memref_slice %arg4[%add3A, %add3A_198, %dma_start3A_229, %dma_start3A_230] : memref<32x4x20x125xi32, #tpu.memory_space<hbm>> -> memref<1x1x20x125xi32, #tpu.memory_space<hbm>>
        %dma_start3A_232 = tpu.memref_squeeze %dma_start3A_231 : memref<1x1x20x125xi32, #tpu.memory_space<hbm>> -> memref<20x125xi32, #tpu.memory_space<hbm>>
        tpu.enqueue_dma source(%dma_start3A_232 : memref<20x125xi32, #tpu.memory_space<hbm>>) target(%dma_start3A_228 : memref<20x125xi32, #tpu.memory_space<vmem>>) target_semaphore(%arg14 : memref<!tpu.dma_semaphore, #tpu.memory_space<semaphore_mem>>)
      } else {
      }
      %dma_start3A_102 = arith.constant 0 : i32
      %dma_start3A_103 = arith.constant 0 : i32
      %dma_start3A_104 = arith.constant 0 : i32
      %dma_start3A_105 = arith.constant 0 : i32
      %dma_start3A_106 = arith.constant 0 : i32
      %dma_start3A_107 = tpu.memref_slice %arg9[%dma_start3A_104, %dma_start3A_105, %dma_start3A_106] : memref<2x125x128xf32, #tpu.memory_space<vmem>> -> memref<1x125x128xf32, #tpu.memory_space<vmem>>
      %dma_start3A_108 = tpu.memref_squeeze %dma_start3A_107 : memref<1x125x128xf32, #tpu.memory_space<vmem>> -> memref<125x128xf32, #tpu.memory_space<vmem>>
      %dma_start3A_109 = arith.constant 0 : i32
      %dma_start3A_110 = arith.constant 0 : i32
      %dma_start3A_111 = tpu.memref_slice %arg7[%dma_start3A_102, %dma_start3A_109, %dma_start3A_110] : memref<2x20x125xi32, #tpu.memory_space<vmem>> -> memref<1x20x125xi32, #tpu.memory_space<vmem>>
      %dma_start3A_112 = tpu.memref_squeeze %dma_start3A_111 : memref<1x20x125xi32, #tpu.memory_space<vmem>> -> memref<20x125xi32, #tpu.memory_space<vmem>>
      %dma_start3A_113 = arith.constant 0 : i32
      %dma_start3A_114 = tpu.memref_slice %dma_start3A_112[%dma_start3A_103, %dma_start3A_113] : memref<20x125xi32, #tpu.memory_space<vmem>> -> memref<1x125xi32, #tpu.memory_space<vmem>>
      %dma_start3A_115 = tpu.memref_squeeze %dma_start3A_114 : memref<1x125xi32, #tpu.memory_space<vmem>> -> memref<125xi32, #tpu.memory_space<vmem>>
      %dma_start3A_116 = arith.constant 0 : i32
      %dma_start3A_117 = arith.constant 0 : i32
      %dma_start3A_118 = tpu.memref_slice %arg2[%dma_start3A_116, %dma_start3A_117] : memref<10000x128xf32, #tpu.memory_space<hbm>> -> memref<10000x128xf32, #tpu.memory_space<hbm>>
      tpu.enqueue_indirect_dma source(%dma_start3A_118 : memref<10000x128xf32, #tpu.memory_space<hbm>>) target(%dma_start3A_108 : memref<125x128xf32, #tpu.memory_space<vmem>>) offsets(%dma_start3A_115 : memref<125xi32, #tpu.memory_space<vmem>>) semaphore(%arg11 : memref<!tpu.dma_semaphore, #tpu.memory_space<semaphore_mem>>)
      %scan3A_119 = arith.constant 0 : i32
      %scan3A_120 = arith.constant 0 : i32
      %scan3A_121 = arith.constant 0 : i32
      %scan3A_122 = arith.constant 0 : i32
      %scan3A_123 = arith.constant 10 : i32
      %scan3A_124 = arith.addi %scan3A_122, %scan3A_123 : i32
      %scan3A_125 = arith.constant 1 : i32
      scf.for %scan3A_197 = %scan3A_122 to %scan3A_124 step %scan3A_125  : i32 {
        %mul3A_198 = arith.constant 2 : i32
        %mul3A_199 = arith.muli %mul3A_198, %scan3A_197 : i32
        %add3A_200 = arith.constant 1 : i32
        %add3A_201 = arith.addi %mul3A_199, %add3A_200 : i32
        %dma_wait3A_202 = arith.constant 0 : i32
        %dma_wait3A_203 = arith.constant 0 : i32
        %dma_wait3A_204 = arith.constant 0 : i32
        %dma_wait3A_205 = tpu.memref_slice %arg9[%dma_wait3A_202, %dma_wait3A_203, %dma_wait3A_204] : memref<2x125x128xf32, #tpu.memory_space<vmem>> -> memref<1x125x128xf32, #tpu.memory_space<vmem>>
        %dma_wait3A_206 = tpu.memref_squeeze %dma_wait3A_205 : memref<1x125x128xf32, #tpu.memory_space<vmem>> -> memref<125x128xf32, #tpu.memory_space<vmem>>
        %dma_wait3A_207 = arith.constant 0 : i32
        %dma_wait3A_208 = arith.constant 0 : i32
        %dma_wait3A_209 = tpu.memref_slice %arg7[%scan3A_120, %dma_wait3A_207, %dma_wait3A_208] : memref<2x20x125xi32, #tpu.memory_space<vmem>> -> memref<1x20x125xi32, #tpu.memory_space<vmem>>
        %dma_wait3A_210 = tpu.memref_squeeze %dma_wait3A_209 : memref<1x20x125xi32, #tpu.memory_space<vmem>> -> memref<20x125xi32, #tpu.memory_space<vmem>>
        %dma_wait3A_211 = arith.constant 0 : i32
        %dma_wait3A_212 = tpu.memref_slice %dma_wait3A_210[%mul3A_199, %dma_wait3A_211] : memref<20x125xi32, #tpu.memory_space<vmem>> -> memref<1x125xi32, #tpu.memory_space<vmem>>
        %dma_wait3A_213 = tpu.memref_squeeze %dma_wait3A_212 : memref<1x125xi32, #tpu.memory_space<vmem>> -> memref<125xi32, #tpu.memory_space<vmem>>
        %dma_wait3A_214 = arith.constant 0 : i32
        %dma_wait3A_215 = arith.constant 0 : i32
        %dma_wait3A_216 = tpu.memref_slice %arg2[%dma_wait3A_214, %dma_wait3A_215] : memref<10000x128xf32, #tpu.memory_space<hbm>> -> memref<10000x128xf32, #tpu.memory_space<hbm>>
        tpu.wait_indirect_dma semaphore(%arg11 : memref<!tpu.dma_semaphore, #tpu.memory_space<semaphore_mem>>) src(%dma_wait3A_216 : memref<10000x128xf32, #tpu.memory_space<hbm>>) dst(%dma_wait3A_206 : memref<125x128xf32, #tpu.memory_space<vmem>>)
        %dma_start3A_217 = arith.constant 1 : i32
        %dma_start3A_218 = arith.constant 0 : i32
        %dma_start3A_219 = arith.constant 0 : i32
        %dma_start3A_220 = tpu.memref_slice %arg9[%dma_start3A_217, %dma_start3A_218, %dma_start3A_219] : memref<2x125x128xf32, #tpu.memory_space<vmem>> -> memref<1x125x128xf32, #tpu.memory_space<vmem>>
        %dma_start3A_221 = tpu.memref_squeeze %dma_start3A_220 : memref<1x125x128xf32, #tpu.memory_space<vmem>> -> memref<125x128xf32, #tpu.memory_space<vmem>>
        %dma_start3A_222 = arith.constant 0 : i32
        %dma_start3A_223 = arith.constant 0 : i32
        %dma_start3A_224 = tpu.memref_slice %arg7[%scan3A_120, %dma_start3A_222, %dma_start3A_223] : memref<2x20x125xi32, #tpu.memory_space<vmem>> -> memref<1x20x125xi32, #tpu.memory_space<vmem>>
        %dma_start3A_225 = tpu.memref_squeeze %dma_start3A_224 : memref<1x20x125xi32, #tpu.memory_space<vmem>> -> memref<20x125xi32, #tpu.memory_space<vmem>>
        %dma_start3A_226 = arith.constant 0 : i32
        %dma_start3A_227 = tpu.memref_slice %dma_start3A_225[%add3A_201, %dma_start3A_226] : memref<20x125xi32, #tpu.memory_space<vmem>> -> memref<1x125xi32, #tpu.memory_space<vmem>>
        %dma_start3A_228 = tpu.memref_squeeze %dma_start3A_227 : memref<1x125xi32, #tpu.memory_space<vmem>> -> memref<125xi32, #tpu.memory_space<vmem>>
        %dma_start3A_229 = arith.constant 0 : i32
        %dma_start3A_230 = arith.constant 0 : i32
        %dma_start3A_231 = tpu.memref_slice %arg2[%dma_start3A_229, %dma_start3A_230] : memref<10000x128xf32, #tpu.memory_space<hbm>> -> memref<10000x128xf32, #tpu.memory_space<hbm>>
        tpu.enqueue_indirect_dma source(%dma_start3A_231 : memref<10000x128xf32, #tpu.memory_space<hbm>>) target(%dma_start3A_221 : memref<125x128xf32, #tpu.memory_space<vmem>>) offsets(%dma_start3A_228 : memref<125xi32, #tpu.memory_space<vmem>>) semaphore(%arg12 : memref<!tpu.dma_semaphore, #tpu.memory_space<semaphore_mem>>)
        %run_scoped3A = arith.constant 0 : i32
        "tpu.region"() ({
          %run_scoped3A_255 = tpu.sem_alloc : memref<!tpu.dma_semaphore, #tpu.memory_space<semaphore_mem>>
          %dma_start3A_256 = arith.constant 0 : i32
          %dma_start3A_257 = arith.constant 0 : i32
          %dma_start3A_258 = tpu.memref_slice %arg9[%run_scoped3A, %dma_start3A_256, %dma_start3A_257] : memref<2x125x128xf32, #tpu.memory_space<vmem>> -> memref<1x125x128xf32, #tpu.memory_space<vmem>>
          %dma_start3A_259 = tpu.memref_squeeze %dma_start3A_258 : memref<1x125x128xf32, #tpu.memory_space<vmem>> -> memref<125x128xf32, #tpu.memory_space<vmem>>
          %dma_start3A_260 = arith.constant 0 : i32
          %dma_start3A_261 = arith.constant 0 : i32
          %dma_start3A_262 = tpu.memref_slice %arg8[%scan3A_121, %dma_start3A_260, %dma_start3A_261] : memref<2x20x125xi32, #tpu.memory_space<vmem>> -> memref<1x20x125xi32, #tpu.memory_space<vmem>>
          %dma_start3A_263 = tpu.memref_squeeze %dma_start3A_262 : memref<1x20x125xi32, #tpu.memory_space<vmem>> -> memref<20x125xi32, #tpu.memory_space<vmem>>
          %dma_start3A_264 = arith.constant 0 : i32
          %dma_start3A_265 = tpu.memref_slice %dma_start3A_263[%mul3A_199, %dma_start3A_264] : memref<20x125xi32, #tpu.memory_space<vmem>> -> memref<1x125xi32, #tpu.memory_space<vmem>>
          %dma_start3A_266 = tpu.memref_squeeze %dma_start3A_265 : memref<1x125xi32, #tpu.memory_space<vmem>> -> memref<125xi32, #tpu.memory_space<vmem>>
          %dma_start3A_267 = arith.constant 0 : i32
          %dma_start3A_268 = arith.constant 0 : i32
          %dma_start3A_269 = tpu.memref_slice %arg10[%dma_start3A_267, %dma_start3A_268] : memref<10000x128xf32, #tpu.memory_space<vmem_shared>> -> memref<10000x128xf32, #tpu.memory_space<vmem_shared>>
          tpu.enqueue_indirect_dma source(%dma_start3A_259 : memref<125x128xf32, #tpu.memory_space<vmem>>) target(%dma_start3A_269 : memref<10000x128xf32, #tpu.memory_space<vmem_shared>>) offsets(%dma_start3A_266 : memref<125xi32, #tpu.memory_space<vmem>>) semaphore(%run_scoped3A_255 : memref<!tpu.dma_semaphore, #tpu.memory_space<semaphore_mem>>) {add = true}
          %dma_wait3A_270 = arith.constant 0 : i32
          %dma_wait3A_271 = arith.constant 0 : i32
          %dma_wait3A_272 = tpu.memref_slice %arg9[%run_scoped3A, %dma_wait3A_270, %dma_wait3A_271] : memref<2x125x128xf32, #tpu.memory_space<vmem>> -> memref<1x125x128xf32, #tpu.memory_space<vmem>>
          %dma_wait3A_273 = tpu.memref_squeeze %dma_wait3A_272 : memref<1x125x128xf32, #tpu.memory_space<vmem>> -> memref<125x128xf32, #tpu.memory_space<vmem>>
          %dma_wait3A_274 = arith.constant 0 : i32
          %dma_wait3A_275 = arith.constant 0 : i32
          %dma_wait3A_276 = tpu.memref_slice %arg8[%scan3A_121, %dma_wait3A_274, %dma_wait3A_275] : memref<2x20x125xi32, #tpu.memory_space<vmem>> -> memref<1x20x125xi32, #tpu.memory_space<vmem>>
          %dma_wait3A_277 = tpu.memref_squeeze %dma_wait3A_276 : memref<1x20x125xi32, #tpu.memory_space<vmem>> -> memref<20x125xi32, #tpu.memory_space<vmem>>
          %dma_wait3A_278 = arith.constant 0 : i32
          %dma_wait3A_279 = tpu.memref_slice %dma_wait3A_277[%mul3A_199, %dma_wait3A_278] : memref<20x125xi32, #tpu.memory_space<vmem>> -> memref<1x125xi32, #tpu.memory_space<vmem>>
          %dma_wait3A_280 = tpu.memref_squeeze %dma_wait3A_279 : memref<1x125xi32, #tpu.memory_space<vmem>> -> memref<125xi32, #tpu.memory_space<vmem>>
          %dma_wait3A_281 = arith.constant 0 : i32
          %dma_wait3A_282 = arith.constant 0 : i32
          %dma_wait3A_283 = tpu.memref_slice %arg10[%dma_wait3A_281, %dma_wait3A_282] : memref<10000x128xf32, #tpu.memory_space<vmem_shared>> -> memref<10000x128xf32, #tpu.memory_space<vmem_shared>>
          tpu.wait_indirect_dma semaphore(%run_scoped3A_255 : memref<!tpu.dma_semaphore, #tpu.memory_space<semaphore_mem>>) src(%dma_wait3A_273 : memref<125x128xf32, #tpu.memory_space<vmem>>) dst(%dma_wait3A_283 : memref<10000x128xf32, #tpu.memory_space<vmem_shared>>)
          tpu.yield
        }) : () -> ()
        %dma_wait3A_232 = arith.constant 1 : i32
        %dma_wait3A_233 = arith.constant 0 : i32
        %dma_wait3A_234 = arith.constant 0 : i32
        %dma_wait3A_235 = tpu.memref_slice %arg9[%dma_wait3A_232, %dma_wait3A_233, %dma_wait3A_234] : memref<2x125x128xf32, #tpu.memory_space<vmem>> -> memref<1x125x128xf32, #tpu.memory_space<vmem>>
        %dma_wait3A_236 = tpu.memref_squeeze %dma_wait3A_235 : memref<1x125x128xf32, #tpu.memory_space<vmem>> -> memref<125x128xf32, #tpu.memory_space<vmem>>
        %dma_wait3A_237 = arith.constant 0 : i32
        %dma_wait3A_238 = arith.constant 0 : i32
        %dma_wait3A_239 = tpu.memref_slice %arg7[%scan3A_120, %dma_wait3A_237, %dma_wait3A_238] : memref<2x20x125xi32, #tpu.memory_space<vmem>> -> memref<1x20x125xi32, #tpu.memory_space<vmem>>
        %dma_wait3A_240 = tpu.memref_squeeze %dma_wait3A_239 : memref<1x20x125xi32, #tpu.memory_space<vmem>> -> memref<20x125xi32, #tpu.memory_space<vmem>>
        %dma_wait3A_241 = arith.constant 0 : i32
        %dma_wait3A_242 = tpu.memref_slice %dma_wait3A_240[%add3A_201, %dma_wait3A_241] : memref<20x125xi32, #tpu.memory_space<vmem>> -> memref<1x125xi32, #tpu.memory_space<vmem>>
        %dma_wait3A_243 = tpu.memref_squeeze %dma_wait3A_242 : memref<1x125xi32, #tpu.memory_space<vmem>> -> memref<125xi32, #tpu.memory_space<vmem>>
        %dma_wait3A_244 = arith.constant 0 : i32
        %dma_wait3A_245 = arith.constant 0 : i32
        %dma_wait3A_246 = tpu.memref_slice %arg2[%dma_wait3A_244, %dma_wait3A_245] : memref<10000x128xf32, #tpu.memory_space<hbm>> -> memref<10000x128xf32, #tpu.memory_space<hbm>>
        tpu.wait_indirect_dma semaphore(%arg12 : memref<!tpu.dma_semaphore, #tpu.memory_space<semaphore_mem>>) src(%dma_wait3A_246 : memref<10000x128xf32, #tpu.memory_space<hbm>>) dst(%dma_wait3A_236 : memref<125x128xf32, #tpu.memory_space<vmem>>)
        %add3A_247 = arith.constant 1 : i32
        %add3A_248 = arith.addi %scan3A_197, %add3A_247 : i32
        %lt3A_249 = arith.constant 10 : i32
        %lt3A_250 = arith.cmpi slt, %add3A_248, %lt3A_249 : i32
        %convert_element_type3A_251 = arith.extui %lt3A_250 : i1 to i32
        %cond3A_252 = arith.constant 0 : i32
        %cond3A_253 = arith.cmpi ne, %convert_element_type3A_251, %cond3A_252 : i32
        scf.if %cond3A_253 {
          %add3A_255 = arith.constant 2 : i32
          %add3A_256 = arith.addi %mul3A_199, %add3A_255 : i32
          %dma_start3A_257 = arith.constant 0 : i32
          %dma_start3A_258 = arith.constant 0 : i32
          %dma_start3A_259 = arith.constant 0 : i32
          %dma_start3A_260 = tpu.memref_slice %arg9[%dma_start3A_257, %dma_start3A_258, %dma_start3A_259] : memref<2x125x128xf32, #tpu.memory_space<vmem>> -> memref<1x125x128xf32, #tpu.memory_space<vmem>>
          %dma_start3A_261 = tpu.memref_squeeze %dma_start3A_260 : memref<1x125x128xf32, #tpu.memory_space<vmem>> -> memref<125x128xf32, #tpu.memory_space<vmem>>
          %dma_start3A_262 = arith.constant 0 : i32
          %dma_start3A_263 = arith.constant 0 : i32
          %dma_start3A_264 = tpu.memref_slice %arg7[%scan3A_120, %dma_start3A_262, %dma_start3A_263] : memref<2x20x125xi32, #tpu.memory_space<vmem>> -> memref<1x20x125xi32, #tpu.memory_space<vmem>>
          %dma_start3A_265 = tpu.memref_squeeze %dma_start3A_264 : memref<1x20x125xi32, #tpu.memory_space<vmem>> -> memref<20x125xi32, #tpu.memory_space<vmem>>
          %dma_start3A_266 = arith.constant 0 : i32
          %dma_start3A_267 = tpu.memref_slice %dma_start3A_265[%add3A_256, %dma_start3A_266] : memref<20x125xi32, #tpu.memory_space<vmem>> -> memref<1x125xi32, #tpu.memory_space<vmem>>
          %dma_start3A_268 = tpu.memref_squeeze %dma_start3A_267 : memref<1x125xi32, #tpu.memory_space<vmem>> -> memref<125xi32, #tpu.memory_space<vmem>>
          %dma_start3A_269 = arith.constant 0 : i32
          %dma_start3A_270 = arith.constant 0 : i32
          %dma_start3A_271 = tpu.memref_slice %arg2[%dma_start3A_269, %dma_start3A_270] : memref<10000x128xf32, #tpu.memory_space<hbm>> -> memref<10000x128xf32, #tpu.memory_space<hbm>>
          tpu.enqueue_indirect_dma source(%dma_start3A_271 : memref<10000x128xf32, #tpu.memory_space<hbm>>) target(%dma_start3A_261 : memref<125x128xf32, #tpu.memory_space<vmem>>) offsets(%dma_start3A_268 : memref<125xi32, #tpu.memory_space<vmem>>) semaphore(%arg11 : memref<!tpu.dma_semaphore, #tpu.memory_space<semaphore_mem>>)
        } else {
        }
        %run_scoped3A_254 = arith.constant 1 : i32
        "tpu.region"() ({
          %run_scoped3A_255 = tpu.sem_alloc : memref<!tpu.dma_semaphore, #tpu.memory_space<semaphore_mem>>
          %dma_start3A_256 = arith.constant 0 : i32
          %dma_start3A_257 = arith.constant 0 : i32
          %dma_start3A_258 = tpu.memref_slice %arg9[%run_scoped3A_254, %dma_start3A_256, %dma_start3A_257] : memref<2x125x128xf32, #tpu.memory_space<vmem>> -> memref<1x125x128xf32, #tpu.memory_space<vmem>>
          %dma_start3A_259 = tpu.memref_squeeze %dma_start3A_258 : memref<1x125x128xf32, #tpu.memory_space<vmem>> -> memref<125x128xf32, #tpu.memory_space<vmem>>
          %dma_start3A_260 = arith.constant 0 : i32
          %dma_start3A_261 = arith.constant 0 : i32
          %dma_start3A_262 = tpu.memref_slice %arg8[%scan3A_121, %dma_start3A_260, %dma_start3A_261] : memref<2x20x125xi32, #tpu.memory_space<vmem>> -> memref<1x20x125xi32, #tpu.memory_space<vmem>>
          %dma_start3A_263 = tpu.memref_squeeze %dma_start3A_262 : memref<1x20x125xi32, #tpu.memory_space<vmem>> -> memref<20x125xi32, #tpu.memory_space<vmem>>
          %dma_start3A_264 = arith.constant 0 : i32
          %dma_start3A_265 = tpu.memref_slice %dma_start3A_263[%add3A_201, %dma_start3A_264] : memref<20x125xi32, #tpu.memory_space<vmem>> -> memref<1x125xi32, #tpu.memory_space<vmem>>
          %dma_start3A_266 = tpu.memref_squeeze %dma_start3A_265 : memref<1x125xi32, #tpu.memory_space<vmem>> -> memref<125xi32, #tpu.memory_space<vmem>>
          %dma_start3A_267 = arith.constant 0 : i32
          %dma_start3A_268 = arith.constant 0 : i32
          %dma_start3A_269 = tpu.memref_slice %arg10[%dma_start3A_267, %dma_start3A_268] : memref<10000x128xf32, #tpu.memory_space<vmem_shared>> -> memref<10000x128xf32, #tpu.memory_space<vmem_shared>>
          tpu.enqueue_indirect_dma source(%dma_start3A_259 : memref<125x128xf32, #tpu.memory_space<vmem>>) target(%dma_start3A_269 : memref<10000x128xf32, #tpu.memory_space<vmem_shared>>) offsets(%dma_start3A_266 : memref<125xi32, #tpu.memory_space<vmem>>) semaphore(%run_scoped3A_255 : memref<!tpu.dma_semaphore, #tpu.memory_space<semaphore_mem>>) {add = true}
          %dma_wait3A_270 = arith.constant 0 : i32
          %dma_wait3A_271 = arith.constant 0 : i32
          %dma_wait3A_272 = tpu.memref_slice %arg9[%run_scoped3A_254, %dma_wait3A_270, %dma_wait3A_271] : memref<2x125x128xf32, #tpu.memory_space<vmem>> -> memref<1x125x128xf32, #tpu.memory_space<vmem>>
          %dma_wait3A_273 = tpu.memref_squeeze %dma_wait3A_272 : memref<1x125x128xf32, #tpu.memory_space<vmem>> -> memref<125x128xf32, #tpu.memory_space<vmem>>
          %dma_wait3A_274 = arith.constant 0 : i32
          %dma_wait3A_275 = arith.constant 0 : i32
          %dma_wait3A_276 = tpu.memref_slice %arg8[%scan3A_121, %dma_wait3A_274, %dma_wait3A_275] : memref<2x20x125xi32, #tpu.memory_space<vmem>> -> memref<1x20x125xi32, #tpu.memory_space<vmem>>
          %dma_wait3A_277 = tpu.memref_squeeze %dma_wait3A_276 : memref<1x20x125xi32, #tpu.memory_space<vmem>> -> memref<20x125xi32, #tpu.memory_space<vmem>>
          %dma_wait3A_278 = arith.constant 0 : i32
          %dma_wait3A_279 = tpu.memref_slice %dma_wait3A_277[%add3A_201, %dma_wait3A_278] : memref<20x125xi32, #tpu.memory_space<vmem>> -> memref<1x125xi32, #tpu.memory_space<vmem>>
          %dma_wait3A_280 = tpu.memref_squeeze %dma_wait3A_279 : memref<1x125xi32, #tpu.memory_space<vmem>> -> memref<125xi32, #tpu.memory_space<vmem>>
          %dma_wait3A_281 = arith.constant 0 : i32
          %dma_wait3A_282 = arith.constant 0 : i32
          %dma_wait3A_283 = tpu.memref_slice %arg10[%dma_wait3A_281, %dma_wait3A_282] : memref<10000x128xf32, #tpu.memory_space<vmem_shared>> -> memref<10000x128xf32, #tpu.memory_space<vmem_shared>>
          tpu.wait_indirect_dma semaphore(%run_scoped3A_255 : memref<!tpu.dma_semaphore, #tpu.memory_space<semaphore_mem>>) src(%dma_wait3A_273 : memref<125x128xf32, #tpu.memory_space<vmem>>) dst(%dma_wait3A_283 : memref<10000x128xf32, #tpu.memory_space<vmem_shared>>)
          tpu.yield
        }) : () -> ()
      }
      %scan3A_126 = arith.constant 10 : i32
      %mul3A_127 = arith.constant 2 : i32
      %mul3A_128 = arith.muli %mul3A_127, %scan3A_57 : i32
      %add3A_129 = arith.constant 1 : i32
      %add3A_130 = arith.addi %mul3A_128, %add3A_129 : i32
      %dma_wait3A_131 = arith.constant 1 : i32
      %dma_wait3A_132 = arith.constant 0 : i32
      %dma_wait3A_133 = arith.constant 0 : i32
      %dma_wait3A_134 = tpu.memref_slice %arg7[%dma_wait3A_131, %dma_wait3A_132, %dma_wait3A_133] : memref<2x20x125xi32, #tpu.memory_space<vmem>> -> memref<1x20x125xi32, #tpu.memory_space<vmem>>
      %dma_wait3A_135 = tpu.memref_squeeze %dma_wait3A_134 : memref<1x20x125xi32, #tpu.memory_space<vmem>> -> memref<20x125xi32, #tpu.memory_space<vmem>>
      %dma_wait3A_136 = arith.constant 0 : i32
      %dma_wait3A_137 = arith.constant 0 : i32
      %dma_wait3A_138 = tpu.memref_slice %arg3[%add3A, %add3A_130, %dma_wait3A_136, %dma_wait3A_137] : memref<32x4x20x125xi32, #tpu.memory_space<hbm>> -> memref<1x1x20x125xi32, #tpu.memory_space<hbm>>
      %dma_wait3A_139 = tpu.memref_squeeze %dma_wait3A_138 : memref<1x1x20x125xi32, #tpu.memory_space<hbm>> -> memref<20x125xi32, #tpu.memory_space<hbm>>
      %dma_wait3A_140 = arith.constant 0 : i32
      %dma_wait3A_141 = arith.constant 0 : i32
      %dma_wait3A_142 = tpu.memref_slice %arg7[%dma_wait3A_131, %dma_wait3A_140, %dma_wait3A_141] : memref<2x20x125xi32, #tpu.memory_space<vmem>> -> memref<1x20x125xi32, #tpu.memory_space<vmem>>
      %dma_wait3A_143 = tpu.memref_squeeze %dma_wait3A_142 : memref<1x20x125xi32, #tpu.memory_space<vmem>> -> memref<20x125xi32, #tpu.memory_space<vmem>>
      %dma_wait3A_144 = arith.constant 0 : i32
      %dma_wait3A_145 = arith.constant 0 : i32
      %dma_wait3A_146 = tpu.memref_slice %arg3[%add3A, %add3A_130, %dma_wait3A_144, %dma_wait3A_145] : memref<32x4x20x125xi32, #tpu.memory_space<hbm>> -> memref<1x1x20x125xi32, #tpu.memory_space<hbm>>
      %dma_wait3A_147 = tpu.memref_squeeze %dma_wait3A_146 : memref<1x1x20x125xi32, #tpu.memory_space<hbm>> -> memref<20x125xi32, #tpu.memory_space<hbm>>
      tpu.wait_dma2 semaphore(%arg14 : memref<!tpu.dma_semaphore, #tpu.memory_space<semaphore_mem>>) src(%dma_wait3A_147 : memref<20x125xi32, #tpu.memory_space<hbm>>) dst(%dma_wait3A_143 : memref<20x125xi32, #tpu.memory_space<vmem>>)
      %dma_wait3A_148 = arith.constant 1 : i32
      %dma_wait3A_149 = arith.constant 0 : i32
      %dma_wait3A_150 = arith.constant 0 : i32
      %dma_wait3A_151 = tpu.memref_slice %arg8[%dma_wait3A_148, %dma_wait3A_149, %dma_wait3A_150] : memref<2x20x125xi32, #tpu.memory_space<vmem>> -> memref<1x20x125xi32, #tpu.memory_space<vmem>>
      %dma_wait3A_152 = tpu.memref_squeeze %dma_wait3A_151 : memref<1x20x125xi32, #tpu.memory_space<vmem>> -> memref<20x125xi32, #tpu.memory_space<vmem>>
      %dma_wait3A_153 = arith.constant 0 : i32
      %dma_wait3A_154 = arith.constant 0 : i32
      %dma_wait3A_155 = tpu.memref_slice %arg4[%add3A, %add3A_130, %dma_wait3A_153, %dma_wait3A_154] : memref<32x4x20x125xi32, #tpu.memory_space<hbm>> -> memref<1x1x20x125xi32, #tpu.memory_space<hbm>>
      %dma_wait3A_156 = tpu.memref_squeeze %dma_wait3A_155 : memref<1x1x20x125xi32, #tpu.memory_space<hbm>> -> memref<20x125xi32, #tpu.memory_space<hbm>>
      %dma_wait3A_157 = arith.constant 0 : i32
      %dma_wait3A_158 = arith.constant 0 : i32
      %dma_wait3A_159 = tpu.memref_slice %arg8[%dma_wait3A_148, %dma_wait3A_157, %dma_wait3A_158] : memref<2x20x125xi32, #tpu.memory_space<vmem>> -> memref<1x20x125xi32, #tpu.memory_space<vmem>>
      %dma_wait3A_160 = tpu.memref_squeeze %dma_wait3A_159 : memref<1x20x125xi32, #tpu.memory_space<vmem>> -> memref<20x125xi32, #tpu.memory_space<vmem>>
      %dma_wait3A_161 = arith.constant 0 : i32
      %dma_wait3A_162 = arith.constant 0 : i32
      %dma_wait3A_163 = tpu.memref_slice %arg4[%add3A, %add3A_130, %dma_wait3A_161, %dma_wait3A_162] : memref<32x4x20x125xi32, #tpu.memory_space<hbm>> -> memref<1x1x20x125xi32, #tpu.memory_space<hbm>>
      %dma_wait3A_164 = tpu.memref_squeeze %dma_wait3A_163 : memref<1x1x20x125xi32, #tpu.memory_space<hbm>> -> memref<20x125xi32, #tpu.memory_space<hbm>>
      tpu.wait_dma2 semaphore(%arg14 : memref<!tpu.dma_semaphore, #tpu.memory_space<semaphore_mem>>) src(%dma_wait3A_164 : memref<20x125xi32, #tpu.memory_space<hbm>>) dst(%dma_wait3A_160 : memref<20x125xi32, #tpu.memory_space<vmem>>)
      %add3A_165 = arith.constant 1 : i32
      %add3A_166 = arith.addi %add3A_130, %add3A_165 : i32
      %lt3A_167 = arith.constant 4 : i32
      %lt3A_168 = arith.cmpi slt, %add3A_166, %lt3A_167 : i32
      %convert_element_type3A_169 = arith.extui %lt3A_168 : i1 to i32
      %cond3A_170 = arith.constant 0 : i32
      %cond3A_171 = arith.cmpi ne, %convert_element_type3A_169, %cond3A_170 : i32
      scf.if %cond3A_171 {
        %add3A_197 = arith.constant 1 : i32
        %add3A_198 = arith.addi %add3A_130, %add3A_197 : i32
        %dma_start3A_199 = arith.constant 0 : i32
        %dma_start3A_200 = arith.constant 0 : i32
        %dma_start3A_201 = arith.constant 0 : i32
        %dma_start3A_202 = tpu.memref_slice %arg7[%dma_start3A_199, %dma_start3A_200, %dma_start3A_201] : memref<2x20x125xi32, #tpu.memory_space<vmem>> -> memref<1x20x125xi32, #tpu.memory_space<vmem>>
        %dma_start3A_203 = tpu.memref_squeeze %dma_start3A_202 : memref<1x20x125xi32, #tpu.memory_space<vmem>> -> memref<20x125xi32, #tpu.memory_space<vmem>>
        %dma_start3A_204 = arith.constant 0 : i32
        %dma_start3A_205 = arith.constant 0 : i32
        %dma_start3A_206 = tpu.memref_slice %arg3[%add3A, %add3A_198, %dma_start3A_204, %dma_start3A_205] : memref<32x4x20x125xi32, #tpu.memory_space<hbm>> -> memref<1x1x20x125xi32, #tpu.memory_space<hbm>>
        %dma_start3A_207 = tpu.memref_squeeze %dma_start3A_206 : memref<1x1x20x125xi32, #tpu.memory_space<hbm>> -> memref<20x125xi32, #tpu.memory_space<hbm>>
        %dma_start3A_208 = arith.constant 0 : i32
        %dma_start3A_209 = arith.constant 0 : i32
        %dma_start3A_210 = tpu.memref_slice %arg7[%dma_start3A_199, %dma_start3A_208, %dma_start3A_209] : memref<2x20x125xi32, #tpu.memory_space<vmem>> -> memref<1x20x125xi32, #tpu.memory_space<vmem>>
        %dma_start3A_211 = tpu.memref_squeeze %dma_start3A_210 : memref<1x20x125xi32, #tpu.memory_space<vmem>> -> memref<20x125xi32, #tpu.memory_space<vmem>>
        %dma_start3A_212 = arith.constant 0 : i32
        %dma_start3A_213 = arith.constant 0 : i32
        %dma_start3A_214 = tpu.memref_slice %arg3[%add3A, %add3A_198, %dma_start3A_212, %dma_start3A_213] : memref<32x4x20x125xi32, #tpu.memory_space<hbm>> -> memref<1x1x20x125xi32, #tpu.memory_space<hbm>>
        %dma_start3A_215 = tpu.memref_squeeze %dma_start3A_214 : memref<1x1x20x125xi32, #tpu.memory_space<hbm>> -> memref<20x125xi32, #tpu.memory_space<hbm>>
        tpu.enqueue_dma source(%dma_start3A_215 : memref<20x125xi32, #tpu.memory_space<hbm>>) target(%dma_start3A_211 : memref<20x125xi32, #tpu.memory_space<vmem>>) target_semaphore(%arg13 : memref<!tpu.dma_semaphore, #tpu.memory_space<semaphore_mem>>)
        %dma_start3A_216 = arith.constant 0 : i32
        %dma_start3A_217 = arith.constant 0 : i32
        %dma_start3A_218 = arith.constant 0 : i32
        %dma_start3A_219 = tpu.memref_slice %arg8[%dma_start3A_216, %dma_start3A_217, %dma_start3A_218] : memref<2x20x125xi32, #tpu.memory_space<vmem>> -> memref<1x20x125xi32, #tpu.memory_space<vmem>>
        %dma_start3A_220 = tpu.memref_squeeze %dma_start3A_219 : memref<1x20x125xi32, #tpu.memory_space<vmem>> -> memref<20x125xi32, #tpu.memory_space<vmem>>
        %dma_start3A_221 = arith.constant 0 : i32
        %dma_start3A_222 = arith.constant 0 : i32
        %dma_start3A_223 = tpu.memref_slice %arg4[%add3A, %add3A_198, %dma_start3A_221, %dma_start3A_222] : memref<32x4x20x125xi32, #tpu.memory_space<hbm>> -> memref<1x1x20x125xi32, #tpu.memory_space<hbm>>
        %dma_start3A_224 = tpu.memref_squeeze %dma_start3A_223 : memref<1x1x20x125xi32, #tpu.memory_space<hbm>> -> memref<20x125xi32, #tpu.memory_space<hbm>>
        %dma_start3A_225 = arith.constant 0 : i32
        %dma_start3A_226 = arith.constant 0 : i32
        %dma_start3A_227 = tpu.memref_slice %arg8[%dma_start3A_216, %dma_start3A_225, %dma_start3A_226] : memref<2x20x125xi32, #tpu.memory_space<vmem>> -> memref<1x20x125xi32, #tpu.memory_space<vmem>>
        %dma_start3A_228 = tpu.memref_squeeze %dma_start3A_227 : memref<1x20x125xi32, #tpu.memory_space<vmem>> -> memref<20x125xi32, #tpu.memory_space<vmem>>
        %dma_start3A_229 = arith.constant 0 : i32
        %dma_start3A_230 = arith.constant 0 : i32
        %dma_start3A_231 = tpu.memref_slice %arg4[%add3A, %add3A_198, %dma_start3A_229, %dma_start3A_230] : memref<32x4x20x125xi32, #tpu.memory_space<hbm>> -> memref<1x1x20x125xi32, #tpu.memory_space<hbm>>
        %dma_start3A_232 = tpu.memref_squeeze %dma_start3A_231 : memref<1x1x20x125xi32, #tpu.memory_space<hbm>> -> memref<20x125xi32, #tpu.memory_space<hbm>>
        tpu.enqueue_dma source(%dma_start3A_232 : memref<20x125xi32, #tpu.memory_space<hbm>>) target(%dma_start3A_228 : memref<20x125xi32, #tpu.memory_space<vmem>>) target_semaphore(%arg13 : memref<!tpu.dma_semaphore, #tpu.memory_space<semaphore_mem>>)
      } else {
      }
      %dma_start3A_172 = arith.constant 1 : i32
      %dma_start3A_173 = arith.constant 0 : i32
      %dma_start3A_174 = arith.constant 0 : i32
      %dma_start3A_175 = arith.constant 0 : i32
      %dma_start3A_176 = arith.constant 0 : i32
      %dma_start3A_177 = tpu.memref_slice %arg9[%dma_start3A_174, %dma_start3A_175, %dma_start3A_176] : memref<2x125x128xf32, #tpu.memory_space<vmem>> -> memref<1x125x128xf32, #tpu.memory_space<vmem>>
      %dma_start3A_178 = tpu.memref_squeeze %dma_start3A_177 : memref<1x125x128xf32, #tpu.memory_space<vmem>> -> memref<125x128xf32, #tpu.memory_space<vmem>>
      %dma_start3A_179 = arith.constant 0 : i32
      %dma_start3A_180 = arith.constant 0 : i32
      %dma_start3A_181 = tpu.memref_slice %arg7[%dma_start3A_172, %dma_start3A_179, %dma_start3A_180] : memref<2x20x125xi32, #tpu.memory_space<vmem>> -> memref<1x20x125xi32, #tpu.memory_space<vmem>>
      %dma_start3A_182 = tpu.memref_squeeze %dma_start3A_181 : memref<1x20x125xi32, #tpu.memory_space<vmem>> -> memref<20x125xi32, #tpu.memory_space<vmem>>
      %dma_start3A_183 = arith.constant 0 : i32
      %dma_start3A_184 = tpu.memref_slice %dma_start3A_182[%dma_start3A_173, %dma_start3A_183] : memref<20x125xi32, #tpu.memory_space<vmem>> -> memref<1x125xi32, #tpu.memory_space<vmem>>
      %dma_start3A_185 = tpu.memref_squeeze %dma_start3A_184 : memref<1x125xi32, #tpu.memory_space<vmem>> -> memref<125xi32, #tpu.memory_space<vmem>>
      %dma_start3A_186 = arith.constant 0 : i32
      %dma_start3A_187 = arith.constant 0 : i32
      %dma_start3A_188 = tpu.memref_slice %arg2[%dma_start3A_186, %dma_start3A_187] : memref<10000x128xf32, #tpu.memory_space<hbm>> -> memref<10000x128xf32, #tpu.memory_space<hbm>>
      tpu.enqueue_indirect_dma source(%dma_start3A_188 : memref<10000x128xf32, #tpu.memory_space<hbm>>) target(%dma_start3A_178 : memref<125x128xf32, #tpu.memory_space<vmem>>) offsets(%dma_start3A_185 : memref<125xi32, #tpu.memory_space<vmem>>) semaphore(%arg11 : memref<!tpu.dma_semaphore, #tpu.memory_space<semaphore_mem>>)
      %scan3A_189 = arith.constant 0 : i32
      %scan3A_190 = arith.constant 1 : i32
      %scan3A_191 = arith.constant 1 : i32
      %scan3A_192 = arith.constant 0 : i32
      %scan3A_193 = arith.constant 10 : i32
      %scan3A_194 = arith.addi %scan3A_192, %scan3A_193 : i32
      %scan3A_195 = arith.constant 1 : i32
      scf.for %scan3A_197 = %scan3A_192 to %scan3A_194 step %scan3A_195  : i32 {
        %mul3A_198 = arith.constant 2 : i32
        %mul3A_199 = arith.muli %mul3A_198, %scan3A_197 : i32
        %add3A_200 = arith.constant 1 : i32
        %add3A_201 = arith.addi %mul3A_199, %add3A_200 : i32
        %dma_wait3A_202 = arith.constant 0 : i32
        %dma_wait3A_203 = arith.constant 0 : i32
        %dma_wait3A_204 = arith.constant 0 : i32
        %dma_wait3A_205 = tpu.memref_slice %arg9[%dma_wait3A_202, %dma_wait3A_203, %dma_wait3A_204] : memref<2x125x128xf32, #tpu.memory_space<vmem>> -> memref<1x125x128xf32, #tpu.memory_space<vmem>>
        %dma_wait3A_206 = tpu.memref_squeeze %dma_wait3A_205 : memref<1x125x128xf32, #tpu.memory_space<vmem>> -> memref<125x128xf32, #tpu.memory_space<vmem>>
        %dma_wait3A_207 = arith.constant 0 : i32
        %dma_wait3A_208 = arith.constant 0 : i32
        %dma_wait3A_209 = tpu.memref_slice %arg7[%scan3A_190, %dma_wait3A_207, %dma_wait3A_208] : memref<2x20x125xi32, #tpu.memory_space<vmem>> -> memref<1x20x125xi32, #tpu.memory_space<vmem>>
        %dma_wait3A_210 = tpu.memref_squeeze %dma_wait3A_209 : memref<1x20x125xi32, #tpu.memory_space<vmem>> -> memref<20x125xi32, #tpu.memory_space<vmem>>
        %dma_wait3A_211 = arith.constant 0 : i32
        %dma_wait3A_212 = tpu.memref_slice %dma_wait3A_210[%mul3A_199, %dma_wait3A_211] : memref<20x125xi32, #tpu.memory_space<vmem>> -> memref<1x125xi32, #tpu.memory_space<vmem>>
        %dma_wait3A_213 = tpu.memref_squeeze %dma_wait3A_212 : memref<1x125xi32, #tpu.memory_space<vmem>> -> memref<125xi32, #tpu.memory_space<vmem>>
        %dma_wait3A_214 = arith.constant 0 : i32
        %dma_wait3A_215 = arith.constant 0 : i32
        %dma_wait3A_216 = tpu.memref_slice %arg2[%dma_wait3A_214, %dma_wait3A_215] : memref<10000x128xf32, #tpu.memory_space<hbm>> -> memref<10000x128xf32, #tpu.memory_space<hbm>>
        tpu.wait_indirect_dma semaphore(%arg11 : memref<!tpu.dma_semaphore, #tpu.memory_space<semaphore_mem>>) src(%dma_wait3A_216 : memref<10000x128xf32, #tpu.memory_space<hbm>>) dst(%dma_wait3A_206 : memref<125x128xf32, #tpu.memory_space<vmem>>)
        %dma_start3A_217 = arith.constant 1 : i32
        %dma_start3A_218 = arith.constant 0 : i32
        %dma_start3A_219 = arith.constant 0 : i32
        %dma_start3A_220 = tpu.memref_slice %arg9[%dma_start3A_217, %dma_start3A_218, %dma_start3A_219] : memref<2x125x128xf32, #tpu.memory_space<vmem>> -> memref<1x125x128xf32, #tpu.memory_space<vmem>>
        %dma_start3A_221 = tpu.memref_squeeze %dma_start3A_220 : memref<1x125x128xf32, #tpu.memory_space<vmem>> -> memref<125x128xf32, #tpu.memory_space<vmem>>
        %dma_start3A_222 = arith.constant 0 : i32
        %dma_start3A_223 = arith.constant 0 : i32
        %dma_start3A_224 = tpu.memref_slice %arg7[%scan3A_190, %dma_start3A_222, %dma_start3A_223] : memref<2x20x125xi32, #tpu.memory_space<vmem>> -> memref<1x20x125xi32, #tpu.memory_space<vmem>>
        %dma_start3A_225 = tpu.memref_squeeze %dma_start3A_224 : memref<1x20x125xi32, #tpu.memory_space<vmem>> -> memref<20x125xi32, #tpu.memory_space<vmem>>
        %dma_start3A_226 = arith.constant 0 : i32
        %dma_start3A_227 = tpu.memref_slice %dma_start3A_225[%add3A_201, %dma_start3A_226] : memref<20x125xi32, #tpu.memory_space<vmem>> -> memref<1x125xi32, #tpu.memory_space<vmem>>
        %dma_start3A_228 = tpu.memref_squeeze %dma_start3A_227 : memref<1x125xi32, #tpu.memory_space<vmem>> -> memref<125xi32, #tpu.memory_space<vmem>>
        %dma_start3A_229 = arith.constant 0 : i32
        %dma_start3A_230 = arith.constant 0 : i32
        %dma_start3A_231 = tpu.memref_slice %arg2[%dma_start3A_229, %dma_start3A_230] : memref<10000x128xf32, #tpu.memory_space<hbm>> -> memref<10000x128xf32, #tpu.memory_space<hbm>>
        tpu.enqueue_indirect_dma source(%dma_start3A_231 : memref<10000x128xf32, #tpu.memory_space<hbm>>) target(%dma_start3A_221 : memref<125x128xf32, #tpu.memory_space<vmem>>) offsets(%dma_start3A_228 : memref<125xi32, #tpu.memory_space<vmem>>) semaphore(%arg12 : memref<!tpu.dma_semaphore, #tpu.memory_space<semaphore_mem>>)
        %run_scoped3A = arith.constant 0 : i32
        "tpu.region"() ({
          %run_scoped3A_255 = tpu.sem_alloc : memref<!tpu.dma_semaphore, #tpu.memory_space<semaphore_mem>>
          %dma_start3A_256 = arith.constant 0 : i32
          %dma_start3A_257 = arith.constant 0 : i32
          %dma_start3A_258 = tpu.memref_slice %arg9[%run_scoped3A, %dma_start3A_256, %dma_start3A_257] : memref<2x125x128xf32, #tpu.memory_space<vmem>> -> memref<1x125x128xf32, #tpu.memory_space<vmem>>
          %dma_start3A_259 = tpu.memref_squeeze %dma_start3A_258 : memref<1x125x128xf32, #tpu.memory_space<vmem>> -> memref<125x128xf32, #tpu.memory_space<vmem>>
          %dma_start3A_260 = arith.constant 0 : i32
          %dma_start3A_261 = arith.constant 0 : i32
          %dma_start3A_262 = tpu.memref_slice %arg8[%scan3A_191, %dma_start3A_260, %dma_start3A_261] : memref<2x20x125xi32, #tpu.memory_space<vmem>> -> memref<1x20x125xi32, #tpu.memory_space<vmem>>
          %dma_start3A_263 = tpu.memref_squeeze %dma_start3A_262 : memref<1x20x125xi32, #tpu.memory_space<vmem>> -> memref<20x125xi32, #tpu.memory_space<vmem>>
          %dma_start3A_264 = arith.constant 0 : i32
          %dma_start3A_265 = tpu.memref_slice %dma_start3A_263[%mul3A_199, %dma_start3A_264] : memref<20x125xi32, #tpu.memory_space<vmem>> -> memref<1x125xi32, #tpu.memory_space<vmem>>
          %dma_start3A_266 = tpu.memref_squeeze %dma_start3A_265 : memref<1x125xi32, #tpu.memory_space<vmem>> -> memref<125xi32, #tpu.memory_space<vmem>>
          %dma_start3A_267 = arith.constant 0 : i32
          %dma_start3A_268 = arith.constant 0 : i32
          %dma_start3A_269 = tpu.memref_slice %arg10[%dma_start3A_267, %dma_start3A_268] : memref<10000x128xf32, #tpu.memory_space<vmem_shared>> -> memref<10000x128xf32, #tpu.memory_space<vmem_shared>>
          tpu.enqueue_indirect_dma source(%dma_start3A_259 : memref<125x128xf32, #tpu.memory_space<vmem>>) target(%dma_start3A_269 : memref<10000x128xf32, #tpu.memory_space<vmem_shared>>) offsets(%dma_start3A_266 : memref<125xi32, #tpu.memory_space<vmem>>) semaphore(%run_scoped3A_255 : memref<!tpu.dma_semaphore, #tpu.memory_space<semaphore_mem>>) {add = true}
          %dma_wait3A_270 = arith.constant 0 : i32
          %dma_wait3A_271 = arith.constant 0 : i32
          %dma_wait3A_272 = tpu.memref_slice %arg9[%run_scoped3A, %dma_wait3A_270, %dma_wait3A_271] : memref<2x125x128xf32, #tpu.memory_space<vmem>> -> memref<1x125x128xf32, #tpu.memory_space<vmem>>
          %dma_wait3A_273 = tpu.memref_squeeze %dma_wait3A_272 : memref<1x125x128xf32, #tpu.memory_space<vmem>> -> memref<125x128xf32, #tpu.memory_space<vmem>>
          %dma_wait3A_274 = arith.constant 0 : i32
          %dma_wait3A_275 = arith.constant 0 : i32
          %dma_wait3A_276 = tpu.memref_slice %arg8[%scan3A_191, %dma_wait3A_274, %dma_wait3A_275] : memref<2x20x125xi32, #tpu.memory_space<vmem>> -> memref<1x20x125xi32, #tpu.memory_space<vmem>>
          %dma_wait3A_277 = tpu.memref_squeeze %dma_wait3A_276 : memref<1x20x125xi32, #tpu.memory_space<vmem>> -> memref<20x125xi32, #tpu.memory_space<vmem>>
          %dma_wait3A_278 = arith.constant 0 : i32
          %dma_wait3A_279 = tpu.memref_slice %dma_wait3A_277[%mul3A_199, %dma_wait3A_278] : memref<20x125xi32, #tpu.memory_space<vmem>> -> memref<1x125xi32, #tpu.memory_space<vmem>>
          %dma_wait3A_280 = tpu.memref_squeeze %dma_wait3A_279 : memref<1x125xi32, #tpu.memory_space<vmem>> -> memref<125xi32, #tpu.memory_space<vmem>>
          %dma_wait3A_281 = arith.constant 0 : i32
          %dma_wait3A_282 = arith.constant 0 : i32
          %dma_wait3A_283 = tpu.memref_slice %arg10[%dma_wait3A_281, %dma_wait3A_282] : memref<10000x128xf32, #tpu.memory_space<vmem_shared>> -> memref<10000x128xf32, #tpu.memory_space<vmem_shared>>
          tpu.wait_indirect_dma semaphore(%run_scoped3A_255 : memref<!tpu.dma_semaphore, #tpu.memory_space<semaphore_mem>>) src(%dma_wait3A_273 : memref<125x128xf32, #tpu.memory_space<vmem>>) dst(%dma_wait3A_283 : memref<10000x128xf32, #tpu.memory_space<vmem_shared>>)
          tpu.yield
        }) : () -> ()
        %dma_wait3A_232 = arith.constant 1 : i32
        %dma_wait3A_233 = arith.constant 0 : i32
        %dma_wait3A_234 = arith.constant 0 : i32
        %dma_wait3A_235 = tpu.memref_slice %arg9[%dma_wait3A_232, %dma_wait3A_233, %dma_wait3A_234] : memref<2x125x128xf32, #tpu.memory_space<vmem>> -> memref<1x125x128xf32, #tpu.memory_space<vmem>>
        %dma_wait3A_236 = tpu.memref_squeeze %dma_wait3A_235 : memref<1x125x128xf32, #tpu.memory_space<vmem>> -> memref<125x128xf32, #tpu.memory_space<vmem>>
        %dma_wait3A_237 = arith.constant 0 : i32
        %dma_wait3A_238 = arith.constant 0 : i32
        %dma_wait3A_239 = tpu.memref_slice %arg7[%scan3A_190, %dma_wait3A_237, %dma_wait3A_238] : memref<2x20x125xi32, #tpu.memory_space<vmem>> -> memref<1x20x125xi32, #tpu.memory_space<vmem>>
        %dma_wait3A_240 = tpu.memref_squeeze %dma_wait3A_239 : memref<1x20x125xi32, #tpu.memory_space<vmem>> -> memref<20x125xi32, #tpu.memory_space<vmem>>
        %dma_wait3A_241 = arith.constant 0 : i32
        %dma_wait3A_242 = tpu.memref_slice %dma_wait3A_240[%add3A_201, %dma_wait3A_241] : memref<20x125xi32, #tpu.memory_space<vmem>> -> memref<1x125xi32, #tpu.memory_space<vmem>>
        %dma_wait3A_243 = tpu.memref_squeeze %dma_wait3A_242 : memref<1x125xi32, #tpu.memory_space<vmem>> -> memref<125xi32, #tpu.memory_space<vmem>>
        %dma_wait3A_244 = arith.constant 0 : i32
        %dma_wait3A_245 = arith.constant 0 : i32
        %dma_wait3A_246 = tpu.memref_slice %arg2[%dma_wait3A_244, %dma_wait3A_245] : memref<10000x128xf32, #tpu.memory_space<hbm>> -> memref<10000x128xf32, #tpu.memory_space<hbm>>
        tpu.wait_indirect_dma semaphore(%arg12 : memref<!tpu.dma_semaphore, #tpu.memory_space<semaphore_mem>>) src(%dma_wait3A_246 : memref<10000x128xf32, #tpu.memory_space<hbm>>) dst(%dma_wait3A_236 : memref<125x128xf32, #tpu.memory_space<vmem>>)
        %add3A_247 = arith.constant 1 : i32
        %add3A_248 = arith.addi %scan3A_197, %add3A_247 : i32
        %lt3A_249 = arith.constant 10 : i32
        %lt3A_250 = arith.cmpi slt, %add3A_248, %lt3A_249 : i32
        %convert_element_type3A_251 = arith.extui %lt3A_250 : i1 to i32
        %cond3A_252 = arith.constant 0 : i32
        %cond3A_253 = arith.cmpi ne, %convert_element_type3A_251, %cond3A_252 : i32
        scf.if %cond3A_253 {
          %add3A_255 = arith.constant 2 : i32
          %add3A_256 = arith.addi %mul3A_199, %add3A_255 : i32
          %dma_start3A_257 = arith.constant 0 : i32
          %dma_start3A_258 = arith.constant 0 : i32
          %dma_start3A_259 = arith.constant 0 : i32
          %dma_start3A_260 = tpu.memref_slice %arg9[%dma_start3A_257, %dma_start3A_258, %dma_start3A_259] : memref<2x125x128xf32, #tpu.memory_space<vmem>> -> memref<1x125x128xf32, #tpu.memory_space<vmem>>
          %dma_start3A_261 = tpu.memref_squeeze %dma_start3A_260 : memref<1x125x128xf32, #tpu.memory_space<vmem>> -> memref<125x128xf32, #tpu.memory_space<vmem>>
          %dma_start3A_262 = arith.constant 0 : i32
          %dma_start3A_263 = arith.constant 0 : i32
          %dma_start3A_264 = tpu.memref_slice %arg7[%scan3A_190, %dma_start3A_262, %dma_start3A_263] : memref<2x20x125xi32, #tpu.memory_space<vmem>> -> memref<1x20x125xi32, #tpu.memory_space<vmem>>
          %dma_start3A_265 = tpu.memref_squeeze %dma_start3A_264 : memref<1x20x125xi32, #tpu.memory_space<vmem>> -> memref<20x125xi32, #tpu.memory_space<vmem>>
          %dma_start3A_266 = arith.constant 0 : i32
          %dma_start3A_267 = tpu.memref_slice %dma_start3A_265[%add3A_256, %dma_start3A_266] : memref<20x125xi32, #tpu.memory_space<vmem>> -> memref<1x125xi32, #tpu.memory_space<vmem>>
          %dma_start3A_268 = tpu.memref_squeeze %dma_start3A_267 : memref<1x125xi32, #tpu.memory_space<vmem>> -> memref<125xi32, #tpu.memory_space<vmem>>
          %dma_start3A_269 = arith.constant 0 : i32
          %dma_start3A_270 = arith.constant 0 : i32
          %dma_start3A_271 = tpu.memref_slice %arg2[%dma_start3A_269, %dma_start3A_270] : memref<10000x128xf32, #tpu.memory_space<hbm>> -> memref<10000x128xf32, #tpu.memory_space<hbm>>
          tpu.enqueue_indirect_dma source(%dma_start3A_271 : memref<10000x128xf32, #tpu.memory_space<hbm>>) target(%dma_start3A_261 : memref<125x128xf32, #tpu.memory_space<vmem>>) offsets(%dma_start3A_268 : memref<125xi32, #tpu.memory_space<vmem>>) semaphore(%arg11 : memref<!tpu.dma_semaphore, #tpu.memory_space<semaphore_mem>>)
        } else {
        }
        %run_scoped3A_254 = arith.constant 1 : i32
        "tpu.region"() ({
          %run_scoped3A_255 = tpu.sem_alloc : memref<!tpu.dma_semaphore, #tpu.memory_space<semaphore_mem>>
          %dma_start3A_256 = arith.constant 0 : i32
          %dma_start3A_257 = arith.constant 0 : i32
          %dma_start3A_258 = tpu.memref_slice %arg9[%run_scoped3A_254, %dma_start3A_256, %dma_start3A_257] : memref<2x125x128xf32, #tpu.memory_space<vmem>> -> memref<1x125x128xf32, #tpu.memory_space<vmem>>
          %dma_start3A_259 = tpu.memref_squeeze %dma_start3A_258 : memref<1x125x128xf32, #tpu.memory_space<vmem>> -> memref<125x128xf32, #tpu.memory_space<vmem>>
          %dma_start3A_260 = arith.constant 0 : i32
          %dma_start3A_261 = arith.constant 0 : i32
          %dma_start3A_262 = tpu.memref_slice %arg8[%scan3A_191, %dma_start3A_260, %dma_start3A_261] : memref<2x20x125xi32, #tpu.memory_space<vmem>> -> memref<1x20x125xi32, #tpu.memory_space<vmem>>
          %dma_start3A_263 = tpu.memref_squeeze %dma_start3A_262 : memref<1x20x125xi32, #tpu.memory_space<vmem>> -> memref<20x125xi32, #tpu.memory_space<vmem>>
          %dma_start3A_264 = arith.constant 0 : i32
          %dma_start3A_265 = tpu.memref_slice %dma_start3A_263[%add3A_201, %dma_start3A_264] : memref<20x125xi32, #tpu.memory_space<vmem>> -> memref<1x125xi32, #tpu.memory_space<vmem>>
          %dma_start3A_266 = tpu.memref_squeeze %dma_start3A_265 : memref<1x125xi32, #tpu.memory_space<vmem>> -> memref<125xi32, #tpu.memory_space<vmem>>
          %dma_start3A_267 = arith.constant 0 : i32
          %dma_start3A_268 = arith.constant 0 : i32
          %dma_start3A_269 = tpu.memref_slice %arg10[%dma_start3A_267, %dma_start3A_268] : memref<10000x128xf32, #tpu.memory_space<vmem_shared>> -> memref<10000x128xf32, #tpu.memory_space<vmem_shared>>
          tpu.enqueue_indirect_dma source(%dma_start3A_259 : memref<125x128xf32, #tpu.memory_space<vmem>>) target(%dma_start3A_269 : memref<10000x128xf32, #tpu.memory_space<vmem_shared>>) offsets(%dma_start3A_266 : memref<125xi32, #tpu.memory_space<vmem>>) semaphore(%run_scoped3A_255 : memref<!tpu.dma_semaphore, #tpu.memory_space<semaphore_mem>>) {add = true}
          %dma_wait3A_270 = arith.constant 0 : i32
          %dma_wait3A_271 = arith.constant 0 : i32
          %dma_wait3A_272 = tpu.memref_slice %arg9[%run_scoped3A_254, %dma_wait3A_270, %dma_wait3A_271] : memref<2x125x128xf32, #tpu.memory_space<vmem>> -> memref<1x125x128xf32, #tpu.memory_space<vmem>>
          %dma_wait3A_273 = tpu.memref_squeeze %dma_wait3A_272 : memref<1x125x128xf32, #tpu.memory_space<vmem>> -> memref<125x128xf32, #tpu.memory_space<vmem>>
          %dma_wait3A_274 = arith.constant 0 : i32
          %dma_wait3A_275 = arith.constant 0 : i32
          %dma_wait3A_276 = tpu.memref_slice %arg8[%scan3A_191, %dma_wait3A_274, %dma_wait3A_275] : memref<2x20x125xi32, #tpu.memory_space<vmem>> -> memref<1x20x125xi32, #tpu.memory_space<vmem>>
          %dma_wait3A_277 = tpu.memref_squeeze %dma_wait3A_276 : memref<1x20x125xi32, #tpu.memory_space<vmem>> -> memref<20x125xi32, #tpu.memory_space<vmem>>
          %dma_wait3A_278 = arith.constant 0 : i32
          %dma_wait3A_279 = tpu.memref_slice %dma_wait3A_277[%add3A_201, %dma_wait3A_278] : memref<20x125xi32, #tpu.memory_space<vmem>> -> memref<1x125xi32, #tpu.memory_space<vmem>>
          %dma_wait3A_280 = tpu.memref_squeeze %dma_wait3A_279 : memref<1x125xi32, #tpu.memory_space<vmem>> -> memref<125xi32, #tpu.memory_space<vmem>>
          %dma_wait3A_281 = arith.constant 0 : i32
          %dma_wait3A_282 = arith.constant 0 : i32
          %dma_wait3A_283 = tpu.memref_slice %arg10[%dma_wait3A_281, %dma_wait3A_282] : memref<10000x128xf32, #tpu.memory_space<vmem_shared>> -> memref<10000x128xf32, #tpu.memory_space<vmem_shared>>
          tpu.wait_indirect_dma semaphore(%run_scoped3A_255 : memref<!tpu.dma_semaphore, #tpu.memory_space<semaphore_mem>>) src(%dma_wait3A_273 : memref<125x128xf32, #tpu.memory_space<vmem>>) dst(%dma_wait3A_283 : memref<10000x128xf32, #tpu.memory_space<vmem_shared>>)
          tpu.yield
        }) : () -> ()
      }
      %scan3A_196 = arith.constant 10 : i32
    }
    %scan3A_46 = arith.constant 2 : i32
    %barrier3A_47 = arith.constant 0 : index
    tpu.barrier barrier_id(%barrier3A_47)
    %lt3A = arith.constant 15 : i32
    %lt3A_48 = arith.cmpi slt, %arg1, %lt3A : i32
    %convert_element_type3A_49 = arith.extui %lt3A_48 : i1 to i32
    %cond3A_50 = arith.constant 0 : i32
    %cond3A_51 = arith.cmpi ne, %convert_element_type3A_49, %cond3A_50 : i32
    scf.if %cond3A_51 {
      %mul3A_57 = arith.constant 624 : i32
      %mul3A_58 = arith.muli %arg1, %mul3A_57 : i32
      "tpu.region"() ({
        %run_scoped3A = tpu.sem_alloc : memref<!tpu.dma_semaphore, #tpu.memory_space<semaphore_mem>>
        %dma_start3A_59 = arith.constant 0 : i32
        %dma_start3A_60 = tpu.memref_slice %arg6[%arg0, %mul3A_58, %dma_start3A_59] : memref<2x10000x128xf32, #tpu.memory_space<hbm>> -> memref<1x624x128xf32, #tpu.memory_space<hbm>>
        %dma_start3A_61 = tpu.memref_squeeze %dma_start3A_60 : memref<1x624x128xf32, #tpu.memory_space<hbm>> -> memref<624x128xf32, #tpu.memory_space<hbm>>
        %dma_start3A_62 = arith.constant 0 : i32
        %dma_start3A_63 = tpu.memref_slice %arg10[%mul3A_58, %dma_start3A_62] : memref<10000x128xf32, #tpu.memory_space<vmem_shared>> -> memref<624x128xf32, #tpu.memory_space<vmem_shared>>
        tpu.enqueue_dma source(%dma_start3A_63 : memref<624x128xf32, #tpu.memory_space<vmem_shared>>) target(%dma_start3A_61 : memref<624x128xf32, #tpu.memory_space<hbm>>) target_semaphore(%run_scoped3A : memref<!tpu.dma_semaphore, #tpu.memory_space<semaphore_mem>>)
        %dma_wait3A = arith.constant 0 : i32
        %dma_wait3A_64 = tpu.memref_slice %arg6[%arg0, %mul3A_58, %dma_wait3A] : memref<2x10000x128xf32, #tpu.memory_space<hbm>> -> memref<1x624x128xf32, #tpu.memory_space<hbm>>
        %dma_wait3A_65 = tpu.memref_squeeze %dma_wait3A_64 : memref<1x624x128xf32, #tpu.memory_space<hbm>> -> memref<624x128xf32, #tpu.memory_space<hbm>>
        %dma_wait3A_66 = arith.constant 0 : i32
        %dma_wait3A_67 = tpu.memref_slice %arg10[%mul3A_58, %dma_wait3A_66] : memref<10000x128xf32, #tpu.memory_space<vmem_shared>> -> memref<624x128xf32, #tpu.memory_space<vmem_shared>>
        tpu.wait_dma2 semaphore(%run_scoped3A : memref<!tpu.dma_semaphore, #tpu.memory_space<semaphore_mem>>) src(%dma_wait3A_67 : memref<624x128xf32, #tpu.memory_space<vmem_shared>>) dst(%dma_wait3A_65 : memref<624x128xf32, #tpu.memory_space<hbm>>)
        tpu.yield
      }) : () -> ()
    } else {
    }
    %eq3A_52 = arith.constant 15 : i32
    %eq3A_53 = arith.cmpi eq, %arg1, %eq3A_52 : i32
    %convert_element_type3A_54 = arith.extui %eq3A_53 : i1 to i32
    %cond3A_55 = arith.constant 0 : i32
    %cond3A_56 = arith.cmpi ne, %convert_element_type3A_54, %cond3A_55 : i32
    scf.if %cond3A_56 {
      "tpu.region"() ({
        %run_scoped3A = tpu.sem_alloc : memref<!tpu.dma_semaphore, #tpu.memory_space<semaphore_mem>>
        %dma_start3A_57 = arith.constant 9360 : i32
        %dma_start3A_58 = arith.constant 0 : i32
        %dma_start3A_59 = tpu.memref_slice %arg6[%arg0, %dma_start3A_57, %dma_start3A_58] : memref<2x10000x128xf32, #tpu.memory_space<hbm>> -> memref<1x640x128xf32, #tpu.memory_space<hbm>>
        %dma_start3A_60 = tpu.memref_squeeze %dma_start3A_59 : memref<1x640x128xf32, #tpu.memory_space<hbm>> -> memref<640x128xf32, #tpu.memory_space<hbm>>
        %dma_start3A_61 = arith.constant 9360 : i32
        %dma_start3A_62 = arith.constant 0 : i32
        %dma_start3A_63 = tpu.memref_slice %arg10[%dma_start3A_61, %dma_start3A_62] : memref<10000x128xf32, #tpu.memory_space<vmem_shared>> -> memref<640x128xf32, #tpu.memory_space<vmem_shared>>
        tpu.enqueue_dma source(%dma_start3A_63 : memref<640x128xf32, #tpu.memory_space<vmem_shared>>) target(%dma_start3A_60 : memref<640x128xf32, #tpu.memory_space<hbm>>) target_semaphore(%run_scoped3A : memref<!tpu.dma_semaphore, #tpu.memory_space<semaphore_mem>>)
        %dma_wait3A = arith.constant 9360 : i32
        %dma_wait3A_64 = arith.constant 0 : i32
        %dma_wait3A_65 = tpu.memref_slice %arg6[%arg0, %dma_wait3A, %dma_wait3A_64] : memref<2x10000x128xf32, #tpu.memory_space<hbm>> -> memref<1x640x128xf32, #tpu.memory_space<hbm>>
        %dma_wait3A_66 = tpu.memref_squeeze %dma_wait3A_65 : memref<1x640x128xf32, #tpu.memory_space<hbm>> -> memref<640x128xf32, #tpu.memory_space<hbm>>
        %dma_wait3A_67 = arith.constant 9360 : i32
        %dma_wait3A_68 = arith.constant 0 : i32
        %dma_wait3A_69 = tpu.memref_slice %arg10[%dma_wait3A_67, %dma_wait3A_68] : memref<10000x128xf32, #tpu.memory_space<vmem_shared>> -> memref<640x128xf32, #tpu.memory_space<vmem_shared>>
        tpu.wait_dma2 semaphore(%run_scoped3A : memref<!tpu.dma_semaphore, #tpu.memory_space<semaphore_mem>>) src(%dma_wait3A_69 : memref<640x128xf32, #tpu.memory_space<vmem_shared>>) dst(%dma_wait3A_66 : memref<640x128xf32, #tpu.memory_space<hbm>>)
        tpu.yield
      }) : () -> ()
    } else {
    }
    return
  }
}

#map = affine_map<(d0, d1) -> (0, 0, 0, 0)>
#map1 = affine_map<(d0, d1) -> (0)>
#map2 = affine_map<(d0, d1) -> (0, 0)>
module attributes {stable_mosaic.version = 14 : i64} {
  func.func @_deg_body(%arg0: i32, %arg1: i32, %arg2: memref<32x4x20x125xi32, #tpu.memory_space<hbm>>, %arg3: memref<640xf32, #tpu.memory_space<hbm>>, %arg4: memref<2x10240xf32, #tpu.memory_space<hbm>>, %arg5: memref<4x20x125xi32, #tpu.memory_space<vmem>>, %arg6: memref<128xf32, #tpu.memory_space<vmem>>, %arg7: memref<10240xf32, #tpu.memory_space<vmem_shared>>, %arg8: memref<!tpu.dma_semaphore, #tpu.memory_space<semaphore_mem>>) attributes {dimension_semantics = [#tpu.dimension_semantics<core_parallel>, #tpu.dimension_semantics<subcore_parallel>], iteration_bounds = array<i64: 2, 16>, scalar_prefetch = 0 : i64, scratch_operands = 4 : i64, tpu.core_type = #tpu.core_type<sc_vector_subcore>, window_params = [{transform_indices = #map}, {transform_indices = #map1}, {transform_indices = #map2}]} {
    %mul3A = arith.constant 16 : i32
    %mul3A_0 = arith.muli %arg0, %mul3A : i32
    %add3A = arith.addi %mul3A_0, %arg1 : i32
    %mul3A_1 = arith.constant 640 : i32
    %mul3A_2 = arith.muli %arg1, %mul3A_1 : i32
    %broadcast_in_dim3A = arith.constant 1.000000e+00 : f32
    %broadcast_in_dim3A_3 = vector.broadcast %broadcast_in_dim3A : f32 to vector<16xf32>
    %swap3A = arith.constant 0 : index
    %swap3A_4 = tpu.vector_load %arg6[%swap3A] {strides = array<i32>} : memref<128xf32, #tpu.memory_space<vmem>>, vector<16xf32>,
    %swap3A_5 = vector.shape_cast %swap3A_4 : vector<16xf32> to vector<16xf32>
    %swap3A_6 = vector.shape_cast %broadcast_in_dim3A_3 : vector<16xf32> to vector<16xf32>
    tpu.vector_store %arg6[%swap3A], %swap3A_6 {strides = array<i32>} : memref<128xf32, #tpu.memory_space<vmem>>, vector<16xf32>,
    %broadcast_in_dim3A_7 = arith.constant 1.000000e+00 : f32
    %broadcast_in_dim3A_8 = vector.broadcast %broadcast_in_dim3A_7 : f32 to vector<16xf32>
    %swap3A_9 = arith.constant 16 : index
    %swap3A_10 = tpu.vector_load %arg6[%swap3A_9] {strides = array<i32>} : memref<128xf32, #tpu.memory_space<vmem>>, vector<16xf32>,
    %swap3A_11 = vector.shape_cast %swap3A_10 : vector<16xf32> to vector<16xf32>
    %swap3A_12 = vector.shape_cast %broadcast_in_dim3A_8 : vector<16xf32> to vector<16xf32>
    tpu.vector_store %arg6[%swap3A_9], %swap3A_12 {strides = array<i32>} : memref<128xf32, #tpu.memory_space<vmem>>, vector<16xf32>,
    %broadcast_in_dim3A_13 = arith.constant 1.000000e+00 : f32
    %broadcast_in_dim3A_14 = vector.broadcast %broadcast_in_dim3A_13 : f32 to vector<16xf32>
    %swap3A_15 = arith.constant 32 : index
    %swap3A_16 = tpu.vector_load %arg6[%swap3A_15] {strides = array<i32>} : memref<128xf32, #tpu.memory_space<vmem>>, vector<16xf32>,
    %swap3A_17 = vector.shape_cast %swap3A_16 : vector<16xf32> to vector<16xf32>
    %swap3A_18 = vector.shape_cast %broadcast_in_dim3A_14 : vector<16xf32> to vector<16xf32>
    tpu.vector_store %arg6[%swap3A_15], %swap3A_18 {strides = array<i32>} : memref<128xf32, #tpu.memory_space<vmem>>, vector<16xf32>,
    %broadcast_in_dim3A_19 = arith.constant 1.000000e+00 : f32
    %broadcast_in_dim3A_20 = vector.broadcast %broadcast_in_dim3A_19 : f32 to vector<16xf32>
    %swap3A_21 = arith.constant 48 : index
    %swap3A_22 = tpu.vector_load %arg6[%swap3A_21] {strides = array<i32>} : memref<128xf32, #tpu.memory_space<vmem>>, vector<16xf32>,
    %swap3A_23 = vector.shape_cast %swap3A_22 : vector<16xf32> to vector<16xf32>
    %swap3A_24 = vector.shape_cast %broadcast_in_dim3A_20 : vector<16xf32> to vector<16xf32>
    tpu.vector_store %arg6[%swap3A_21], %swap3A_24 {strides = array<i32>} : memref<128xf32, #tpu.memory_space<vmem>>, vector<16xf32>,
    %broadcast_in_dim3A_25 = arith.constant 1.000000e+00 : f32
    %broadcast_in_dim3A_26 = vector.broadcast %broadcast_in_dim3A_25 : f32 to vector<16xf32>
    %swap3A_27 = arith.constant 64 : index
    %swap3A_28 = tpu.vector_load %arg6[%swap3A_27] {strides = array<i32>} : memref<128xf32, #tpu.memory_space<vmem>>, vector<16xf32>,
    %swap3A_29 = vector.shape_cast %swap3A_28 : vector<16xf32> to vector<16xf32>
    %swap3A_30 = vector.shape_cast %broadcast_in_dim3A_26 : vector<16xf32> to vector<16xf32>
    tpu.vector_store %arg6[%swap3A_27], %swap3A_30 {strides = array<i32>} : memref<128xf32, #tpu.memory_space<vmem>>, vector<16xf32>,
    %broadcast_in_dim3A_31 = arith.constant 1.000000e+00 : f32
    %broadcast_in_dim3A_32 = vector.broadcast %broadcast_in_dim3A_31 : f32 to vector<16xf32>
    %swap3A_33 = arith.constant 80 : index
    %swap3A_34 = tpu.vector_load %arg6[%swap3A_33] {strides = array<i32>} : memref<128xf32, #tpu.memory_space<vmem>>, vector<16xf32>,
    %swap3A_35 = vector.shape_cast %swap3A_34 : vector<16xf32> to vector<16xf32>
    %swap3A_36 = vector.shape_cast %broadcast_in_dim3A_32 : vector<16xf32> to vector<16xf32>
    tpu.vector_store %arg6[%swap3A_33], %swap3A_36 {strides = array<i32>} : memref<128xf32, #tpu.memory_space<vmem>>, vector<16xf32>,
    %broadcast_in_dim3A_37 = arith.constant 1.000000e+00 : f32
    %broadcast_in_dim3A_38 = vector.broadcast %broadcast_in_dim3A_37 : f32 to vector<16xf32>
    %swap3A_39 = arith.constant 96 : index
    %swap3A_40 = tpu.vector_load %arg6[%swap3A_39] {strides = array<i32>} : memref<128xf32, #tpu.memory_space<vmem>>, vector<16xf32>,
    %swap3A_41 = vector.shape_cast %swap3A_40 : vector<16xf32> to vector<16xf32>
    %swap3A_42 = vector.shape_cast %broadcast_in_dim3A_38 : vector<16xf32> to vector<16xf32>
    tpu.vector_store %arg6[%swap3A_39], %swap3A_42 {strides = array<i32>} : memref<128xf32, #tpu.memory_space<vmem>>, vector<16xf32>,
    %broadcast_in_dim3A_43 = arith.constant 1.000000e+00 : f32
    %broadcast_in_dim3A_44 = vector.broadcast %broadcast_in_dim3A_43 : f32 to vector<16xf32>
    %swap3A_45 = arith.constant 112 : index
    %swap3A_46 = tpu.vector_load %arg6[%swap3A_45] {strides = array<i32>} : memref<128xf32, #tpu.memory_space<vmem>>, vector<16xf32>,
    %swap3A_47 = vector.shape_cast %swap3A_46 : vector<16xf32> to vector<16xf32>
    %swap3A_48 = vector.shape_cast %broadcast_in_dim3A_44 : vector<16xf32> to vector<16xf32>
    tpu.vector_store %arg6[%swap3A_45], %swap3A_48 {strides = array<i32>} : memref<128xf32, #tpu.memory_space<vmem>>, vector<16xf32>,
    "tpu.region"() ({
      %run_scoped3A = tpu.sem_alloc : memref<!tpu.dma_semaphore, #tpu.memory_space<semaphore_mem>>
      %dma_start3A = tpu.memref_slice %arg7[%mul3A_2] : memref<10240xf32, #tpu.memory_space<vmem_shared>> -> memref<640xf32, #tpu.memory_space<vmem_shared>>
      tpu.enqueue_dma source(%arg3 : memref<640xf32, #tpu.memory_space<hbm>>) target(%dma_start3A : memref<640xf32, #tpu.memory_space<vmem_shared>>) target_semaphore(%run_scoped3A : memref<!tpu.dma_semaphore, #tpu.memory_space<semaphore_mem>>)
      %dma_wait3A = tpu.memref_slice %arg7[%mul3A_2] : memref<10240xf32, #tpu.memory_space<vmem_shared>> -> memref<640xf32, #tpu.memory_space<vmem_shared>>
      tpu.wait_dma2 semaphore(%run_scoped3A : memref<!tpu.dma_semaphore, #tpu.memory_space<semaphore_mem>>) src(%arg3 : memref<640xf32, #tpu.memory_space<hbm>>) dst(%dma_wait3A : memref<640xf32, #tpu.memory_space<vmem_shared>>)
      tpu.yield
    }) : () -> ()
    "tpu.region"() ({
      %run_scoped3A = tpu.sem_alloc : memref<!tpu.dma_semaphore, #tpu.memory_space<semaphore_mem>>
      %dma_start3A = arith.constant 0 : i32
      %dma_start3A_61 = arith.constant 0 : i32
      %dma_start3A_62 = arith.constant 0 : i32
      %dma_start3A_63 = tpu.memref_slice %arg2[%add3A, %dma_start3A, %dma_start3A_61, %dma_start3A_62] : memref<32x4x20x125xi32, #tpu.memory_space<hbm>> -> memref<1x4x20x125xi32, #tpu.memory_space<hbm>>
      %dma_start3A_64 = tpu.memref_squeeze %dma_start3A_63 : memref<1x4x20x125xi32, #tpu.memory_space<hbm>> -> memref<4x20x125xi32, #tpu.memory_space<hbm>>
      %dma_start3A_65 = arith.constant 0 : i32
      %dma_start3A_66 = arith.constant 0 : i32
      %dma_start3A_67 = arith.constant 0 : i32
      %dma_start3A_68 = tpu.memref_slice %arg2[%add3A, %dma_start3A_65, %dma_start3A_66, %dma_start3A_67] : memref<32x4x20x125xi32, #tpu.memory_space<hbm>> -> memref<1x4x20x125xi32, #tpu.memory_space<hbm>>
      %dma_start3A_69 = tpu.memref_squeeze %dma_start3A_68 : memref<1x4x20x125xi32, #tpu.memory_space<hbm>> -> memref<4x20x125xi32, #tpu.memory_space<hbm>>
      tpu.enqueue_dma source(%dma_start3A_69 : memref<4x20x125xi32, #tpu.memory_space<hbm>>) target(%arg5 : memref<4x20x125xi32, #tpu.memory_space<vmem>>) target_semaphore(%run_scoped3A : memref<!tpu.dma_semaphore, #tpu.memory_space<semaphore_mem>>)
      %dma_wait3A = arith.constant 0 : i32
      %dma_wait3A_70 = arith.constant 0 : i32
      %dma_wait3A_71 = arith.constant 0 : i32
      %dma_wait3A_72 = tpu.memref_slice %arg2[%add3A, %dma_wait3A, %dma_wait3A_70, %dma_wait3A_71] : memref<32x4x20x125xi32, #tpu.memory_space<hbm>> -> memref<1x4x20x125xi32, #tpu.memory_space<hbm>>
      %dma_wait3A_73 = tpu.memref_squeeze %dma_wait3A_72 : memref<1x4x20x125xi32, #tpu.memory_space<hbm>> -> memref<4x20x125xi32, #tpu.memory_space<hbm>>
      %dma_wait3A_74 = arith.constant 0 : i32
      %dma_wait3A_75 = arith.constant 0 : i32
      %dma_wait3A_76 = arith.constant 0 : i32
      %dma_wait3A_77 = tpu.memref_slice %arg2[%add3A, %dma_wait3A_74, %dma_wait3A_75, %dma_wait3A_76] : memref<32x4x20x125xi32, #tpu.memory_space<hbm>> -> memref<1x4x20x125xi32, #tpu.memory_space<hbm>>
      %dma_wait3A_78 = tpu.memref_squeeze %dma_wait3A_77 : memref<1x4x20x125xi32, #tpu.memory_space<hbm>> -> memref<4x20x125xi32, #tpu.memory_space<hbm>>
      tpu.wait_dma2 semaphore(%run_scoped3A : memref<!tpu.dma_semaphore, #tpu.memory_space<semaphore_mem>>) src(%dma_wait3A_78 : memref<4x20x125xi32, #tpu.memory_space<hbm>>) dst(%arg5 : memref<4x20x125xi32, #tpu.memory_space<vmem>>)
      tpu.yield
    }) : () -> ()
    %barrier3A = arith.constant 0 : index
    tpu.barrier barrier_id(%barrier3A)
    %scan3A = arith.constant 0 : i32
    %scan3A_49 = arith.constant 0 : i32
    %scan3A_50 = arith.constant 80 : i32
    %scan3A_51 = arith.addi %scan3A_49, %scan3A_50 : i32
    %scan3A_52 = arith.constant 1 : i32
    scf.for %scan3A_61 = %scan3A_49 to %scan3A_51 step %scan3A_52  : i32 {
      %jit3A = arith.constant 20 : i32
      %div3A = arith.divsi %scan3A_61, %jit3A : i32
      %sign3A = arith.constant 0 : i32
      %sign3A_62 = arith.cmpi sgt, %scan3A_61, %sign3A : i32
      %sign3A_63 = arith.extui %sign3A_62 : i1 to i32
      %sign3A_64 = arith.constant 0 : i32
      %sign3A_65 = arith.cmpi slt, %scan3A_61, %sign3A_64 : i32
      %sign3A_66 = arith.extui %sign3A_65 : i1 to i32
      %sign3A_67 = arith.subi %sign3A_63, %sign3A_66 : i32
      %sign3A_68 = arith.constant 0 : i32
      %sign3A_69 = arith.cmpi sgt, %jit3A, %sign3A_68 : i32
      %sign3A_70 = arith.extui %sign3A_69 : i1 to i32
      %sign3A_71 = arith.constant 0 : i32
      %sign3A_72 = arith.cmpi slt, %jit3A, %sign3A_71 : i32
      %sign3A_73 = arith.extui %sign3A_72 : i1 to i32
      %sign3A_74 = arith.subi %sign3A_70, %sign3A_73 : i32
      %ne3A = arith.cmpi ne, %sign3A_67, %sign3A_74 : i32
      %rem3A = arith.remsi %scan3A_61, %jit3A : i32
      %ne3A_75 = arith.constant 0 : i32
      %ne3A_76 = arith.cmpi ne, %rem3A, %ne3A_75 : i32
      %and3A = arith.andi %ne3A, %ne3A_76 : i1
      %sub3A = arith.constant 1 : i32
      %sub3A_77 = arith.subi %div3A, %sub3A : i32
      %select_n3A = arith.select %and3A, %sub3A_77, %div3A : i32
      %mul3A_78 = arith.constant 20 : i32
      %mul3A_79 = arith.muli %select_n3A, %mul3A_78 : i32
      %sub3A_80 = arith.subi %scan3A_61, %mul3A_79 : i32
      %dma_start3A = arith.constant 0 : i32
      %dma_start3A_81 = tpu.memref_slice %arg6[%dma_start3A] : memref<128xf32, #tpu.memory_space<vmem>> -> memref<125xf32, #tpu.memory_space<vmem>>
      %dma_start3A_82 = arith.constant 0 : i32
      %dma_start3A_83 = tpu.memref_slice %arg5[%select_n3A, %sub3A_80, %dma_start3A_82] : memref<4x20x125xi32, #tpu.memory_space<vmem>> -> memref<1x1x125xi32, #tpu.memory_space<vmem>>
      %dma_start3A_84 = tpu.memref_squeeze %dma_start3A_83 : memref<1x1x125xi32, #tpu.memory_space<vmem>> -> memref<125xi32, #tpu.memory_space<vmem>>
      %dma_start3A_85 = arith.constant 0 : i32
      %dma_start3A_86 = tpu.memref_slice %arg7[%dma_start3A_85] : memref<10240xf32, #tpu.memory_space<vmem_shared>> -> memref<10240xf32, #tpu.memory_space<vmem_shared>>
      tpu.enqueue_indirect_dma source(%dma_start3A_81 : memref<125xf32, #tpu.memory_space<vmem>>) target(%dma_start3A_86 : memref<10240xf32, #tpu.memory_space<vmem_shared>>) offsets(%dma_start3A_84 : memref<125xi32, #tpu.memory_space<vmem>>) semaphore(%arg8 : memref<!tpu.dma_semaphore, #tpu.memory_space<semaphore_mem>>) {add = true}
    }
    %scan3A_53 = arith.constant 80 : i32
    %scan3A_54 = arith.constant 0 : i32
    %scan3A_55 = arith.constant 0 : i32
    %scan3A_56 = arith.constant 80 : i32
    %scan3A_57 = arith.addi %scan3A_55, %scan3A_56 : i32
    %scan3A_58 = arith.constant 1 : i32
    scf.for %scan3A_61 = %scan3A_55 to %scan3A_57 step %scan3A_58  : i32 {
      %jit3A = arith.constant 20 : i32
      %div3A = arith.divsi %scan3A_61, %jit3A : i32
      %sign3A = arith.constant 0 : i32
      %sign3A_62 = arith.cmpi sgt, %scan3A_61, %sign3A : i32
      %sign3A_63 = arith.extui %sign3A_62 : i1 to i32
      %sign3A_64 = arith.constant 0 : i32
      %sign3A_65 = arith.cmpi slt, %scan3A_61, %sign3A_64 : i32
      %sign3A_66 = arith.extui %sign3A_65 : i1 to i32
      %sign3A_67 = arith.subi %sign3A_63, %sign3A_66 : i32
      %sign3A_68 = arith.constant 0 : i32
      %sign3A_69 = arith.cmpi sgt, %jit3A, %sign3A_68 : i32
      %sign3A_70 = arith.extui %sign3A_69 : i1 to i32
      %sign3A_71 = arith.constant 0 : i32
      %sign3A_72 = arith.cmpi slt, %jit3A, %sign3A_71 : i32
      %sign3A_73 = arith.extui %sign3A_72 : i1 to i32
      %sign3A_74 = arith.subi %sign3A_70, %sign3A_73 : i32
      %ne3A = arith.cmpi ne, %sign3A_67, %sign3A_74 : i32
      %rem3A = arith.remsi %scan3A_61, %jit3A : i32
      %ne3A_75 = arith.constant 0 : i32
      %ne3A_76 = arith.cmpi ne, %rem3A, %ne3A_75 : i32
      %and3A = arith.andi %ne3A, %ne3A_76 : i1
      %sub3A = arith.constant 1 : i32
      %sub3A_77 = arith.subi %div3A, %sub3A : i32
      %select_n3A = arith.select %and3A, %sub3A_77, %div3A : i32
      %mul3A_78 = arith.constant 20 : i32
      %mul3A_79 = arith.muli %select_n3A, %mul3A_78 : i32
      %sub3A_80 = arith.subi %scan3A_61, %mul3A_79 : i32
      %dma_wait3A = arith.constant 0 : i32
      %dma_wait3A_81 = tpu.memref_slice %arg6[%dma_wait3A] : memref<128xf32, #tpu.memory_space<vmem>> -> memref<125xf32, #tpu.memory_space<vmem>>
      %dma_wait3A_82 = arith.constant 0 : i32
      %dma_wait3A_83 = tpu.memref_slice %arg5[%select_n3A, %sub3A_80, %dma_wait3A_82] : memref<4x20x125xi32, #tpu.memory_space<vmem>> -> memref<1x1x125xi32, #tpu.memory_space<vmem>>
      %dma_wait3A_84 = tpu.memref_squeeze %dma_wait3A_83 : memref<1x1x125xi32, #tpu.memory_space<vmem>> -> memref<125xi32, #tpu.memory_space<vmem>>
      %dma_wait3A_85 = arith.constant 0 : i32
      %dma_wait3A_86 = tpu.memref_slice %arg7[%dma_wait3A_85] : memref<10240xf32, #tpu.memory_space<vmem_shared>> -> memref<10240xf32, #tpu.memory_space<vmem_shared>>
      tpu.wait_indirect_dma semaphore(%arg8 : memref<!tpu.dma_semaphore, #tpu.memory_space<semaphore_mem>>) src(%dma_wait3A_81 : memref<125xf32, #tpu.memory_space<vmem>>) dst(%dma_wait3A_86 : memref<10240xf32, #tpu.memory_space<vmem_shared>>)
    }
    %scan3A_59 = arith.constant 80 : i32
    %barrier3A_60 = arith.constant 0 : index
    tpu.barrier barrier_id(%barrier3A_60)
    "tpu.region"() ({
      %run_scoped3A = tpu.sem_alloc : memref<!tpu.dma_semaphore, #tpu.memory_space<semaphore_mem>>
      %dma_start3A = tpu.memref_slice %arg4[%arg0, %mul3A_2] : memref<2x10240xf32, #tpu.memory_space<hbm>> -> memref<1x640xf32, #tpu.memory_space<hbm>>
      %dma_start3A_61 = tpu.memref_squeeze %dma_start3A : memref<1x640xf32, #tpu.memory_space<hbm>> -> memref<640xf32, #tpu.memory_space<hbm>>
      %dma_start3A_62 = tpu.memref_slice %arg7[%mul3A_2] : memref<10240xf32, #tpu.memory_space<vmem_shared>> -> memref<640xf32, #tpu.memory_space<vmem_shared>>
      tpu.enqueue_dma source(%dma_start3A_62 : memref<640xf32, #tpu.memory_space<vmem_shared>>) target(%dma_start3A_61 : memref<640xf32, #tpu.memory_space<hbm>>) target_semaphore(%run_scoped3A : memref<!tpu.dma_semaphore, #tpu.memory_space<semaphore_mem>>)
      %dma_wait3A = tpu.memref_slice %arg4[%arg0, %mul3A_2] : memref<2x10240xf32, #tpu.memory_space<hbm>> -> memref<1x640xf32, #tpu.memory_space<hbm>>
      %dma_wait3A_63 = tpu.memref_squeeze %dma_wait3A : memref<1x640xf32, #tpu.memory_space<hbm>> -> memref<640xf32, #tpu.memory_space<hbm>>
      %dma_wait3A_64 = tpu.memref_slice %arg7[%mul3A_2] : memref<10240xf32, #tpu.memory_space<vmem_shared>> -> memref<640xf32, #tpu.memory_space<vmem_shared>>
      tpu.wait_dma2 semaphore(%run_scoped3A : memref<!tpu.dma_semaphore, #tpu.memory_space<semaphore_mem>>) src(%dma_wait3A_64 : memref<640xf32, #tpu.memory_space<vmem_shared>>) dst(%dma_wait3A_63 : memref<640xf32, #tpu.memory_space<hbm>>)
      tpu.yield
    }) : () -> ()
    return
  }
}

module attributes {stable_mosaic.version = 14 : i64} {
  func.func @_stage1_body(%arg0: i32, %arg1: memref<2000x2xf32, #tpu.memory_space<vmem>>, %arg2: memref<2000x128xf32, #tpu.memory_space<vmem>>, %arg3: memref<128x128xf32, #tpu.memory_space<vmem>>, %arg4: memref<2000x128xf32, #tpu.memory_space<vmem>>, %arg5: memref<2000x1xf32, #tpu.memory_space<vmem>>) attributes {dimension_semantics = [#tpu.dimension_semantics<arbitrary>], iteration_bounds = array<i64: 5>, scalar_prefetch = 0 : i64, scratch_operands = 0 : i64, tpu.core_type = #tpu.core_type<tc>, window_params = [{transform_indices = @transform_0, window_bounds = array<i64: 2000, 2>}, {transform_indices = @transform_1, window_bounds = array<i64: 2000, 128>}, {pipeline_mode = #tpu.pipeline_mode<synchronous>, transform_indices = @transform_2, window_bounds = array<i64: 128, 128>}, {transform_indices = @transform_3, window_bounds = array<i64: 2000, 128>}, {transform_indices = @transform_4, window_bounds = array<i64: 2000, 1>}]} {
    %get3A = arith.constant 0 : index
    %get3A_0 = arith.constant 0 : index
    %get3A_1 = vector.load %arg1[%get3A, %get3A_0] : memref<2000x2xf32, #tpu.memory_space<vmem>>, vector<2000x2xf32>
    %slice3A = vector.extract_strided_slice %get3A_1 {offsets = [0, 0], sizes = [2000, 1], strides = [1, 1]} : vector<2000x2xf32> to vector<2000x1xf32>
    %slice3A_2 = vector.extract_strided_slice %get3A_1 {offsets = [0, 1], sizes = [2000, 1], strides = [1, 1]} : vector<2000x2xf32> to vector<2000x1xf32>
    %add3A = arith.addf %slice3A, %slice3A_2 : vector<2000x1xf32>
    %add3A_3 = arith.constant 1.000000e+00 : f32
    %add3A_4 = vector.broadcast %add3A_3 : f32 to vector<2000x1xf32>
    %add3A_5 = arith.addf %add3A, %add3A_4 : vector<2000x1xf32>
    %rsqrt3A = math.rsqrt %add3A_5 : vector<2000x1xf32>
    %swap3A = arith.constant 0 : index
    %swap3A_6 = arith.constant 0 : index
    %swap3A_7 = vector.load %arg5[%swap3A, %swap3A_6] : memref<2000x1xf32, #tpu.memory_space<vmem>>, vector<2000x1xf32>
    tpu.vector_store %arg5[%swap3A, %swap3A_6], %rsqrt3A {strides = array<i32>} : memref<2000x1xf32, #tpu.memory_space<vmem>>, vector<2000x1xf32>,
    %get3A_8 = arith.constant 0 : index
    %get3A_9 = arith.constant 0 : index
    %get3A_10 = vector.load %arg2[%get3A_8, %get3A_9] : memref<2000x128xf32, #tpu.memory_space<vmem>>, vector<2000x128xf32>
    %get3A_11 = arith.constant 0 : index
    %get3A_12 = arith.constant 0 : index
    %get3A_13 = vector.load %arg3[%get3A_11, %get3A_12] : memref<128x128xf32, #tpu.memory_space<vmem>>, vector<128x128xf32>
    %dot_general3A = arith.constant dense<0.000000e+00> : vector<2000x128xf32>
    %dot_general3A_14 = tpu.matmul %get3A_10, %get3A_13, %dot_general3A {dimension_numbers = #tpu.dot_dimension_numbers<[1], [0], [0], [1], [0, 0, 1, 1], [], []>, transpose_lhs_hint = false} : vector<2000x128xf32>, vector<128x128xf32>, vector<2000x128xf32> -> vector<2000x128xf32>
    %mul3A = vector.broadcast %rsqrt3A : vector<2000x1xf32> to vector<2000x128xf32>
    %mul3A_15 = arith.mulf %dot_general3A_14, %mul3A : vector<2000x128xf32>
    %swap3A_16 = arith.constant 0 : index
    %swap3A_17 = arith.constant 0 : index
    %swap3A_18 = vector.load %arg4[%swap3A_16, %swap3A_17] : memref<2000x128xf32, #tpu.memory_space<vmem>>, vector<2000x128xf32>
    tpu.vector_store %arg4[%swap3A_16, %swap3A_17], %mul3A_15 {strides = array<i32>} : memref<2000x128xf32, #tpu.memory_space<vmem>>, vector<2000x128xf32>,
    return
  }
  func.func @transform_0(%arg0: i32) -> (i32, i32) {
    %c0_i32 = arith.constant 0 : i32
    %c0_i32_0 = arith.constant 0 : i32
    return %arg0, %c0_i32 : i32, i32
  }
  func.func @transform_1(%arg0: i32) -> (i32, i32) {
    %c0_i32 = arith.constant 0 : i32
    %c0_i32_0 = arith.constant 0 : i32
    return %arg0, %c0_i32 : i32, i32
  }
  func.func @transform_2(%arg0: i32) -> (i32, i32) {
    %c0_i32 = arith.constant 0 : i32
    %c0_i32_0 = arith.constant 0 : i32
    %c0_i32_1 = arith.constant 0 : i32
    return %c0_i32, %c0_i32_0 : i32, i32
  }
  func.func @transform_3(%arg0: i32) -> (i32, i32) {
    %c0_i32 = arith.constant 0 : i32
    %c0_i32_0 = arith.constant 0 : i32
    return %arg0, %c0_i32 : i32, i32
  }
  func.func @transform_4(%arg0: i32) -> (i32, i32) {
    %c0_i32 = arith.constant 0 : i32
    %c0_i32_0 = arith.constant 0 : i32
    return %arg0, %c0_i32 : i32, i32
  }
}

module attributes {stable_mosaic.version = 14 : i64} {
  func.func @_stage2_body(%arg0: i32, %arg1: memref<2x2000x128xf32, #tpu.memory_space<vmem>>, %arg2: memref<2000x1xf32, #tpu.memory_space<vmem>>, %arg3: memref<1x128xf32, #tpu.memory_space<vmem>>, %arg4: memref<128x128xf32, #tpu.memory_space<vmem>>, %arg5: memref<2000x128xf32, #tpu.memory_space<vmem>>) attributes {dimension_semantics = [#tpu.dimension_semantics<arbitrary>], iteration_bounds = array<i64: 5>, scalar_prefetch = 0 : i64, scratch_operands = 0 : i64, tpu.core_type = #tpu.core_type<tc>, window_params = [{transform_indices = @transform_0, window_bounds = array<i64: 2, 2000, 128>}, {transform_indices = @transform_1, window_bounds = array<i64: 2000, 1>}, {pipeline_mode = #tpu.pipeline_mode<synchronous>, transform_indices = @transform_2, window_bounds = array<i64: 1, 128>}, {pipeline_mode = #tpu.pipeline_mode<synchronous>, transform_indices = @transform_3, window_bounds = array<i64: 128, 128>}, {transform_indices = @transform_4, window_bounds = array<i64: 2000, 128>}]} {
    %get3A = arith.constant 0 : index
    %get3A_0 = arith.constant 0 : index
    %get3A_1 = arith.constant 0 : index
    %get3A_2 = vector.load %arg1[%get3A, %get3A_0, %get3A_1] : memref<2x2000x128xf32, #tpu.memory_space<vmem>>, vector<2x2000x128xf32>
    %get3A_3 = arith.constant 0 : index
    %get3A_4 = arith.constant 0 : index
    %get3A_5 = vector.load %arg2[%get3A_3, %get3A_4] : memref<2000x1xf32, #tpu.memory_space<vmem>>, vector<2000x1xf32>
    %slice3A = vector.extract_strided_slice %get3A_2 {offsets = [0, 0, 0], sizes = [1, 2000, 128], strides = [1, 1, 1]} : vector<2x2000x128xf32> to vector<1x2000x128xf32>
    %squeeze3A = vector.shape_cast %slice3A : vector<1x2000x128xf32> to vector<2000x128xf32>
    %slice3A_6 = vector.extract_strided_slice %get3A_2 {offsets = [1, 0, 0], sizes = [1, 2000, 128], strides = [1, 1, 1]} : vector<2x2000x128xf32> to vector<1x2000x128xf32>
    %squeeze3A_7 = vector.shape_cast %slice3A_6 : vector<1x2000x128xf32> to vector<2000x128xf32>
    %add3A = arith.addf %squeeze3A, %squeeze3A_7 : vector<2000x128xf32>
    %mul3A = vector.broadcast %get3A_5 : vector<2000x1xf32> to vector<2000x128xf32>
    %mul3A_8 = arith.mulf %mul3A, %add3A : vector<2000x128xf32>
    %get3A_9 = arith.constant 0 : index
    %get3A_10 = arith.constant 0 : index
    %get3A_11 = vector.load %arg3[%get3A_9, %get3A_10] : memref<1x128xf32, #tpu.memory_space<vmem>>, vector<1x128xf32>
    %add3A_12 = vector.broadcast %get3A_11 : vector<1x128xf32> to vector<2000x128xf32>
    %add3A_13 = arith.addf %mul3A_8, %add3A_12 : vector<2000x128xf32>
    %max3A = arith.constant 0.000000e+00 : f32
    %max3A_14 = vector.broadcast %max3A : f32 to vector<2000x128xf32>
    %max3A_15 = arith.maximumf %add3A_13, %max3A_14 : vector<2000x128xf32>
    %get3A_16 = arith.constant 0 : index
    %get3A_17 = arith.constant 0 : index
    %get3A_18 = vector.load %arg4[%get3A_16, %get3A_17] : memref<128x128xf32, #tpu.memory_space<vmem>>, vector<128x128xf32>
    %dot_general3A = arith.constant dense<0.000000e+00> : vector<2000x128xf32>
    %dot_general3A_19 = tpu.matmul %max3A_15, %get3A_18, %dot_general3A {dimension_numbers = #tpu.dot_dimension_numbers<[1], [0], [0], [1], [0, 0, 1, 1], [], []>, transpose_lhs_hint = false} : vector<2000x128xf32>, vector<128x128xf32>, vector<2000x128xf32> -> vector<2000x128xf32>
    %mul3A_20 = vector.broadcast %get3A_5 : vector<2000x1xf32> to vector<2000x128xf32>
    %mul3A_21 = arith.mulf %dot_general3A_19, %mul3A_20 : vector<2000x128xf32>
    %swap3A = arith.constant 0 : index
    %swap3A_22 = arith.constant 0 : index
    %swap3A_23 = vector.load %arg5[%swap3A, %swap3A_22] : memref<2000x128xf32, #tpu.memory_space<vmem>>, vector<2000x128xf32>
    tpu.vector_store %arg5[%swap3A, %swap3A_22], %mul3A_21 {strides = array<i32>} : memref<2000x128xf32, #tpu.memory_space<vmem>>, vector<2000x128xf32>,
    return
  }
  func.func @transform_0(%arg0: i32) -> (i32, i32, i32) {
    %c0_i32 = arith.constant 0 : i32
    %c0_i32_0 = arith.constant 0 : i32
    %c0_i32_1 = arith.constant 0 : i32
    return %c0_i32, %arg0, %c0_i32_0 : i32, i32, i32
  }
  func.func @transform_1(%arg0: i32) -> (i32, i32) {
    %c0_i32 = arith.constant 0 : i32
    %c0_i32_0 = arith.constant 0 : i32
    return %arg0, %c0_i32 : i32, i32
  }
  func.func @transform_2(%arg0: i32) -> (i32, i32) {
    %c0_i32 = arith.constant 0 : i32
    %c0_i32_0 = arith.constant 0 : i32
    %c0_i32_1 = arith.constant 0 : i32
    return %c0_i32, %c0_i32_0 : i32, i32
  }
  func.func @transform_3(%arg0: i32) -> (i32, i32) {
    %c0_i32 = arith.constant 0 : i32
    %c0_i32_0 = arith.constant 0 : i32
    %c0_i32_1 = arith.constant 0 : i32
    return %c0_i32, %c0_i32_0 : i32, i32
  }
  func.func @transform_4(%arg0: i32) -> (i32, i32) {
    %c0_i32 = arith.constant 0 : i32
    %c0_i32_0 = arith.constant 0 : i32
    return %arg0, %c0_i32 : i32, i32
  }
}

module attributes {stable_mosaic.version = 14 : i64} {
  func.func @_stage3_body(%arg0: i32, %arg1: memref<2x2000x128xf32, #tpu.memory_space<vmem>>, %arg2: memref<2000x1xf32, #tpu.memory_space<vmem>>, %arg3: memref<1x128xf32, #tpu.memory_space<vmem>>, %arg4: memref<128x128xf32, #tpu.memory_space<vmem>>, %arg5: memref<1x128xf32, #tpu.memory_space<vmem>>, %arg6: memref<128x128xf32, #tpu.memory_space<vmem>>, %arg7: memref<1x128xf32, #tpu.memory_space<vmem>>, %arg8: memref<2000x128xf32, #tpu.memory_space<vmem>>) attributes {dimension_semantics = [#tpu.dimension_semantics<arbitrary>], iteration_bounds = array<i64: 5>, scalar_prefetch = 0 : i64, scratch_operands = 0 : i64, tpu.core_type = #tpu.core_type<tc>, window_params = [{transform_indices = @transform_0, window_bounds = array<i64: 2, 2000, 128>}, {transform_indices = @transform_1, window_bounds = array<i64: 2000, 1>}, {pipeline_mode = #tpu.pipeline_mode<synchronous>, transform_indices = @transform_2, window_bounds = array<i64: 1, 128>}, {pipeline_mode = #tpu.pipeline_mode<synchronous>, transform_indices = @transform_3, window_bounds = array<i64: 128, 128>}, {pipeline_mode = #tpu.pipeline_mode<synchronous>, transform_indices = @transform_4, window_bounds = array<i64: 1, 128>}, {pipeline_mode = #tpu.pipeline_mode<synchronous>, transform_indices = @transform_5, window_bounds = array<i64: 128, 128>}, {pipeline_mode = #tpu.pipeline_mode<synchronous>, transform_indices = @transform_6, window_bounds = array<i64: 1, 128>}, {transform_indices = @transform_7, window_bounds = array<i64: 2000, 128>}]} {
    %get3A = arith.constant 0 : index
    %get3A_0 = arith.constant 0 : index
    %get3A_1 = arith.constant 0 : index
    %get3A_2 = vector.load %arg1[%get3A, %get3A_0, %get3A_1] : memref<2x2000x128xf32, #tpu.memory_space<vmem>>, vector<2x2000x128xf32>
    %get3A_3 = arith.constant 0 : index
    %get3A_4 = arith.constant 0 : index
    %get3A_5 = vector.load %arg2[%get3A_3, %get3A_4] : memref<2000x1xf32, #tpu.memory_space<vmem>>, vector<2000x1xf32>
    %slice3A = vector.extract_strided_slice %get3A_2 {offsets = [0, 0, 0], sizes = [1, 2000, 128], strides = [1, 1, 1]} : vector<2x2000x128xf32> to vector<1x2000x128xf32>
    %squeeze3A = vector.shape_cast %slice3A : vector<1x2000x128xf32> to vector<2000x128xf32>
    %slice3A_6 = vector.extract_strided_slice %get3A_2 {offsets = [1, 0, 0], sizes = [1, 2000, 128], strides = [1, 1, 1]} : vector<2x2000x128xf32> to vector<1x2000x128xf32>
    %squeeze3A_7 = vector.shape_cast %slice3A_6 : vector<1x2000x128xf32> to vector<2000x128xf32>
    %add3A = arith.addf %squeeze3A, %squeeze3A_7 : vector<2000x128xf32>
    %mul3A = vector.broadcast %get3A_5 : vector<2000x1xf32> to vector<2000x128xf32>
    %mul3A_8 = arith.mulf %mul3A, %add3A : vector<2000x128xf32>
    %get3A_9 = arith.constant 0 : index
    %get3A_10 = arith.constant 0 : index
    %get3A_11 = vector.load %arg3[%get3A_9, %get3A_10] : memref<1x128xf32, #tpu.memory_space<vmem>>, vector<1x128xf32>
    %add3A_12 = vector.broadcast %get3A_11 : vector<1x128xf32> to vector<2000x128xf32>
    %add3A_13 = arith.addf %mul3A_8, %add3A_12 : vector<2000x128xf32>
    %max3A = arith.constant 0.000000e+00 : f32
    %max3A_14 = vector.broadcast %max3A : f32 to vector<2000x128xf32>
    %max3A_15 = arith.maximumf %add3A_13, %max3A_14 : vector<2000x128xf32>
    %get3A_16 = arith.constant 0 : index
    %get3A_17 = arith.constant 0 : index
    %get3A_18 = vector.load %arg4[%get3A_16, %get3A_17] : memref<128x128xf32, #tpu.memory_space<vmem>>, vector<128x128xf32>
    %dot_general3A = arith.constant dense<0.000000e+00> : vector<2000x128xf32>
    %dot_general3A_19 = tpu.matmul %max3A_15, %get3A_18, %dot_general3A {dimension_numbers = #tpu.dot_dimension_numbers<[1], [0], [0], [1], [0, 0, 1, 1], [], []>, transpose_lhs_hint = false} : vector<2000x128xf32>, vector<128x128xf32>, vector<2000x128xf32> -> vector<2000x128xf32>
    %get3A_20 = arith.constant 0 : index
    %get3A_21 = arith.constant 0 : index
    %get3A_22 = vector.load %arg5[%get3A_20, %get3A_21] : memref<1x128xf32, #tpu.memory_space<vmem>>, vector<1x128xf32>
    %add3A_23 = vector.broadcast %get3A_22 : vector<1x128xf32> to vector<2000x128xf32>
    %add3A_24 = arith.addf %dot_general3A_19, %add3A_23 : vector<2000x128xf32>
    %max3A_25 = arith.constant 0.000000e+00 : f32
    %max3A_26 = vector.broadcast %max3A_25 : f32 to vector<2000x128xf32>
    %max3A_27 = arith.maximumf %add3A_24, %max3A_26 : vector<2000x128xf32>
    %get3A_28 = arith.constant 0 : index
    %get3A_29 = arith.constant 0 : index
    %get3A_30 = vector.load %arg6[%get3A_28, %get3A_29] : memref<128x128xf32, #tpu.memory_space<vmem>>, vector<128x128xf32>
    %dot_general3A_31 = arith.constant dense<0.000000e+00> : vector<2000x128xf32>
    %dot_general3A_32 = tpu.matmul %max3A_27, %get3A_30, %dot_general3A_31 {dimension_numbers = #tpu.dot_dimension_numbers<[1], [0], [0], [1], [0, 0, 1, 1], [], []>, transpose_lhs_hint = false} : vector<2000x128xf32>, vector<128x128xf32>, vector<2000x128xf32> -> vector<2000x128xf32>
    %get3A_33 = arith.constant 0 : index
    %get3A_34 = arith.constant 0 : index
    %get3A_35 = vector.load %arg7[%get3A_33, %get3A_34] : memref<1x128xf32, #tpu.memory_space<vmem>>, vector<1x128xf32>
    %add3A_36 = vector.broadcast %get3A_35 : vector<1x128xf32> to vector<2000x128xf32>
    %add3A_37 = arith.addf %dot_general3A_32, %add3A_36 : vector<2000x128xf32>
    %swap3A = arith.constant 0 : index
    %swap3A_38 = arith.constant 0 : index
    %swap3A_39 = vector.load %arg8[%swap3A, %swap3A_38] : memref<2000x128xf32, #tpu.memory_space<vmem>>, vector<2000x128xf32>
    tpu.vector_store %arg8[%swap3A, %swap3A_38], %add3A_37 {strides = array<i32>} : memref<2000x128xf32, #tpu.memory_space<vmem>>, vector<2000x128xf32>,
    return
  }
  func.func @transform_0(%arg0: i32) -> (i32, i32, i32) {
    %c0_i32 = arith.constant 0 : i32
    %c0_i32_0 = arith.constant 0 : i32
    %c0_i32_1 = arith.constant 0 : i32
    return %c0_i32, %arg0, %c0_i32_0 : i32, i32, i32
  }
  func.func @transform_1(%arg0: i32) -> (i32, i32) {
    %c0_i32 = arith.constant 0 : i32
    %c0_i32_0 = arith.constant 0 : i32
    return %arg0, %c0_i32 : i32, i32
  }
  func.func @transform_2(%arg0: i32) -> (i32, i32) {
    %c0_i32 = arith.constant 0 : i32
    %c0_i32_0 = arith.constant 0 : i32
    %c0_i32_1 = arith.constant 0 : i32
    return %c0_i32, %c0_i32_0 : i32, i32
  }
  func.func @transform_3(%arg0: i32) -> (i32, i32) {
    %c0_i32 = arith.constant 0 : i32
    %c0_i32_0 = arith.constant 0 : i32
    %c0_i32_1 = arith.constant 0 : i32
    return %c0_i32, %c0_i32_0 : i32, i32
  }
  func.func @transform_4(%arg0: i32) -> (i32, i32) {
    %c0_i32 = arith.constant 0 : i32
    %c0_i32_0 = arith.constant 0 : i32
    %c0_i32_1 = arith.constant 0 : i32
    return %c0_i32, %c0_i32_0 : i32, i32
  }
  func.func @transform_5(%arg0: i32) -> (i32, i32) {
    %c0_i32 = arith.constant 0 : i32
    %c0_i32_0 = arith.constant 0 : i32
    %c0_i32_1 = arith.constant 0 : i32
    return %c0_i32, %c0_i32_0 : i32, i32
  }
  func.func @transform_6(%arg0: i32) -> (i32, i32) {
    %c0_i32 = arith.constant 0 : i32
    %c0_i32_0 = arith.constant 0 : i32
    %c0_i32_1 = arith.constant 0 : i32
    return %c0_i32, %c0_i32_0 : i32, i32
  }
  func.func @transform_7(%arg0: i32) -> (i32, i32) {
    %c0_i32 = arith.constant 0 : i32
    %c0_i32_0 = arith.constant 0 : i32
    return %arg0, %c0_i32 : i32, i32
  }
}

</mosaic_0001>

<sc_bundles>
// kernel: kernel.11.cloned.1.call-start
scs
__scs_entry_jumppad:
0x0: {  	(pc) =	sbr.rel $0x88, $3  }
0x1: {  	(tag) =	ssettag $0x0;
	lr =	simm.s32 $0x1  }
0x2: {  	[smem:$0x3F97] =	sst lr;
	_ =	strace $0xD0000000  }
0x3: {  	_ = 	snop  }
0x4: {  	_ = 	snop  }
0x5: {  	_ = 	snop  }
0x6: {  	_ = 	snop  }
0x7: {  	_ = 	snop  }
__scs_overlays_trampoline_lowered:
0x8: {  	[smem:$0x3FA6] =	sst s0  }
0x9: {  	[smem:$0x3FA7] =	sst s1  }
0xa: {  	[smem:$0x3FA8] =	sst s2  }
0xb: {  	[smem:$0x3FA9] =	sst s3  }
0xc: {  	[smem:$0x3FAA] =	sst s4  }
0xd: {  	[smem:$0x3FAB] =	sst s5  }
0xe: {  	[smem:$0x3FAC] =	sst s6  }
0xf: {  	[smem:$0x3FAD] =	sst s7  }
0x10: {  	[smem:$0x3FAE] =	sst s8  }
0x11: {  	[smem:$0x3FAF] =	sst s9;
	s0 =	simm.s32 @!p0 $0x0  }
0x12: {  	s1 =	sld [smem:$0x3F95];
	s0 =	simm.s32 @p0 $0x1  }
0x13: {  	[smem:$0x3FB0] =	sst s0;
	s0 =	simm.s32 @!p1 $0x0  }
0x14: {  	s2 =	sld [smem:$0x3F94];
	s0 =	simm.s32 @p1 $0x1  }
0x15: {  	[smem:$0x3FB1] =	sst s0;
	s0 =	simm.s32 @!p2 $0x0  }
0x16: {  	s3 =	sld [smem:$0x3FDB];
	s0 =	simm.s32 @p2 $0x1  }
0x17: {  	s4 =	simm.s32 $0x1BF5;
	[smem:$0x3FB3] =	sst s0  }
0x18: {  	s0 =	sld [smem:$0x3F96];
	_ =	swait.ge [sflag:s4], $0x0  }
0x19: {  	s7 =	sld [smem:$0x3F97]  }
0x1a: {  	s8 =	sadd.s32 $0xFFFFE003, lr  }
0x1b: {  	s9 =	sadd.s32 $0xFFFFFEF7, lr;
	s5 =	simm.s32 $0xFFFFFFFF;
	p2 =	slt.u32 s8, $0xFFFFF086  }
0x1c: {  	p1 =	slt.u32 s9, $0xF7A;
	s5 =	simm.s32 @!p2 $0x0  }
0x1d: {  	s5 =	simm.s32 @p1 $0x1;
	p0 =	seq.s32 s7, s2  }
0x1e: {  	s7 =	smul.u32 @!p0 $0xF7A, s2;
	p2 =	seq.s32 @!p0 s5, $0x0  }
0x1f: {  	s9 =	smul.u32 $0xF7A, s1;
	s8 =	simm.s32 @!p0 $0x1BF5;
	p2 =	por !p2, p0  }
0x20: {  	[sflag:s8] =	ssyncset.s32 @!p0 $0xFFFFF086;
	s6 =	sadd.s32 @!p0 s3, s7;
	s7 =	simm.s32 @!p0 $0x108  }
0x21: {  	s3 =	sadd.s32 s3, s9;
	s6 =	sadd.s32 @!p0 $0x88, s6;
	s7 =	simm.s32 @p2 $0x1082  }
0x22: {  	[simem:s7], [sflag:s8] =	dma.local @!p0 [hbm:s6], $0xF7A  }
0x23: {  	s9 =	sor.u32 $0xD0000000, s2;
	s6 =	simm.s32 $0x108;
	_ =	swait.ge @!p0 [sflag:s8], $0x0  }
0x24: {  	s3 =	sadd.s32 $0x88, s3;
	s6 =	simm.s32 @!p1 $0x1082;
	[sflag:s4] =	ssyncset.s32 $0xFFFFF086  }
0x25: {  	[simem:s6], [sflag:s4] =	dma.local [hbm:s3], $0xF7A  }
0x26: {  	[smem:$0x3F97] =	sst s1;
	(tag) =	ssettag s2;
	_ =	strace s9  }
0x27: {  	s1 =	sld [smem:$0x3FA7]  }
0x28: {  	s2 =	sld [smem:$0x3FA8]  }
0x29: {  	s4 =	sld [smem:$0x3FAA]  }
0x2a: {  	p0 =	seq.s32 s5, $0x0;
	s5 =	sld [smem:$0x3FAB]  }
0x2b: {  	s6 =	sld [smem:$0x3FAC]  }
0x2c: {  	s7 =	sld [smem:$0x3FAD]  }
0x2d: {  	s3 =	simm.s32 $0x108;
	s8 =	sld [smem:$0x3FAE]  }
0x2e: {  	s3 =	simm.s32 @!p0 $0x1082;
	s9 =	sld [smem:$0x3FAF]  }
0x2f: {  	lr =	sadd.s32 s0, s3;
	s0 =	sld [smem:$0x3FA6]  }
0x30: {  	s3 =	sld [smem:$0x3FA9]  }
0x31: {  	[smem:$0x3FB2] =	sst s10  }
0x32: {  	s10 =	sld [smem:$0x3FB0];
	_ =	sdelay $0x3  }
0x33: {  	p0 =	seq.s32 s10, $0x1;
	s10 =	sld [smem:$0x3FB2];
	_ =	sdelay $0x3  }
0x34: {  	[smem:$0x3FB2] =	sst s10  }
0x35: {  	s10 =	sld [smem:$0x3FB1];
	_ =	sdelay $0x3  }
0x36: {  	p1 =	seq.s32 s10, $0x1;
	s10 =	sld [smem:$0x3FB2];
	_ =	sdelay $0x3  }
0x37: {  	[smem:$0x3FB2] =	sst s10  }
0x38: {  	s10 =	sld [smem:$0x3FB3]  }
0x39: {  	_ = 	snop;
	(pc) =	sbr.ind lr, $3  }
0x3a: {  	_ = 	snop  }
0x3b: {  	_ = 	snop  }
0x3c: {  	p2 =	seq.s32 s10, $0x1;
	s10 =	sld [smem:$0x3FB2]  }
0x3d: {  	_ =	shalt  }
0x3e: {  	_ =	shalt  }
0x3f: {  	_ =	shalt  }
0x40: {  	_ =	shalt  }
0x41: {  	_ =	shalt  }
0x42: {  	_ =	shalt  }
0x43: {  	_ =	shalt  }
0x44: {  	_ =	shalt  }
0x45: {  	_ =	shalt  }
0x46: {  	_ =	shalt  }
0x47: {  	_ =	shalt  }
0x48: {  	_ =	shalt  }
0x49: {  	_ =	shalt  }
0x4a: {  	_ =	shalt  }
0x4b: {  	_ =	shalt  }
0x4c: {  	_ =	shalt  }
0x4d: {  	_ =	shalt  }
0x4e: {  	_ =	shalt  }
0x4f: {  	_ =	shalt  }
0x50: {  	_ =	shalt  }
0x51: {  	_ =	shalt  }
0x52: {  	_ =	shalt  }
0x53: {  	_ =	shalt  }
0x54: {  	_ =	shalt  }
0x55: {  	_ =	shalt  }
0x56: {  	_ =	shalt  }
0x57: {  	_ =	shalt  }
0x58: {  	_ =	shalt  }
0x59: {  	_ =	shalt  }
0x5a: {  	_ =	shalt  }
0x5b: {  	_ =	shalt  }
0x5c: {  	_ =	shalt  }
0x5d: {  	_ =	shalt  }
0x5e: {  	_ =	shalt  }
0x5f: {  	_ =	shalt  }
0x60: {  	_ =	shalt  }
0x61: {  	_ =	shalt  }
0x62: {  	_ =	shalt  }
0x63: {  	_ =	shalt  }
0x64: {  	_ =	shalt  }
0x65: {  	_ =	shalt  }
0x66: {  	_ =	shalt  }
0x67: {  	_ =	shalt  }
0x68: {  	_ =	shalt  }
0x69: {  	_ =	shalt  }
0x6a: {  	_ =	shalt  }
0x6b: {  	_ =	shalt  }
0x6c: {  	_ =	shalt  }
0x6d: {  	_ =	shalt  }
0x6e: {  	_ =	shalt  }
0x6f: {  	_ =	shalt  }
0x70: {  	_ =	shalt  }
0x71: {  	_ =	shalt  }
0x72: {  	_ =	shalt  }
0x73: {  	_ =	shalt  }
0x74: {  	_ =	shalt  }
0x75: {  	_ =	shalt  }
0x76: {  	_ =	shalt  }
0x77: {  	_ =	shalt  }
0x78: {  	_ =	shalt  }
0x79: {  	_ =	shalt  }
0x7a: {  	_ =	shalt  }
0x7b: {  	_ =	shalt  }
0x7c: {  	_ =	shalt  }
0x7d: {  	_ =	shalt  }
0x7e: {  	_ =	shalt  }
0x7f: {  	_ =	shalt  }
0x80: {  	_ =	shalt  }
0x81: {  	_ =	shalt  }
0x82: {  	_ =	shalt  }
0x83: {  	_ =	shalt  }
0x84: {  	_ =	shalt  }
0x85: {  	_ =	shalt  }
0x86: {  	_ =	shalt  }
0x87: {  	_ =	shalt  }
.Lfunc_end0:
.L_simem_size_0:
called_computation.1_lowered:
.L_overlay_start_0:
0x88: {  	s2 =	sld [smem:$0x3FD9]  }
0x89: {  	s3 =	sld [smem:$0x3FFE];
	_ =	sdelay $0x1  }
0x8a: {  	s1 =	srdreg.scid  }
0x8b: {  	s0 =	sand.u32 $0x1, s1  }
0x8c: {  	s17 =	sshll.u32 s0, $0xA;
	s2 =	sadd.s32 s3, s2  }
0x8d: {  	s2 =	sadd.s32 s2, s17  }
0x8e: {  	[smem:$0x3FBE] =	sst s2  }
0x8f: {  	_ = 	snop  }
0x90: {  	s2 =	sld [smem:$0x3FD0];
	(tm) =	ssettm $0x1  }
0x91: {  	s18 =	sld [smem:$0x3FFB];
	_ =	sdelay $0x3  }
0x92: {  	_ =	strace s18  }
0x93: {  	s3 =	sld [smem:$0x3FFC];
	_ =	sdelay $0x3  }
0x94: {  	_ =	strace s3  }
0x95: {  	s3 =	sld [smem:$0x3FFD];
	_ =	sdelay $0x3  }
0x96: {  	_ =	strace s3  }
0x97: {  	_ =	strace $0x8FFFFFFF  }
0x98: {  	s19 =	sld [smem:$0x3FDB];
	_ =	sdelay $0x1  }
0x99: {  	s4 =	simm.s32 $_scs_section_size  }
0x9a: {  	s5 =	simm.s32 $_size__tile_overlayer_lowered;
	s6 =	simm.s32 $_tile_overlayer_lowered  }
0x9b: {  	s22 =	simm.s32 $0x1BFF;
	s21 =	sshll.u32 s6, $0x1;
	s3 =	sadd.s32 s4, s19  }
0x9c: {  	s7 =	simm.s32 $0x0;
	s20 =	sshll.u32 s5, $0x1;
	s5 =	sadd.s32 s21, s3  }
0x9d: {  	[timem:s7], [sflag:s22] =	dma.local [hbm:s5], s20  }
0x9e: {  	_ =	swait.ge [sflag:s22], s20  }
0x9f: {  	s4 =	ssub.s32 $0x0, s20;
	[sflag:s22] =	ssyncset.done $0x0  }
0xa0: {  	[sflag:s22] =	ssyncadd.s32 s4;
	_ =	sdelay $0x1  }
0xa1: {  	s23 =	simm.s32 $0x1B8B  }
0xa2: {  	_ =	swait.ge [sflag:s23], $0x1  }
0xa3: {  	[sflag:s23] =	ssyncset.done $0x0  }
0xa4: {  	s25 =	simm.s32 $0x1B8E;
	s24 =	sld [smem:$0x3FFE];
	[sflag:s23] =	ssyncadd.s32 $0xFFFFFFFF  }
0xa5: {  	s26 =	simm.s32 $execute0_lowered;
	[smem:$0x3FD2] =	sst s25  }
0xa6: {  	s5 =	sshll.u32 s26, $0x1;
	_ =	strace $0x80000049;
	[dreg:$0x1] =	wrdreg $0xFFFFFFFF  }
0xa7: {  	s28 =	simm.s32 $_size_execute0_lowered;
	s3 =	sadd.s32 s3, s5;
	[dreg:$0x0] =	wrdreg $0x0  }
0xa8: {  	s5 =	sshll.u32 s28, $0x1;
	[dreg:$0x2] =	wrdreg s3  }
0xa9: {  	[dreg:$0x3] =	wrdreg s5  }
0xaa: {  	[dreg:$0x4] =	wrdreg $0xC0  }
0xab: {  	_ =	task [dreg:s7], $0x5FFFF  }
0xac: {  	[dreg:$0x1] =	wrdreg $0xFFFFFFFF  }
0xad: {  	[dreg:$0x0] =	wrdreg $0x60  }
0xae: {  	[dreg:$0x2] =	wrdreg s2  }
0xaf: {  	[dreg:$0x3] =	wrdreg s24  }
0xb0: {  	[dreg:$0x4] =	wrdreg $0xB0000  }
0xb1: {  	[dreg:$0x5] =	wrdreg $0x9  }
0xb2: {  	_ =	task.clear_ibuf [dreg:s7], $0x6FFFF;
	_ =	strace $0x90000049  }
0xb3: {  	s29 =	simm.s32 $0x9;
	_ =	strace $0x8000004B  }
0xb4: {  	_ =	swait.ge [sflag:s29], $0x1  }
0xb5: {  	[sflag:s29] =	ssyncadd.s32 $0xFFFFFFFF  }
0xb6: {  	_ =	strace $0x9000004B  }
0xb7: {  	_ =	sfence  }
0xb8: {  	s30 =	sld [smem:$0x0];
	_ =	sdelay $0x2  }
0xb9: {  	s31 =	sshll.u32 s1, $0xD;
	s1 =	sshrl.u32 s1, $0x2  }
0xba: {  	s3 =	sand.u32 $0x4000, s31;
	s1 =	sadd.s32 s1, s30  }
0xbb: {  	s0 =	sor.u32 s3, s0;
	s1 =	sshll.u32 s1, $0x11  }
0xbc: {  	s0 =	sor.u32 s1, s0  }
0xbd: {  	s0 =	sadd.s32 $0x8F2B, s0  }
0xbe: {  	[sflag:s0] =	ssyncadd.remote.s32 $0x1  }
0xbf: {  	_ =	sfence.sel $0xFFFF  }
0xc0: {  	[dreg:$0x0] =	wrdreg $0xFFFFFFFF;
	(pc) =	sbr.abs _section_cstart, $3  }
0xc1: {  	[dreg:$0x1] =	wrdreg $0xFFFFFFFF  }
0xc2: {  	_ =	task.clear_ibuf [dreg:s7], $0x2FFFF;
	_ =	strace $0x9FFFFFFF  }
0xc3: {  	(tm) =	ssettm $0x7FFFFFFF  }
tec
execute0_lowered:
.L_overlay_start_1:
0x0: {  	(tag) =	ssettag $0x1  }
0x1: {  	s1 =	rddreg [dreg:$0x0]  }
0x2: {  	s0 =	rddreg [dreg:$0x1]  }
0x3: {  	s2 =	rddreg [dreg:$0x2];
	s3 =	simm.s32 $0x0  }
0x4: {  	s14 =	srdreg.scid;
	s13 =	stileid.u32;
	s28 =	simm.s32 $0x7D  }
0x5: {  	s29 =	simm.s32 $0x3000;
	s30 =	simm.s32 $0x1;
	s31 =	simm.s32 $0x2D00  }
0x6: {  	[smem:$0x7FF] =	sst s3;
	s4 =	sadd.s32 $0xE800, s0;
	s6 =	sadd.s32 $0x2600, s0  }
0x7: {  	s5 =	sadd.s32 $0x1A800, s0;
	s0 =	sadd.s32 $0x1D000, s0;
	s9 =	smul.u32 $0x4E000, s13  }
0x8: {  	s16 =	sadd.s32 $0x24900, s1;
	_ =	strace $0x8000004A;
	[dreg:$0x4] =	wrdreg s5  }
0x9: {  	s11 =	smul.u32 $0x2700, s13;
	s18 =	sadd.s32 $0x124800, s2;
	[dreg:$0x8] =	wrdreg s16  }
0xa: {  	s12 =	smul.u32 $0x13800, s13;
	s5 =	sand.u32 $0x1, s14;
	[dreg:$0x6] =	wrdreg s18  }
0xb: {  	s7 =	ssub.s32 $0x2, s5;
	s8 =	sshll.u32 s5, $0x4;
	s9 =	sshrl.u32 s9, $0x2  }
0xc: {  	s15 =	sadd.s32 s1, s11;
	s20 =	smul.u32 $0x138800, s5;
	p3 =	sne.s32 s5, $0x0  }
0xd: {  	s11 =	simm.s32 $0x2;
	s10 =	sshrl.u32 s7, $0x1;
	s8 =	sor.u32 s13, s8  }
0xe: {  	s17 =	sadd.s32 s9, s2;
	[dreg:$0x7] =	wrdreg s15;
	p1 =	seq.s32 @p3 s13, $0xF  }
0xf: {  	p4 =	seq.s32 @!p3 s13, $0xF;
	s7 =	ssub.s32 s7, s10;
	s8 =	smul.u32 $0x3000, s8  }
0x10: {  	s23 =	sadd.s32 s12, s20;
	s24 =	sshrl.u32 s20, $0x3;
	p0 =	por !p1, !p3  }
0x11: {  	p1 =	por p1, !p3;
	p2 =	por !p4, p3;
	p3 =	por p4, p3  }
0x12: {  	p4 =	seq.s32 s13, $0xF;
	s10 =	simm.s32 $0x5;
	[dreg:$0x5] =	wrdreg s17  }
0x13: {  	s20 =	simm.s32 $0x1500;
	s12 =	simm.s32 $0x2D80;
	s26 =	smax.u32 s7, $0x1  }
0x14: {  	s7 =	simm.s32 $0x4;
	s19 =	sshrl.u32 s8, $0x3;
	s14 =	sor.u32 $0xC00, s8  }
0x15: {  	s8 =	sshrl.u32 s23, $0x3;
	[dreg:$0xd] =	wrdreg s26;
	s26 =	simm.s32 $0x2400  }
0x16: {  	s23 =	simm.s32 $0x1480;
	s21 =	sadd.s32 s4, s19;
	s22 =	sadd.s32 $0x300, s19  }
0x17: {  	s9 =	sadd.s32 s6, s19;
	s19 =	simm.s32 $0x2C00;
	[dreg:$0x9] =	wrdreg s21  }
0x18: {  	[dreg:$0xa] =	wrdreg s9;
	s15 =	sadd.s32 s4, s22;
	s16 =	sadd.s32 s6, s22  }
0x19: {  	s9 =	sadd.s32 s0, s24;
	s0 =	sadd.s32 s0, s8;
	s24 =	simm.s32 $0x3  }
0x1a: {  	s21 =	simm.s32 $0x2C80;
	[dreg:$0xb] =	wrdreg s0;
	s0 =	sshrl.u32 @!p0 s18, $0x3  }
0x1b: {  	s25 =	sadd.s32 $0x24900, s9;
	[dreg:$0xe] =	wrdreg s0;
	s0 =	sshll.u32 @!p1 s13, $0x6  }
0x1c: {  	s22 =	simm.s32 $0x1580;
	[dreg:$0xc] =	wrdreg s25;
	s0 =	sor.u32 @!p1 $0x1C05, s0  }
0x1d: {  	s9 =	simm.s32 $0x0;
	[dreg:$0xf] =	wrdreg s0;
	s0 =	sshrl.u32 @!p1 s17, $0x3  }
0x1e: {  	s25 =	simm.s32 $0xC00;
	[dreg:$0x10] =	wrdreg s0;
	s0 =	simm.s32 $0x7000  }
.LBB2_1:
0x1f: {  	[dreg:$0x11] =	wrdreg s9  }
0x20: {  	s8 =	rddreg [dreg:$0x4]  }
0x21: {  	s5 =	simm.s32 @!p0 $0x1FC5;
	s9 =	rddreg [dreg:$0xe]  }
0x22: {  	[spmem:s9], [sflag:s5] =	dma.local @!p0 [hbm:s8], $0x2800  }
0x23: {  	s5 =	simm.s32 @!p0 $0x5  }
0x24: {  	_ =	swait.ge @!p0 [sflag:s5], $0x2800  }
0x25: {  	[sflag:s5] =	ssyncset.done @!p0 $0x0;
	s9 =	rddreg [dreg:$0x10]  }
0x26: {  	[sflag:s5] =	ssyncadd.s32 @!p0 $0xFFFFD800;
	s5 =	rddreg [dreg:$0xf]  }
0x27: {  	[spmem:s9], [sflag:s5] =	dma.local @!p1 [hbm:s8], $0x2700  }
0x28: {  	s5 =	simm.s32 @!p1 $0x5  }
0x29: {  	_ =	swait.ge @!p1 [sflag:s5], $0x2700  }
0x2a: {  	s8 =	simm.s32 @!p2 $0x1FC5;
	[sflag:s5] =	ssyncset.done @!p1 $0x0  }
0x2b: {  	s9 =	rddreg [dreg:$0x8];
	[sflag:s5] =	ssyncadd.s32 @!p1 $0xFFFFD900;
	s5 =	sshrl.u32 @!p2 s18, $0x3  }
0x2c: {  	[spmem:s5], [sflag:s8] =	dma.local @!p2 [hbm:s9], $0x2800  }
0x2d: {  	s5 =	simm.s32 @!p2 $0x5  }
0x2e: {  	_ =	swait.ge @!p2 [sflag:s5], $0x2800  }
0x2f: {  	s8 =	sshll.u32 @!p3 s13, $0x6;
	[sflag:s5] =	ssyncset.done @!p2 $0x0;
	s9 =	rddreg [dreg:$0x7]  }
0x30: {  	[sflag:s5] =	ssyncadd.s32 @!p2 $0xFFFFD800;
	s5 =	sor.u32 @!p3 $0x1C05, s8;
	s8 =	sshrl.u32 @!p3 s17, $0x3  }
0x31: {  	[spmem:s8], [sflag:s5] =	dma.local @!p3 [hbm:s9], $0x2700  }
0x32: {  	s5 =	simm.s32 @!p3 $0x5  }
0x33: {  	_ =	swait.ge @!p3 [sflag:s5], $0x2700  }
0x34: {  	[sflag:s5] =	ssyncset.done @!p3 $0x0  }
0x35: {  	[sflag:s5] =	ssyncadd.s32 @!p3 $0xFFFFD900  }
0x36: {  	[bflag:$0x0] =	sbarrier.arrive $0xFFFF  }
0x37: {  	p5 =	por $0x1, $0x1;
	s18 =	simm.s32 $0x1800;
	s13 =	rddreg [dreg:$0x9]  }
0x38: {  	[tilespmem:s3], [sflag:$0x3] =	stream.linear.gather [hbm4b:s13+s3], $0xA00, $0x38;
	[tilespmem:$0x1E880] =	vst v63  }
0x39: {  	s9 =	simm.s32 $0x2B00;
	s5 =	simm.s32 $0x0;
	s17 =	rddreg [dreg:$0xa]  }
0x3a: {  	[tilespmem:s18], [sflag:$0x3] =	stream.linear.gather [hbm4b:s17+s3], $0xA00, $0x38;
	[tilespmem:$0x1E880] =	vst v63  }
0x3b: {  	s13 =	simm.s32 $0x1380;
	s17 =	simm.s32 $0x1400;
	s18 =	simm.s32 $0x2B80  }
.LBB2_2:
0x3c: {  	_ =	swait.ge [sflag:s24], $0xA00  }
0x3d: {  	[sflag:s24] =	ssyncset.done $0x0  }
0x3e: {  	[sflag:s24] =	ssyncadd.s32 $0xFFFFF600  }
0x3f: {  	s5 =	sadd.s32 s5, s14;
	_ =	swait.ge [sflag:s24], $0xA00  }
0x40: {  	s5 =	sshrl.u32 s5, $0x3;
	[sflag:s24] =	ssyncset.done $0x0  }
0x41: {  	s8 =	sadd.s32 s4, s5;
	[sflag:s24] =	ssyncadd.s32 $0xFFFFF600  }
0x42: {  	[tilespmem:s25], [sflag:$0x4] =	stream.linear.gather [hbm4b:s8+s3], $0xA00, $0x38;
	[tilespmem:$0x1E880] =	vst v63  }
0x43: {  	s5 =	sadd.s32 s6, s5  }
0x44: {  	[tilespmem:s26], [sflag:$0x4] =	stream.linear.gather [hbm4b:s5+s3], $0xA00, $0x38;
	[tilespmem:$0x1E880] =	vst v63  }
0x45: {  	_ = 	snop  }
0x46: {  	[tilespmem:s29], [sflag:$0x1] =	stream.indirect.gather [hbm4b:s1+s28], $0x80, s3, s28, $0xb8;
	[tilespmem:$0x1E880] =	vst v63  }
0x47: {  	_ =	swait.ge [sflag:s30], $0x3E80  }
0x48: {  	[sflag:s30] =	ssyncset.done $0x0  }
0x49: {  	s8 =	simm.s32 $0x80;
	[sflag:s30] =	ssyncadd.s32 $0xFFFFC180  }
0x4a: {  	[tilespmem:s0], [sflag:$0x2] =	stream.indirect.gather [hbm4b:s1+s28], $0x80, s8, s28, $0xb8;
	[tilespmem:$0x1E880] =	vst v63  }
0x4b: {  	s8 =	simm.s32 $0x1800  }
0x4c: {  	[spmem:s2] =	stream.indirect.scatter.add.f32 [tilespmem:s29], [sflag:$0x5], $0x80, s8, s28, $0xb8;
	[tilespmem:$0x1E880] =	vst v63  }
0x4d: {  	_ =	swait.ge [sflag:s10], $0x3E80  }
0x4e: {  	[sflag:s10] =	ssyncset.done $0x0  }
0x4f: {  	[sflag:s10] =	ssyncadd.s32 $0xFFFFC180  }
0x50: {  	_ =	swait.ge [sflag:s11], $0x3E80  }
0x51: {  	[sflag:s11] =	ssyncset.done $0x0  }
0x52: {  	s8 =	simm.s32 $0x100;
	[sflag:s11] =	ssyncadd.s32 $0xFFFFC180  }
0x53: {  	[tilespmem:s29], [sflag:$0x1] =	stream.indirect.gather [hbm4b:s1+s28], $0x80, s8, s28, $0xb8;
	[tilespmem:$0x1E880] =	vst v63  }
0x54: {  	s8 =	simm.s32 $0x1880  }
0x55: {  	[spmem:s2] =	stream.indirect.scatter.add.f32 [tilespmem:s0], [sflag:$0x5], $0x80, s8, s28, $0xb8;
	[tilespmem:$0x1E880] =	vst v63  }
0x56: {  	_ =	swait.ge [sflag:s10], $0x3E80  }
0x57: {  	[sflag:s10] =	ssyncset.done $0x0  }
0x58: {  	[sflag:s10] =	ssyncadd.s32 $0xFFFFC180  }
0x59: {  	_ =	swait.ge [sflag:s30], $0x3E80  }
0x5a: {  	[sflag:s30] =	ssyncset.done $0x0  }
0x5b: {  	s8 =	simm.s32 $0x180;
	[sflag:s30] =	ssyncadd.s32 $0xFFFFC180  }
0x5c: {  	[tilespmem:s0], [sflag:$0x2] =	stream.indirect.gather [hbm4b:s1+s28], $0x80, s8, s28, $0xb8;
	[tilespmem:$0x1E880] =	vst v63  }
0x5d: {  	s8 =	simm.s32 $0x1900  }
0x5e: {  	[spmem:s2] =	stream.indirect.scatter.add.f32 [tilespmem:s29], [sflag:$0x5], $0x80, s8, s28, $0xb8;
	[tilespmem:$0x1E880] =	vst v63  }
0x5f: {  	_ =	swait.ge [sflag:s10], $0x3E80  }
0x60: {  	[sflag:s10] =	ssyncset.done $0x0  }
0x61: {  	[sflag:s10] =	ssyncadd.s32 $0xFFFFC180  }
0x62: {  	_ =	swait.ge [sflag:s11], $0x3E80  }
0x63: {  	[sflag:s11] =	ssyncset.done $0x0  }
0x64: {  	s8 =	simm.s32 $0x200;
	[sflag:s11] =	ssyncadd.s32 $0xFFFFC180  }
0x65: {  	[tilespmem:s29], [sflag:$0x1] =	stream.indirect.gather [hbm4b:s1+s28], $0x80, s8, s28, $0xb8;
	[tilespmem:$0x1E880] =	vst v63  }
0x66: {  	s8 =	simm.s32 $0x1980  }
0x67: {  	[spmem:s2] =	stream.indirect.scatter.add.f32 [tilespmem:s0], [sflag:$0x5], $0x80, s8, s28, $0xb8;
	[tilespmem:$0x1E880] =	vst v63  }
0x68: {  	_ =	swait.ge [sflag:s10], $0x3E80  }
0x69: {  	[sflag:s10] =	ssyncset.done $0x0  }
0x6a: {  	[sflag:s10] =	ssyncadd.s32 $0xFFFFC180  }
0x6b: {  	_ =	swait.ge [sflag:s30], $0x3E80  }
0x6c: {  	[sflag:s30] =	ssyncset.done $0x0  }
0x6d: {  	s8 =	simm.s32 $0x280;
	[sflag:s30] =	ssyncadd.s32 $0xFFFFC180  }
0x6e: {  	[tilespmem:s0], [sflag:$0x2] =	stream.indirect.gather [hbm4b:s1+s28], $0x80, s8, s28, $0xb8;
	[tilespmem:$0x1E880] =	vst v63  }
0x6f: {  	s8 =	simm.s32 $0x1A00  }
0x70: {  	[spmem:s2] =	stream.indirect.scatter.add.f32 [tilespmem:s29], [sflag:$0x5], $0x80, s8, s28, $0xb8;
	[tilespmem:$0x1E880] =	vst v63  }
0x71: {  	_ =	swait.ge [sflag:s10], $0x3E80  }
0x72: {  	[sflag:s10] =	ssyncset.done $0x0  }
0x73: {  	[sflag:s10] =	ssyncadd.s32 $0xFFFFC180  }
0x74: {  	_ =	swait.ge [sflag:s11], $0x3E80  }
0x75: {  	[sflag:s11] =	ssyncset.done $0x0  }
0x76: {  	s8 =	simm.s32 $0x300;
	[sflag:s11] =	ssyncadd.s32 $0xFFFFC180  }
0x77: {  	[tilespmem:s29], [sflag:$0x1] =	stream.indirect.gather [hbm4b:s1+s28], $0x80, s8, s28, $0xb8;
	[tilespmem:$0x1E880] =	vst v63  }
0x78: {  	s8 =	simm.s32 $0x1A80  }
0x79: {  	[spmem:s2] =	stream.indirect.scatter.add.f32 [tilespmem:s0], [sflag:$0x5], $0x80, s8, s28, $0xb8;
	[tilespmem:$0x1E880] =	vst v63  }
0x7a: {  	_ =	swait.ge [sflag:s10], $0x3E80  }
0x7b: {  	[sflag:s10] =	ssyncset.done $0x0  }
0x7c: {  	[sflag:s10] =	ssyncadd.s32 $0xFFFFC180  }
0x7d: {  	_ =	swait.ge [sflag:s30], $0x3E80  }
0x7e: {  	[sflag:s30] =	ssyncset.done $0x0  }
0x7f: {  	s8 =	simm.s32 $0x380;
	[sflag:s30] =	ssyncadd.s32 $0xFFFFC180  }
0x80: {  	[tilespmem:s0], [sflag:$0x2] =	stream.indirect.gather [hbm4b:s1+s28], $0x80, s8, s28, $0xb8;
	[tilespmem:$0x1E880] =	vst v63  }
0x81: {  	s8 =	simm.s32 $0x1B00  }
0x82: {  	[spmem:s2] =	stream.indirect.scatter.add.f32 [tilespmem:s29], [sflag:$0x5], $0x80, s8, s28, $0xb8;
	[tilespmem:$0x1E880] =	vst v63  }
0x83: {  	_ =	swait.ge [sflag:s10], $0x3E80  }
0x84: {  	[sflag:s10] =	ssyncset.done $0x0  }
0x85: {  	[sflag:s10] =	ssyncadd.s32 $0xFFFFC180  }
0x86: {  	_ =	swait.ge [sflag:s11], $0x3E80  }
0x87: {  	[sflag:s11] =	ssyncset.done $0x0  }
0x88: {  	s8 =	simm.s32 $0x400;
	[sflag:s11] =	ssyncadd.s32 $0xFFFFC180  }
0x89: {  	[tilespmem:s29], [sflag:$0x1] =	stream.indirect.gather [hbm4b:s1+s28], $0x80, s8, s28, $0xb8;
	[tilespmem:$0x1E880] =	vst v63  }
0x8a: {  	s8 =	simm.s32 $0x1B80  }
0x8b: {  	[spmem:s2] =	stream.indirect.scatter.add.f32 [tilespmem:s0], [sflag:$0x5], $0x80, s8, s28, $0xb8;
	[tilespmem:$0x1E880] =	vst v63  }
0x8c: {  	_ =	swait.ge [sflag:s10], $0x3E80  }
0x8d: {  	[sflag:s10] =	ssyncset.done $0x0  }
0x8e: {  	[sflag:s10] =	ssyncadd.s32 $0xFFFFC180  }
0x8f: {  	_ =	swait.ge [sflag:s30], $0x3E80  }
0x90: {  	[sflag:s30] =	ssyncset.done $0x0  }
0x91: {  	s8 =	simm.s32 $0x480;
	[sflag:s30] =	ssyncadd.s32 $0xFFFFC180  }
0x92: {  	[tilespmem:s0], [sflag:$0x2] =	stream.indirect.gather [hbm4b:s1+s28], $0x80, s8, s28, $0xb8;
	[tilespmem:$0x1E880] =	vst v63  }
0x93: {  	s8 =	simm.s32 $0x1C00  }
0x94: {  	[spmem:s2] =	stream.indirect.scatter.add.f32 [tilespmem:s29], [sflag:$0x5], $0x80, s8, s28, $0xb8;
	[tilespmem:$0x1E880] =	vst v63  }
0x95: {  	_ =	swait.ge [sflag:s10], $0x3E80  }
0x96: {  	[sflag:s10] =	ssyncset.done $0x0  }
0x97: {  	[sflag:s10] =	ssyncadd.s32 $0xFFFFC180  }
0x98: {  	_ =	swait.ge [sflag:s11], $0x3E80  }
0x99: {  	[sflag:s11] =	ssyncset.done $0x0  }
0x9a: {  	s8 =	simm.s32 $0x500;
	[sflag:s11] =	ssyncadd.s32 $0xFFFFC180  }
0x9b: {  	[tilespmem:s29], [sflag:$0x1] =	stream.indirect.gather [hbm4b:s1+s28], $0x80, s8, s28, $0xb8;
	[tilespmem:$0x1E880] =	vst v63  }
0x9c: {  	s8 =	simm.s32 $0x1C80  }
0x9d: {  	[spmem:s2] =	stream.indirect.scatter.add.f32 [tilespmem:s0], [sflag:$0x5], $0x80, s8, s28, $0xb8;
	[tilespmem:$0x1E880] =	vst v63  }
0x9e: {  	_ =	swait.ge [sflag:s10], $0x3E80  }
0x9f: {  	[sflag:s10] =	ssyncset.done $0x0  }
0xa0: {  	[sflag:s10] =	ssyncadd.s32 $0xFFFFC180  }
0xa1: {  	_ =	swait.ge [sflag:s30], $0x3E80  }
0xa2: {  	[sflag:s30] =	ssyncset.done $0x0  }
0xa3: {  	s8 =	simm.s32 $0x580;
	[sflag:s30] =	ssyncadd.s32 $0xFFFFC180  }
0xa4: {  	[tilespmem:s0], [sflag:$0x2] =	stream.indirect.gather [hbm4b:s1+s28], $0x80, s8, s28, $0xb8;
	[tilespmem:$0x1E880] =	vst v63  }
0xa5: {  	s8 =	simm.s32 $0x1D00  }
0xa6: {  	[spmem:s2] =	stream.indirect.scatter.add.f32 [tilespmem:s29], [sflag:$0x5], $0x80, s8, s28, $0xb8;
	[tilespmem:$0x1E880] =	vst v63  }
0xa7: {  	_ =	swait.ge [sflag:s10], $0x3E80  }
0xa8: {  	[sflag:s10] =	ssyncset.done $0x0  }
0xa9: {  	[sflag:s10] =	ssyncadd.s32 $0xFFFFC180  }
0xaa: {  	_ =	swait.ge [sflag:s11], $0x3E80  }
0xab: {  	[sflag:s11] =	ssyncset.done $0x0  }
0xac: {  	s8 =	simm.s32 $0x600;
	[sflag:s11] =	ssyncadd.s32 $0xFFFFC180  }
0xad: {  	[tilespmem:s29], [sflag:$0x1] =	stream.indirect.gather [hbm4b:s1+s28], $0x80, s8, s28, $0xb8;
	[tilespmem:$0x1E880] =	vst v63  }
0xae: {  	s8 =	simm.s32 $0x1D80  }
0xaf: {  	[spmem:s2] =	stream.indirect.scatter.add.f32 [tilespmem:s0], [sflag:$0x5], $0x80, s8, s28, $0xb8;
	[tilespmem:$0x1E880] =	vst v63  }
0xb0: {  	_ =	swait.ge [sflag:s10], $0x3E80  }
0xb1: {  	[sflag:s10] =	ssyncset.done $0x0  }
0xb2: {  	[sflag:s10] =	ssyncadd.s32 $0xFFFFC180  }
0xb3: {  	_ =	swait.ge [sflag:s30], $0x3E80  }
0xb4: {  	[sflag:s30] =	ssyncset.done $0x0  }
0xb5: {  	s8 =	simm.s32 $0x680;
	[sflag:s30] =	ssyncadd.s32 $0xFFFFC180  }
0xb6: {  	[tilespmem:s0], [sflag:$0x2] =	stream.indirect.gather [hbm4b:s1+s28], $0x80, s8, s28, $0xb8;
	[tilespmem:$0x1E880] =	vst v63  }
0xb7: {  	s8 =	simm.s32 $0x1E00  }
0xb8: {  	[spmem:s2] =	stream.indirect.scatter.add.f32 [tilespmem:s29], [sflag:$0x5], $0x80, s8, s28, $0xb8;
	[tilespmem:$0x1E880] =	vst v63  }
0xb9: {  	_ =	swait.ge [sflag:s10], $0x3E80  }
0xba: {  	[sflag:s10] =	ssyncset.done $0x0  }
0xbb: {  	[sflag:s10] =	ssyncadd.s32 $0xFFFFC180  }
0xbc: {  	_ =	swait.ge [sflag:s11], $0x3E80  }
0xbd: {  	[sflag:s11] =	ssyncset.done $0x0  }
0xbe: {  	s8 =	simm.s32 $0x700;
	[sflag:s11] =	ssyncadd.s32 $0xFFFFC180  }
0xbf: {  	[tilespmem:s29], [sflag:$0x1] =	stream.indirect.gather [hbm4b:s1+s28], $0x80, s8, s28, $0xb8;
	[tilespmem:$0x1E880] =	vst v63  }
0xc0: {  	s8 =	simm.s32 $0x1E80  }
0xc1: {  	[spmem:s2] =	stream.indirect.scatter.add.f32 [tilespmem:s0], [sflag:$0x5], $0x80, s8, s28, $0xb8;
	[tilespmem:$0x1E880] =	vst v63  }
0xc2: {  	_ =	swait.ge [sflag:s10], $0x3E80  }
0xc3: {  	[sflag:s10] =	ssyncset.done $0x0  }
0xc4: {  	[sflag:s10] =	ssyncadd.s32 $0xFFFFC180  }
0xc5: {  	_ =	swait.ge [sflag:s30], $0x3E80  }
0xc6: {  	[sflag:s30] =	ssyncset.done $0x0  }
0xc7: {  	s8 =	simm.s32 $0x780;
	[sflag:s30] =	ssyncadd.s32 $0xFFFFC180  }
0xc8: {  	[tilespmem:s0], [sflag:$0x2] =	stream.indirect.gather [hbm4b:s1+s28], $0x80, s8, s28, $0xb8;
	[tilespmem:$0x1E880] =	vst v63  }
0xc9: {  	s8 =	simm.s32 $0x1F00  }
0xca: {  	[spmem:s2] =	stream.indirect.scatter.add.f32 [tilespmem:s29], [sflag:$0x5], $0x80, s8, s28, $0xb8;
	[tilespmem:$0x1E880] =	vst v63  }
0xcb: {  	_ =	swait.ge [sflag:s10], $0x3E80  }
0xcc: {  	[sflag:s10] =	ssyncset.done $0x0  }
0xcd: {  	[sflag:s10] =	ssyncadd.s32 $0xFFFFC180  }
0xce: {  	_ =	swait.ge [sflag:s11], $0x3E80  }
0xcf: {  	[sflag:s11] =	ssyncset.done $0x0  }
0xd0: {  	s8 =	simm.s32 $0x800;
	[sflag:s11] =	ssyncadd.s32 $0xFFFFC180  }
0xd1: {  	[tilespmem:s29], [sflag:$0x1] =	stream.indirect.gather [hbm4b:s1+s28], $0x80, s8, s28, $0xb8;
	[tilespmem:$0x1E880] =	vst v63  }
0xd2: {  	s8 =	simm.s32 $0x1F80  }
0xd3: {  	[spmem:s2] =	stream.indirect.scatter.add.f32 [tilespmem:s0], [sflag:$0x5], $0x80, s8, s28, $0xb8;
	[tilespmem:$0x1E880] =	vst v63  }
0xd4: {  	_ =	swait.ge [sflag:s10], $0x3E80  }
0xd5: {  	[sflag:s10] =	ssyncset.done $0x0  }
0xd6: {  	[sflag:s10] =	ssyncadd.s32 $0xFFFFC180  }
0xd7: {  	_ =	swait.ge [sflag:s30], $0x3E80  }
0xd8: {  	[sflag:s30] =	ssyncset.done $0x0  }
0xd9: {  	s8 =	simm.s32 $0x880;
	[sflag:s30] =	ssyncadd.s32 $0xFFFFC180  }
0xda: {  	[tilespmem:s0], [sflag:$0x2] =	stream.indirect.gather [hbm4b:s1+s28], $0x80, s8, s28, $0xb8;
	[tilespmem:$0x1E880] =	vst v63  }
0xdb: {  	s8 =	simm.s32 $0x2000  }
0xdc: {  	[spmem:s2] =	stream.indirect.scatter.add.f32 [tilespmem:s29], [sflag:$0x5], $0x80, s8, s28, $0xb8;
	[tilespmem:$0x1E880] =	vst v63  }
0xdd: {  	_ =	swait.ge [sflag:s10], $0x3E80  }
0xde: {  	[sflag:s10] =	ssyncset.done $0x0  }
0xdf: {  	[sflag:s10] =	ssyncadd.s32 $0xFFFFC180  }
0xe0: {  	_ =	swait.ge [sflag:s11], $0x3E80  }
0xe1: {  	[sflag:s11] =	ssyncset.done $0x0  }
0xe2: {  	s8 =	simm.s32 $0x900;
	[sflag:s11] =	ssyncadd.s32 $0xFFFFC180  }
0xe3: {  	[tilespmem:s29], [sflag:$0x1] =	stream.indirect.gather [hbm4b:s1+s28], $0x80, s8, s28, $0xb8;
	[tilespmem:$0x1E880] =	vst v63  }
0xe4: {  	s8 =	simm.s32 $0x2080  }
0xe5: {  	[spmem:s2] =	stream.indirect.scatter.add.f32 [tilespmem:s0], [sflag:$0x5], $0x80, s8, s28, $0xb8;
	[tilespmem:$0x1E880] =	vst v63  }
0xe6: {  	_ =	swait.ge [sflag:s10], $0x3E80  }
0xe7: {  	[sflag:s10] =	ssyncset.done $0x0  }
0xe8: {  	[sflag:s10] =	ssyncadd.s32 $0xFFFFC180  }
0xe9: {  	_ =	swait.ge [sflag:s30], $0x3E80  }
0xea: {  	[sflag:s30] =	ssyncset.done $0x0  }
0xeb: {  	s8 =	simm.s32 $0x980;
	[sflag:s30] =	ssyncadd.s32 $0xFFFFC180  }
0xec: {  	[tilespmem:s0], [sflag:$0x2] =	stream.indirect.gather [hbm4b:s1+s28], $0x80, s8, s28, $0xb8;
	[tilespmem:$0x1E880] =	vst v63  }
0xed: {  	s8 =	simm.s32 $0x2100  }
0xee: {  	[spmem:s2] =	stream.indirect.scatter.add.f32 [tilespmem:s29], [sflag:$0x5], $0x80, s8, s28, $0xb8;
	[tilespmem:$0x1E880] =	vst v63  }
0xef: {  	_ =	swait.ge [sflag:s10], $0x3E80  }
0xf0: {  	[sflag:s10] =	ssyncset.done $0x0  }
0xf1: {  	[sflag:s10] =	ssyncadd.s32 $0xFFFFC180  }
0xf2: {  	_ =	swait.ge [sflag:s11], $0x3E80  }
0xf3: {  	[sflag:s11] =	ssyncset.done $0x0  }
0xf4: {  	s8 =	simm.s32 $0x2180;
	[sflag:s11] =	ssyncadd.s32 $0xFFFFC180  }
0xf5: {  	[spmem:s2] =	stream.indirect.scatter.add.f32 [tilespmem:s0], [sflag:$0x5], $0x80, s8, s28, $0xb8;
	[tilespmem:$0x1E880] =	vst v63  }
0xf6: {  	_ =	swait.ge [sflag:s10], $0x3E80  }
0xf7: {  	[sflag:s10] =	ssyncset.done $0x0  }
0xf8: {  	[sflag:s10] =	ssyncadd.s32 $0xFFFFC180  }
0xf9: {  	_ =	swait.ge [sflag:s7], $0xA00  }
0xfa: {  	[sflag:s7] =	ssyncset.done $0x0  }
0xfb: {  	[sflag:s7] =	ssyncadd.s32 $0xFFFFF600  }
0xfc: {  	_ =	swait.ge [sflag:s7], $0xA00  }
0xfd: {  	[sflag:s7] =	ssyncset.done $0x0  }
0xfe: {  	s5 =	simm.s32 @p5 $0x0;
	[sflag:s7] =	ssyncadd.s32 $0xFFFFF600  }
0xff: {  	[tilespmem:s5], [sflag:$0x3] =	stream.linear.gather @p5 [hbm4b:s15+s5], $0xA00, $0x38;
	[tilespmem:$0x1E880] =	vst v63  }
0x100: {  	s8 =	simm.s32 @p5 $0x1800  }
0x101: {  	[tilespmem:s8], [sflag:$0x3] =	stream.linear.gather @p5 [hbm4b:s16+s5], $0xA00, $0x38;
	[tilespmem:$0x1E880] =	vst v63  }
0x102: {  	_ = 	snop  }
0x103: {  	[tilespmem:s29], [sflag:$0x1] =	stream.indirect.gather [hbm4b:s1+s28], $0x80, s25, s28, $0xb8;
	[tilespmem:$0x1E880] =	vst v63  }
0x104: {  	_ =	swait.ge [sflag:s30], $0x3E80  }
0x105: {  	[sflag:s30] =	ssyncset.done $0x0  }
0x106: {  	s8 =	simm.s32 $0xC80;
	[sflag:s30] =	ssyncadd.s32 $0xFFFFC180  }
0x107: {  	[tilespmem:s0], [sflag:$0x2] =	stream.indirect.gather [hbm4b:s1+s28], $0x80, s8, s28, $0xb8;
	[tilespmem:$0x1E880] =	vst v63  }
0x108: {  	_ = 	snop  }
0x109: {  	[spmem:s2] =	stream.indirect.scatter.add.f32 [tilespmem:s29], [sflag:$0x5], $0x80, s26, s28, $0xb8;
	[tilespmem:$0x1E880] =	vst v63  }
0x10a: {  	_ =	swait.ge [sflag:s10], $0x3E80  }
0x10b: {  	[sflag:s10] =	ssyncset.done $0x0  }
0x10c: {  	[sflag:s10] =	ssyncadd.s32 $0xFFFFC180  }
0x10d: {  	_ =	swait.ge [sflag:s11], $0x3E80  }
0x10e: {  	[sflag:s11] =	ssyncset.done $0x0  }
0x10f: {  	s8 =	simm.s32 $0xD00;
	[sflag:s11] =	ssyncadd.s32 $0xFFFFC180  }
0x110: {  	[tilespmem:s29], [sflag:$0x1] =	stream.indirect.gather [hbm4b:s1+s28], $0x80, s8, s28, $0xb8;
	[tilespmem:$0x1E880] =	vst v63  }
0x111: {  	s8 =	simm.s32 $0x2480  }
0x112: {  	[spmem:s2] =	stream.indirect.scatter.add.f32 [tilespmem:s0], [sflag:$0x5], $0x80, s8, s28, $0xb8;
	[tilespmem:$0x1E880] =	vst v63  }
0x113: {  	_ =	swait.ge [sflag:s10], $0x3E80  }
0x114: {  	[sflag:s10] =	ssyncset.done $0x0  }
0x115: {  	[sflag:s10] =	ssyncadd.s32 $0xFFFFC180  }
0x116: {  	_ =	swait.ge [sflag:s30], $0x3E80  }
0x117: {  	[sflag:s30] =	ssyncset.done $0x0  }
0x118: {  	s8 =	simm.s32 $0xD80;
	[sflag:s30] =	ssyncadd.s32 $0xFFFFC180  }
0x119: {  	[tilespmem:s0], [sflag:$0x2] =	stream.indirect.gather [hbm4b:s1+s28], $0x80, s8, s28, $0xb8;
	[tilespmem:$0x1E880] =	vst v63  }
0x11a: {  	s8 =	simm.s32 $0x2500  }
0x11b: {  	[spmem:s2] =	stream.indirect.scatter.add.f32 [tilespmem:s29], [sflag:$0x5], $0x80, s8, s28, $0xb8;
	[tilespmem:$0x1E880] =	vst v63  }
0x11c: {  	_ =	swait.ge [sflag:s10], $0x3E80  }
0x11d: {  	[sflag:s10] =	ssyncset.done $0x0  }
0x11e: {  	[sflag:s10] =	ssyncadd.s32 $0xFFFFC180  }
0x11f: {  	_ =	swait.ge [sflag:s11], $0x3E80  }
0x120: {  	[sflag:s11] =	ssyncset.done $0x0  }
0x121: {  	s8 =	simm.s32 $0xE00;
	[sflag:s11] =	ssyncadd.s32 $0xFFFFC180  }
0x122: {  	[tilespmem:s29], [sflag:$0x1] =	stream.indirect.gather [hbm4b:s1+s28], $0x80, s8, s28, $0xb8;
	[tilespmem:$0x1E880] =	vst v63  }
0x123: {  	s8 =	simm.s32 $0x2580  }
0x124: {  	[spmem:s2] =	stream.indirect.scatter.add.f32 [tilespmem:s0], [sflag:$0x5], $0x80, s8, s28, $0xb8;
	[tilespmem:$0x1E880] =	vst v63  }
0x125: {  	_ =	swait.ge [sflag:s10], $0x3E80  }
0x126: {  	[sflag:s10] =	ssyncset.done $0x0  }
0x127: {  	[sflag:s10] =	ssyncadd.s32 $0xFFFFC180  }
0x128: {  	_ =	swait.ge [sflag:s30], $0x3E80  }
0x129: {  	[sflag:s30] =	ssyncset.done $0x0  }
0x12a: {  	s8 =	simm.s32 $0xE80;
	[sflag:s30] =	ssyncadd.s32 $0xFFFFC180  }
0x12b: {  	[tilespmem:s0], [sflag:$0x2] =	stream.indirect.gather [hbm4b:s1+s28], $0x80, s8, s28, $0xb8;
	[tilespmem:$0x1E880] =	vst v63  }
0x12c: {  	s8 =	simm.s32 $0x2600  }
0x12d: {  	[spmem:s2] =	stream.indirect.scatter.add.f32 [tilespmem:s29], [sflag:$0x5], $0x80, s8, s28, $0xb8;
	[tilespmem:$0x1E880] =	vst v63  }
0x12e: {  	_ =	swait.ge [sflag:s10], $0x3E80  }
0x12f: {  	[sflag:s10] =	ssyncset.done $0x0  }
0x130: {  	[sflag:s10] =	ssyncadd.s32 $0xFFFFC180  }
0x131: {  	_ =	swait.ge [sflag:s11], $0x3E80  }
0x132: {  	[sflag:s11] =	ssyncset.done $0x0  }
0x133: {  	s8 =	simm.s32 $0xF00;
	[sflag:s11] =	ssyncadd.s32 $0xFFFFC180  }
0x134: {  	[tilespmem:s29], [sflag:$0x1] =	stream.indirect.gather [hbm4b:s1+s28], $0x80, s8, s28, $0xb8;
	[tilespmem:$0x1E880] =	vst v63  }
0x135: {  	s8 =	simm.s32 $0x2680  }
0x136: {  	[spmem:s2] =	stream.indirect.scatter.add.f32 [tilespmem:s0], [sflag:$0x5], $0x80, s8, s28, $0xb8;
	[tilespmem:$0x1E880] =	vst v63  }
0x137: {  	_ =	swait.ge [sflag:s10], $0x3E80  }
0x138: {  	[sflag:s10] =	ssyncset.done $0x0  }
0x139: {  	[sflag:s10] =	ssyncadd.s32 $0xFFFFC180  }
0x13a: {  	_ =	swait.ge [sflag:s30], $0x3E80  }
0x13b: {  	[sflag:s30] =	ssyncset.done $0x0  }
0x13c: {  	s8 =	simm.s32 $0xF80;
	[sflag:s30] =	ssyncadd.s32 $0xFFFFC180  }
0x13d: {  	[tilespmem:s0], [sflag:$0x2] =	stream.indirect.gather [hbm4b:s1+s28], $0x80, s8, s28, $0xb8;
	[tilespmem:$0x1E880] =	vst v63  }
0x13e: {  	s8 =	simm.s32 $0x2700  }
0x13f: {  	[spmem:s2] =	stream.indirect.scatter.add.f32 [tilespmem:s29], [sflag:$0x5], $0x80, s8, s28, $0xb8;
	[tilespmem:$0x1E880] =	vst v63  }
0x140: {  	_ =	swait.ge [sflag:s10], $0x3E80  }
0x141: {  	[sflag:s10] =	ssyncset.done $0x0  }
0x142: {  	[sflag:s10] =	ssyncadd.s32 $0xFFFFC180  }
0x143: {  	_ =	swait.ge [sflag:s11], $0x3E80  }
0x144: {  	[sflag:s11] =	ssyncset.done $0x0  }
0x145: {  	s8 =	simm.s32 $0x1000;
	[sflag:s11] =	ssyncadd.s32 $0xFFFFC180  }
0x146: {  	[tilespmem:s29], [sflag:$0x1] =	stream.indirect.gather [hbm4b:s1+s28], $0x80, s8, s28, $0xb8;
	[tilespmem:$0x1E880] =	vst v63  }
0x147: {  	s8 =	simm.s32 $0x2780  }
0x148: {  	[spmem:s2] =	stream.indirect.scatter.add.f32 [tilespmem:s0], [sflag:$0x5], $0x80, s8, s28, $0xb8;
	[tilespmem:$0x1E880] =	vst v63  }
0x149: {  	_ =	swait.ge [sflag:s10], $0x3E80  }
0x14a: {  	[sflag:s10] =	ssyncset.done $0x0  }
0x14b: {  	[sflag:s10] =	ssyncadd.s32 $0xFFFFC180  }
0x14c: {  	_ =	swait.ge [sflag:s30], $0x3E80  }
0x14d: {  	[sflag:s30] =	ssyncset.done $0x0  }
0x14e: {  	s8 =	simm.s32 $0x1080;
	[sflag:s30] =	ssyncadd.s32 $0xFFFFC180  }
0x14f: {  	[tilespmem:s0], [sflag:$0x2] =	stream.indirect.gather [hbm4b:s1+s28], $0x80, s8, s28, $0xb8;
	[tilespmem:$0x1E880] =	vst v63  }
0x150: {  	s8 =	simm.s32 $0x2800  }
0x151: {  	[spmem:s2] =	stream.indirect.scatter.add.f32 [tilespmem:s29], [sflag:$0x5], $0x80, s8, s28, $0xb8;
	[tilespmem:$0x1E880] =	vst v63  }
0x152: {  	_ =	swait.ge [sflag:s10], $0x3E80  }
0x153: {  	[sflag:s10] =	ssyncset.done $0x0  }
0x154: {  	[sflag:s10] =	ssyncadd.s32 $0xFFFFC180  }
0x155: {  	_ =	swait.ge [sflag:s11], $0x3E80  }
0x156: {  	[sflag:s11] =	ssyncset.done $0x0  }
0x157: {  	s8 =	simm.s32 $0x1100;
	[sflag:s11] =	ssyncadd.s32 $0xFFFFC180  }
0x158: {  	[tilespmem:s29], [sflag:$0x1] =	stream.indirect.gather [hbm4b:s1+s28], $0x80, s8, s28, $0xb8;
	[tilespmem:$0x1E880] =	vst v63  }
0x159: {  	s8 =	simm.s32 $0x2880  }
0x15a: {  	[spmem:s2] =	stream.indirect.scatter.add.f32 [tilespmem:s0], [sflag:$0x5], $0x80, s8, s28, $0xb8;
	[tilespmem:$0x1E880] =	vst v63  }
0x15b: {  	_ =	swait.ge [sflag:s10], $0x3E80  }
0x15c: {  	[sflag:s10] =	ssyncset.done $0x0  }
0x15d: {  	[sflag:s10] =	ssyncadd.s32 $0xFFFFC180  }
0x15e: {  	_ =	swait.ge [sflag:s30], $0x3E80  }
0x15f: {  	[sflag:s30] =	ssyncset.done $0x0  }
0x160: {  	s8 =	simm.s32 $0x1180;
	[sflag:s30] =	ssyncadd.s32 $0xFFFFC180  }
0x161: {  	[tilespmem:s0], [sflag:$0x2] =	stream.indirect.gather [hbm4b:s1+s28], $0x80, s8, s28, $0xb8;
	[tilespmem:$0x1E880] =	vst v63  }
0x162: {  	s8 =	simm.s32 $0x2900  }
0x163: {  	[spmem:s2] =	stream.indirect.scatter.add.f32 [tilespmem:s29], [sflag:$0x5], $0x80, s8, s28, $0xb8;
	[tilespmem:$0x1E880] =	vst v63  }
0x164: {  	_ =	swait.ge [sflag:s10], $0x3E80  }
0x165: {  	[sflag:s10] =	ssyncset.done $0x0  }
0x166: {  	[sflag:s10] =	ssyncadd.s32 $0xFFFFC180  }
0x167: {  	_ =	swait.ge [sflag:s11], $0x3E80  }
0x168: {  	[sflag:s11] =	ssyncset.done $0x0  }
0x169: {  	s8 =	simm.s32 $0x1200;
	[sflag:s11] =	ssyncadd.s32 $0xFFFFC180  }
0x16a: {  	[tilespmem:s29], [sflag:$0x1] =	stream.indirect.gather [hbm4b:s1+s28], $0x80, s8, s28, $0xb8;
	[tilespmem:$0x1E880] =	vst v63  }
0x16b: {  	s8 =	simm.s32 $0x2980  }
0x16c: {  	[spmem:s2] =	stream.indirect.scatter.add.f32 [tilespmem:s0], [sflag:$0x5], $0x80, s8, s28, $0xb8;
	[tilespmem:$0x1E880] =	vst v63  }
0x16d: {  	_ =	swait.ge [sflag:s10], $0x3E80  }
0x16e: {  	[sflag:s10] =	ssyncset.done $0x0  }
0x16f: {  	[sflag:s10] =	ssyncadd.s32 $0xFFFFC180  }
0x170: {  	_ =	swait.ge [sflag:s30], $0x3E80  }
0x171: {  	[sflag:s30] =	ssyncset.done $0x0  }
0x172: {  	s8 =	simm.s32 $0x1280;
	[sflag:s30] =	ssyncadd.s32 $0xFFFFC180  }
0x173: {  	[tilespmem:s0], [sflag:$0x2] =	stream.indirect.gather [hbm4b:s1+s28], $0x80, s8, s28, $0xb8;
	[tilespmem:$0x1E880] =	vst v63  }
0x174: {  	s8 =	simm.s32 $0x2A00  }
0x175: {  	[spmem:s2] =	stream.indirect.scatter.add.f32 [tilespmem:s29], [sflag:$0x5], $0x80, s8, s28, $0xb8;
	[tilespmem:$0x1E880] =	vst v63  }
0x176: {  	_ =	swait.ge [sflag:s10], $0x3E80  }
0x177: {  	[sflag:s10] =	ssyncset.done $0x0  }
0x178: {  	[sflag:s10] =	ssyncadd.s32 $0xFFFFC180  }
0x179: {  	_ =	swait.ge [sflag:s11], $0x3E80  }
0x17a: {  	[sflag:s11] =	ssyncset.done $0x0  }
0x17b: {  	s8 =	simm.s32 $0x1300;
	[sflag:s11] =	ssyncadd.s32 $0xFFFFC180  }
0x17c: {  	[tilespmem:s29], [sflag:$0x1] =	stream.indirect.gather [hbm4b:s1+s28], $0x80, s8, s28, $0xb8;
	[tilespmem:$0x1E880] =	vst v63  }
0x17d: {  	s8 =	simm.s32 $0x2A80  }
0x17e: {  	[spmem:s2] =	stream.indirect.scatter.add.f32 [tilespmem:s0], [sflag:$0x5], $0x80, s8, s28, $0xb8;
	[tilespmem:$0x1E880] =	vst v63  }
0x17f: {  	_ =	swait.ge [sflag:s10], $0x3E80  }
0x180: {  	[sflag:s10] =	ssyncset.done $0x0  }
0x181: {  	[sflag:s10] =	ssyncadd.s32 $0xFFFFC180  }
0x182: {  	_ =	swait.ge [sflag:s30], $0x3E80  }
0x183: {  	[sflag:s30] =	ssyncset.done $0x0  }
0x184: {  	[sflag:s30] =	ssyncadd.s32 $0xFFFFC180  }
0x185: {  	[tilespmem:s0], [sflag:$0x2] =	stream.indirect.gather [hbm4b:s1+s28], $0x80, s13, s28, $0xb8;
	[tilespmem:$0x1E880] =	vst v63  }
0x186: {  	_ = 	snop  }
0x187: {  	[spmem:s2] =	stream.indirect.scatter.add.f32 [tilespmem:s29], [sflag:$0x5], $0x80, s9, s28, $0xb8;
	[tilespmem:$0x1E880] =	vst v63  }
0x188: {  	_ =	swait.ge [sflag:s10], $0x3E80  }
0x189: {  	[sflag:s10] =	ssyncset.done $0x0  }
0x18a: {  	[sflag:s10] =	ssyncadd.s32 $0xFFFFC180  }
0x18b: {  	_ =	swait.ge [sflag:s11], $0x3E80  }
0x18c: {  	[sflag:s11] =	ssyncset.done $0x0  }
0x18d: {  	[sflag:s11] =	ssyncadd.s32 $0xFFFFC180  }
0x18e: {  	[tilespmem:s29], [sflag:$0x1] =	stream.indirect.gather [hbm4b:s1+s28], $0x80, s17, s28, $0xb8;
	[tilespmem:$0x1E880] =	vst v63  }
0x18f: {  	_ = 	snop  }
0x190: {  	[spmem:s2] =	stream.indirect.scatter.add.f32 [tilespmem:s0], [sflag:$0x5], $0x80, s18, s28, $0xb8;
	[tilespmem:$0x1E880] =	vst v63  }
0x191: {  	_ =	swait.ge [sflag:s10], $0x3E80  }
0x192: {  	[sflag:s10] =	ssyncset.done $0x0  }
0x193: {  	[sflag:s10] =	ssyncadd.s32 $0xFFFFC180  }
0x194: {  	_ =	swait.ge [sflag:s30], $0x3E80  }
0x195: {  	[sflag:s30] =	ssyncset.done $0x0  }
0x196: {  	[sflag:s30] =	ssyncadd.s32 $0xFFFFC180  }
0x197: {  	[tilespmem:s0], [sflag:$0x2] =	stream.indirect.gather [hbm4b:s1+s28], $0x80, s23, s28, $0xb8;
	[tilespmem:$0x1E880] =	vst v63  }
0x198: {  	_ = 	snop  }
0x199: {  	[spmem:s2] =	stream.indirect.scatter.add.f32 [tilespmem:s29], [sflag:$0x5], $0x80, s19, s28, $0xb8;
	[tilespmem:$0x1E880] =	vst v63  }
0x19a: {  	_ =	swait.ge [sflag:s10], $0x3E80  }
0x19b: {  	[sflag:s10] =	ssyncset.done $0x0  }
0x19c: {  	[sflag:s10] =	ssyncadd.s32 $0xFFFFC180  }
0x19d: {  	_ =	swait.ge [sflag:s11], $0x3E80  }
0x19e: {  	[sflag:s11] =	ssyncset.done $0x0  }
0x19f: {  	[sflag:s11] =	ssyncadd.s32 $0xFFFFC180  }
0x1a0: {  	[tilespmem:s29], [sflag:$0x1] =	stream.indirect.gather [hbm4b:s1+s28], $0x80, s20, s28, $0xb8;
	[tilespmem:$0x1E880] =	vst v63  }
0x1a1: {  	_ = 	snop  }
0x1a2: {  	[spmem:s2] =	stream.indirect.scatter.add.f32 [tilespmem:s0], [sflag:$0x5], $0x80, s21, s28, $0xb8;
	[tilespmem:$0x1E880] =	vst v63  }
0x1a3: {  	_ =	swait.ge [sflag:s10], $0x3E80  }
0x1a4: {  	[sflag:s10] =	ssyncset.done $0x0  }
0x1a5: {  	[sflag:s10] =	ssyncadd.s32 $0xFFFFC180  }
0x1a6: {  	_ =	swait.ge [sflag:s30], $0x3E80  }
0x1a7: {  	[sflag:s30] =	ssyncset.done $0x0  }
0x1a8: {  	[sflag:s30] =	ssyncadd.s32 $0xFFFFC180  }
0x1a9: {  	[tilespmem:s0], [sflag:$0x2] =	stream.indirect.gather [hbm4b:s1+s28], $0x80, s22, s28, $0xb8;
	[tilespmem:$0x1E880] =	vst v63  }
0x1aa: {  	_ = 	snop  }
0x1ab: {  	[spmem:s2] =	stream.indirect.scatter.add.f32 [tilespmem:s29], [sflag:$0x5], $0x80, s31, s28, $0xb8;
	[tilespmem:$0x1E880] =	vst v63  }
0x1ac: {  	_ =	swait.ge [sflag:s10], $0x3E80  }
0x1ad: {  	[sflag:s10] =	ssyncset.done $0x0  }
0x1ae: {  	[sflag:s10] =	ssyncadd.s32 $0xFFFFC180  }
0x1af: {  	_ =	swait.ge [sflag:s11], $0x3E80  }
0x1b0: {  	p6 =	por p5, p5;
	[sflag:s11] =	ssyncset.done $0x0  }
.Ltmp0:
0x1b1: {  	[sflag:s11] =	ssyncadd.s32 $0xFFFFC180;
	(pc) =	sbr.rel @p6 .LBB2_2-.Ltmp0, $4  }
0x1b2: {  	[spmem:s2] =	stream.indirect.scatter.add.f32 [tilespmem:s0], [sflag:$0x5], $0x80, s12, s28, $0xb8;
	[tilespmem:$0x1E880] =	vst v63  }
0x1b3: {  	_ =	swait.ge [sflag:s10], $0x3E80  }
0x1b4: {  	[sflag:s10] =	ssyncset.done $0x0  }
0x1b5: {  	s5 =	simm.s32 $0x1800;
	p5 =	por $0x0, $0x0;
	[sflag:s10] =	ssyncadd.s32 $0xFFFFC180  }
0x1b6: {  	[bflag:$0x0] =	sbarrier.arrive $0xFFFF  }
0x1b7: {  	s18 =	rddreg [dreg:$0x6]  }
0x1b8: {  	s8 =	simm.s32 @p4 $0x1FC5;
	s9 =	rddreg [dreg:$0xc];
	s5 =	sshrl.u32 @p4 s18, $0x3  }
0x1b9: {  	[hbm:s9], [sflag:s8] =	dma.local @p4 [spmem:s5], $0x2800  }
0x1ba: {  	s5 =	simm.s32 @p4 $0x5  }
0x1bb: {  	_ =	swait.ge @p4 [sflag:s5], $0x2800  }
0x1bc: {  	s13 =	stileid.u32;
	s17 =	rddreg [dreg:$0x5]  }
0x1bd: {  	s8 =	sshll.u32 @!p4 s13, $0x6;
	[sflag:s5] =	ssyncset.done @p4 $0x0;
	s9 =	rddreg [dreg:$0xb]  }
0x1be: {  	[sflag:s5] =	ssyncadd.s32 @p4 $0xFFFFD800;
	s5 =	sor.u32 @!p4 $0x1C05, s8;
	s8 =	sshrl.u32 @!p4 s17, $0x3  }
0x1bf: {  	[hbm:s9], [sflag:s5] =	dma.local @!p4 [spmem:s8], $0x2700  }
0x1c0: {  	s5 =	simm.s32 @!p4 $0x5  }
0x1c1: {  	_ =	swait.ge @!p4 [sflag:s5], $0x2700  }
0x1c2: {  	s8 =	rddreg [dreg:$0x11]  }
0x1c3: {  	s9 =	sadd.s32 $0x1, s8;
	s8 =	rddreg [dreg:$0xd]  }
0x1c4: {  	p5 =	sne.s32 s9, s8  }
.Ltmp1:
0x1c5: {  	_ = 	snop;
	(pc) =	sbr.rel @p5 .LBB2_1-.Ltmp1, $3  }
0x1c6: {  	_ =	sdelay $0x1  }
0x1c7: {  	[sflag:s5] =	ssyncset.done @!p4 $0x0  }
0x1c8: {  	[sflag:s5] =	ssyncadd.s32 @!p4 $0xFFFFD900  }
0x1c9: {  	_ =	sfence.sel $0x180000  }
0x1ca: {  	[bflag:$0x0] =	sbarrier.arrive $0xFFFF  }
0x1cb: {  	_ =	strace $0x9000004A  }
0x1cc: {  	[bflag:$0x2] =	sbarrier.arrive $0xFFFF  }
0x1cd: {  	p0 =	sne.s32 s13, $0x0;
	s0 =	rddreg [dreg:$0x3]  }
0x1ce: {  	s0 =	sadd.s32 @!p0 $0x100000, s0  }
0x1cf: {  	[sflag:s0] =	ssyncadd.tile.s32 @!p0 $0x1;
	_ =	shalt  }
.Lfunc_end2:
_tile_overlayer_lowered:
.L_overlay_start_2:
0x1d0: {  	(tag) =	ssettag $0x2  }
0x1d1: {  	s0 =	rddreg [dreg:$0x0];
	s2 =	stileid.u32  }
0x1d2: {  	s1 =	rddreg [dreg:$0x1];
	p0 =	sne.s32 s2, $0x0  }
0x1d3: {  	s3 =	rddreg [dreg:$0x2];
	[bflag:$0x3] =	sbarrier.arrive $0xFFFF;
	s2 =	simm.s32 @!p0 $0x1C05  }
0x1d4: {  	[timem:s3], [sflag:s2] =	dma.local @!p0 [hbm:s0], s1  }
0x1d5: {  	s0 =	simm.s32 @!p0 $0x5  }
0x1d6: {  	_ =	swait.ge @!p0 [sflag:s0], s1  }
0x1d7: {  	s1 =	ssub.s32 @!p0 $0x0, s1;
	[sflag:s0] =	ssyncset.done @!p0 $0x0  }
0x1d8: {  	[sflag:s0] =	ssyncadd.s32 @!p0 s1  }
0x1d9: {  	[bflag:$0x3] =	sbarrier.arrive $0xFFFF  }
0x1da: {  	_ =	shalt  }

// kernel: kernel.14.cloned.1.call-start
scs
__scs_entry_jumppad:
0x0: {  	(pc) =	sbr.rel $0x88, $3  }
0x1: {  	(tag) =	ssettag $0x0;
	lr =	simm.s32 $0x1  }
0x2: {  	[smem:$0x3F97] =	sst lr;
	_ =	strace $0xD0000000  }
0x3: {  	_ = 	snop  }
0x4: {  	_ = 	snop  }
0x5: {  	_ = 	snop  }
0x6: {  	_ = 	snop  }
0x7: {  	_ = 	snop  }
__scs_overlays_trampoline_lowered:
0x8: {  	[smem:$0x3FA6] =	sst s0  }
0x9: {  	[smem:$0x3FA7] =	sst s1  }
0xa: {  	[smem:$0x3FA8] =	sst s2  }
0xb: {  	[smem:$0x3FA9] =	sst s3  }
0xc: {  	[smem:$0x3FAA] =	sst s4  }
0xd: {  	[smem:$0x3FAB] =	sst s5  }
0xe: {  	[smem:$0x3FAC] =	sst s6  }
0xf: {  	[smem:$0x3FAD] =	sst s7  }
0x10: {  	[smem:$0x3FAE] =	sst s8  }
0x11: {  	[smem:$0x3FAF] =	sst s9;
	s0 =	simm.s32 @!p0 $0x0  }
0x12: {  	s1 =	sld [smem:$0x3F95];
	s0 =	simm.s32 @p0 $0x1  }
0x13: {  	[smem:$0x3FB0] =	sst s0;
	s0 =	simm.s32 @!p1 $0x0  }
0x14: {  	s2 =	sld [smem:$0x3F94];
	s0 =	simm.s32 @p1 $0x1  }
0x15: {  	[smem:$0x3FB1] =	sst s0;
	s0 =	simm.s32 @!p2 $0x0  }
0x16: {  	s3 =	sld [smem:$0x3FDB];
	s0 =	simm.s32 @p2 $0x1  }
0x17: {  	s4 =	simm.s32 $0x1BF5;
	[smem:$0x3FB3] =	sst s0  }
0x18: {  	s0 =	sld [smem:$0x3F96];
	_ =	swait.ge [sflag:s4], $0x0  }
0x19: {  	s7 =	sld [smem:$0x3F97]  }
0x1a: {  	s8 =	sadd.s32 $0xFFFFE003, lr  }
0x1b: {  	s9 =	sadd.s32 $0xFFFFFEF7, lr;
	s5 =	simm.s32 $0xFFFFFFFF;
	p2 =	slt.u32 s8, $0xFFFFF086  }
0x1c: {  	p1 =	slt.u32 s9, $0xF7A;
	s5 =	simm.s32 @!p2 $0x0  }
0x1d: {  	s5 =	simm.s32 @p1 $0x1;
	p0 =	seq.s32 s7, s2  }
0x1e: {  	s7 =	smul.u32 @!p0 $0xF7A, s2;
	p2 =	seq.s32 @!p0 s5, $0x0  }
0x1f: {  	s9 =	smul.u32 $0xF7A, s1;
	s8 =	simm.s32 @!p0 $0x1BF5;
	p2 =	por !p2, p0  }
0x20: {  	[sflag:s8] =	ssyncset.s32 @!p0 $0xFFFFF086;
	s6 =	sadd.s32 @!p0 s3, s7;
	s7 =	simm.s32 @!p0 $0x108  }
0x21: {  	s3 =	sadd.s32 s3, s9;
	s6 =	sadd.s32 @!p0 $0x88, s6;
	s7 =	simm.s32 @p2 $0x1082  }
0x22: {  	[simem:s7], [sflag:s8] =	dma.local @!p0 [hbm:s6], $0xF7A  }
0x23: {  	s9 =	sor.u32 $0xD0000000, s2;
	s6 =	simm.s32 $0x108;
	_ =	swait.ge @!p0 [sflag:s8], $0x0  }
0x24: {  	s3 =	sadd.s32 $0x88, s3;
	s6 =	simm.s32 @!p1 $0x1082;
	[sflag:s4] =	ssyncset.s32 $0xFFFFF086  }
0x25: {  	[simem:s6], [sflag:s4] =	dma.local [hbm:s3], $0xF7A  }
0x26: {  	[smem:$0x3F97] =	sst s1;
	(tag) =	ssettag s2;
	_ =	strace s9  }
0x27: {  	s1 =	sld [smem:$0x3FA7]  }
0x28: {  	s2 =	sld [smem:$0x3FA8]  }
0x29: {  	s4 =	sld [smem:$0x3FAA]  }
0x2a: {  	p0 =	seq.s32 s5, $0x0;
	s5 =	sld [smem:$0x3FAB]  }
0x2b: {  	s6 =	sld [smem:$0x3FAC]  }
0x2c: {  	s7 =	sld [smem:$0x3FAD]  }
0x2d: {  	s3 =	simm.s32 $0x108;
	s8 =	sld [smem:$0x3FAE]  }
0x2e: {  	s3 =	simm.s32 @!p0 $0x1082;
	s9 =	sld [smem:$0x3FAF]  }
0x2f: {  	lr =	sadd.s32 s0, s3;
	s0 =	sld [smem:$0x3FA6]  }
0x30: {  	s3 =	sld [smem:$0x3FA9]  }
0x31: {  	[smem:$0x3FB2] =	sst s10  }
0x32: {  	s10 =	sld [smem:$0x3FB0];
	_ =	sdelay $0x3  }
0x33: {  	p0 =	seq.s32 s10, $0x1;
	s10 =	sld [smem:$0x3FB2];
	_ =	sdelay $0x3  }
0x34: {  	[smem:$0x3FB2] =	sst s10  }
0x35: {  	s10 =	sld [smem:$0x3FB1];
	_ =	sdelay $0x3  }
0x36: {  	p1 =	seq.s32 s10, $0x1;
	s10 =	sld [smem:$0x3FB2];
	_ =	sdelay $0x3  }
0x37: {  	[smem:$0x3FB2] =	sst s10  }
0x38: {  	s10 =	sld [smem:$0x3FB3]  }
0x39: {  	_ = 	snop;
	(pc) =	sbr.ind lr, $3  }
0x3a: {  	_ = 	snop  }
0x3b: {  	_ = 	snop  }
0x3c: {  	p2 =	seq.s32 s10, $0x1;
	s10 =	sld [smem:$0x3FB2]  }
0x3d: {  	_ =	shalt  }
0x3e: {  	_ =	shalt  }
0x3f: {  	_ =	shalt  }
0x40: {  	_ =	shalt  }
0x41: {  	_ =	shalt  }
0x42: {  	_ =	shalt  }
0x43: {  	_ =	shalt  }
0x44: {  	_ =	shalt  }
0x45: {  	_ =	shalt  }
0x46: {  	_ =	shalt  }
0x47: {  	_ =	shalt  }
0x48: {  	_ =	shalt  }
0x49: {  	_ =	shalt  }
0x4a: {  	_ =	shalt  }
0x4b: {  	_ =	shalt  }
0x4c: {  	_ =	shalt  }
0x4d: {  	_ =	shalt  }
0x4e: {  	_ =	shalt  }
0x4f: {  	_ =	shalt  }
0x50: {  	_ =	shalt  }
0x51: {  	_ =	shalt  }
0x52: {  	_ =	shalt  }
0x53: {  	_ =	shalt  }
0x54: {  	_ =	shalt  }
0x55: {  	_ =	shalt  }
0x56: {  	_ =	shalt  }
0x57: {  	_ =	shalt  }
0x58: {  	_ =	shalt  }
0x59: {  	_ =	shalt  }
0x5a: {  	_ =	shalt  }
0x5b: {  	_ =	shalt  }
0x5c: {  	_ =	shalt  }
0x5d: {  	_ =	shalt  }
0x5e: {  	_ =	shalt  }
0x5f: {  	_ =	shalt  }
0x60: {  	_ =	shalt  }
0x61: {  	_ =	shalt  }
0x62: {  	_ =	shalt  }
0x63: {  	_ =	shalt  }
0x64: {  	_ =	shalt  }
0x65: {  	_ =	shalt  }
0x66: {  	_ =	shalt  }
0x67: {  	_ =	shalt  }
0x68: {  	_ =	shalt  }
0x69: {  	_ =	shalt  }
0x6a: {  	_ =	shalt  }
0x6b: {  	_ =	shalt  }
0x6c: {  	_ =	shalt  }
0x6d: {  	_ =	shalt  }
0x6e: {  	_ =	shalt  }
0x6f: {  	_ =	shalt  }
0x70: {  	_ =	shalt  }
0x71: {  	_ =	shalt  }
0x72: {  	_ =	shalt  }
0x73: {  	_ =	shalt  }
0x74: {  	_ =	shalt  }
0x75: {  	_ =	shalt  }
0x76: {  	_ =	shalt  }
0x77: {  	_ =	shalt  }
0x78: {  	_ =	shalt  }
0x79: {  	_ =	shalt  }
0x7a: {  	_ =	shalt  }
0x7b: {  	_ =	shalt  }
0x7c: {  	_ =	shalt  }
0x7d: {  	_ =	shalt  }
0x7e: {  	_ =	shalt  }
0x7f: {  	_ =	shalt  }
0x80: {  	_ =	shalt  }
0x81: {  	_ =	shalt  }
0x82: {  	_ =	shalt  }
0x83: {  	_ =	shalt  }
0x84: {  	_ =	shalt  }
0x85: {  	_ =	shalt  }
0x86: {  	_ =	shalt  }
0x87: {  	_ =	shalt  }
.Lfunc_end0:
.L_simem_size_0:
called_computation.2_lowered:
.L_overlay_start_0:
0x88: {  	s2 =	sld [smem:$0x3FD9]  }
0x89: {  	s3 =	sld [smem:$0x3FFE];
	_ =	sdelay $0x1  }
0x8a: {  	s1 =	srdreg.scid  }
0x8b: {  	s0 =	sand.u32 $0x1, s1  }
0x8c: {  	s17 =	sshll.u32 s0, $0xA;
	s2 =	sadd.s32 s3, s2  }
0x8d: {  	s2 =	sadd.s32 s2, s17  }
0x8e: {  	[smem:$0x3FBE] =	sst s2  }
0x8f: {  	_ = 	snop  }
0x90: {  	s2 =	sld [smem:$0x3FD0];
	(tm) =	ssettm $0x1  }
0x91: {  	s18 =	sld [smem:$0x3FFB];
	_ =	sdelay $0x3  }
0x92: {  	_ =	strace s18  }
0x93: {  	s3 =	sld [smem:$0x3FFC];
	_ =	sdelay $0x3  }
0x94: {  	_ =	strace s3  }
0x95: {  	s3 =	sld [smem:$0x3FFD];
	_ =	sdelay $0x3  }
0x96: {  	_ =	strace s3  }
0x97: {  	_ =	strace $0x8FFFFFFF  }
0x98: {  	s19 =	sld [smem:$0x3FDB];
	_ =	sdelay $0x1  }
0x99: {  	s4 =	simm.s32 $_scs_section_size  }
0x9a: {  	s5 =	simm.s32 $_size__tile_overlayer_lowered;
	s6 =	simm.s32 $_tile_overlayer_lowered  }
0x9b: {  	s22 =	simm.s32 $0x1BFF;
	s21 =	sshll.u32 s6, $0x1;
	s3 =	sadd.s32 s4, s19  }
0x9c: {  	s7 =	simm.s32 $0x0;
	s20 =	sshll.u32 s5, $0x1;
	s5 =	sadd.s32 s21, s3  }
0x9d: {  	[timem:s7], [sflag:s22] =	dma.local [hbm:s5], s20  }
0x9e: {  	_ =	swait.ge [sflag:s22], s20  }
0x9f: {  	s4 =	ssub.s32 $0x0, s20;
	[sflag:s22] =	ssyncset.done $0x0  }
0xa0: {  	[sflag:s22] =	ssyncadd.s32 s4;
	_ =	sdelay $0x1  }
0xa1: {  	s23 =	simm.s32 $0x1B8B  }
0xa2: {  	_ =	swait.ge [sflag:s23], $0x1  }
0xa3: {  	[sflag:s23] =	ssyncset.done $0x0  }
0xa4: {  	s25 =	simm.s32 $0x1B8E;
	s24 =	sld [smem:$0x3FFE];
	[sflag:s23] =	ssyncadd.s32 $0xFFFFFFFF  }
0xa5: {  	s26 =	simm.s32 $execute0_lowered;
	[smem:$0x3FD2] =	sst s25  }
0xa6: {  	s5 =	sshll.u32 s26, $0x1;
	_ =	strace $0x8000004C;
	[dreg:$0x1] =	wrdreg $0xFFFFFFFF  }
0xa7: {  	s28 =	simm.s32 $_size_execute0_lowered;
	s3 =	sadd.s32 s3, s5;
	[dreg:$0x0] =	wrdreg $0x0  }
0xa8: {  	s5 =	sshll.u32 s28, $0x1;
	[dreg:$0x2] =	wrdreg s3  }
0xa9: {  	[dreg:$0x3] =	wrdreg s5  }
0xaa: {  	[dreg:$0x4] =	wrdreg $0xC0  }
0xab: {  	_ =	task [dreg:s7], $0x5FFFF  }
0xac: {  	[dreg:$0x1] =	wrdreg $0xFFFFFFFF  }
0xad: {  	[dreg:$0x0] =	wrdreg $0x60  }
0xae: {  	[dreg:$0x2] =	wrdreg s2  }
0xaf: {  	[dreg:$0x3] =	wrdreg s24  }
0xb0: {  	[dreg:$0x4] =	wrdreg $0xB0000  }
0xb1: {  	[dreg:$0x5] =	wrdreg $0x9  }
0xb2: {  	_ =	task.clear_ibuf [dreg:s7], $0x6FFFF;
	_ =	strace $0x9000004C  }
0xb3: {  	s29 =	simm.s32 $0x9;
	_ =	strace $0x8000004E  }
0xb4: {  	_ =	swait.ge [sflag:s29], $0x1  }
0xb5: {  	[sflag:s29] =	ssyncadd.s32 $0xFFFFFFFF  }
0xb6: {  	_ =	strace $0x9000004E  }
0xb7: {  	_ =	sfence  }
0xb8: {  	s30 =	sld [smem:$0x0];
	_ =	sdelay $0x2  }
0xb9: {  	s31 =	sshll.u32 s1, $0xD;
	s1 =	sshrl.u32 s1, $0x2  }
0xba: {  	s3 =	sand.u32 $0x4000, s31;
	s1 =	sadd.s32 s1, s30  }
0xbb: {  	s0 =	sor.u32 s3, s0;
	s1 =	sshll.u32 s1, $0x11  }
0xbc: {  	s0 =	sor.u32 s1, s0  }
0xbd: {  	s0 =	sadd.s32 $0x8F2B, s0  }
0xbe: {  	[sflag:s0] =	ssyncadd.remote.s32 $0x1  }
0xbf: {  	_ =	sfence.sel $0xFFFF  }
0xc0: {  	[dreg:$0x0] =	wrdreg $0xFFFFFFFF;
	(pc) =	sbr.abs _section_cstart, $3  }
0xc1: {  	[dreg:$0x1] =	wrdreg $0xFFFFFFFF  }
0xc2: {  	_ =	task.clear_ibuf [dreg:s7], $0x2FFFF;
	_ =	strace $0x9FFFFFFF  }
0xc3: {  	(tm) =	ssettm $0x7FFFFFFF  }
tec
execute0_lowered:
.L_overlay_start_1:
0x0: {  	(tag) =	ssettag $0x1  }
0x1: {  	s1 =	rddreg [dreg:$0x0]  }
0x2: {  	s0 =	rddreg [dreg:$0x1]  }
0x3: {  	s2 =	rddreg [dreg:$0x2];
	s3 =	simm.s32 $0x0  }
0x4: {  	s14 =	srdreg.scid;
	s13 =	stileid.u32;
	s28 =	simm.s32 $0x7D  }
0x5: {  	s29 =	simm.s32 $0x3000;
	s30 =	simm.s32 $0x1;
	s31 =	simm.s32 $0x2D00  }
0x6: {  	[smem:$0x7FF] =	sst s3;
	s4 =	sadd.s32 $0xE800, s0;
	s6 =	sadd.s32 $0x2600, s0  }
0x7: {  	s5 =	sadd.s32 $0x1A800, s0;
	s0 =	sadd.s32 $0x1D000, s0;
	s9 =	smul.u32 $0x4E000, s13  }
0x8: {  	s16 =	sadd.s32 $0x24900, s1;
	_ =	strace $0x8000004D;
	[dreg:$0x4] =	wrdreg s5  }
0x9: {  	s11 =	smul.u32 $0x2700, s13;
	s18 =	sadd.s32 $0x124800, s2;
	[dreg:$0x8] =	wrdreg s16  }
0xa: {  	s12 =	smul.u32 $0x13800, s13;
	s5 =	sand.u32 $0x1, s14;
	[dreg:$0x6] =	wrdreg s18  }
0xb: {  	s7 =	ssub.s32 $0x2, s5;
	s8 =	sshll.u32 s5, $0x4;
	s9 =	sshrl.u32 s9, $0x2  }
0xc: {  	s15 =	sadd.s32 s1, s11;
	s20 =	smul.u32 $0x138800, s5;
	p3 =	sne.s32 s5, $0x0  }
0xd: {  	s11 =	simm.s32 $0x2;
	s10 =	sshrl.u32 s7, $0x1;
	s8 =	sor.u32 s13, s8  }
0xe: {  	s17 =	sadd.s32 s9, s2;
	[dreg:$0x7] =	wrdreg s15;
	p1 =	seq.s32 @p3 s13, $0xF  }
0xf: {  	p4 =	seq.s32 @!p3 s13, $0xF;
	s7 =	ssub.s32 s7, s10;
	s8 =	smul.u32 $0x3000, s8  }
0x10: {  	s23 =	sadd.s32 s12, s20;
	s24 =	sshrl.u32 s20, $0x3;
	p0 =	por !p1, !p3  }
0x11: {  	p1 =	por p1, !p3;
	p2 =	por !p4, p3;
	p3 =	por p4, p3  }
0x12: {  	p4 =	seq.s32 s13, $0xF;
	s10 =	simm.s32 $0x5;
	[dreg:$0x5] =	wrdreg s17  }
0x13: {  	s20 =	simm.s32 $0x1500;
	s12 =	simm.s32 $0x2D80;
	s26 =	smax.u32 s7, $0x1  }
0x14: {  	s7 =	simm.s32 $0x4;
	s19 =	sshrl.u32 s8, $0x3;
	s14 =	sor.u32 $0xC00, s8  }
0x15: {  	s8 =	sshrl.u32 s23, $0x3;
	[dreg:$0xd] =	wrdreg s26;
	s26 =	simm.s32 $0x2400  }
0x16: {  	s23 =	simm.s32 $0x1480;
	s21 =	sadd.s32 s4, s19;
	s22 =	sadd.s32 $0x300, s19  }
0x17: {  	s9 =	sadd.s32 s6, s19;
	s19 =	simm.s32 $0x2C00;
	[dreg:$0x9] =	wrdreg s21  }
0x18: {  	[dreg:$0xa] =	wrdreg s9;
	s15 =	sadd.s32 s4, s22;
	s16 =	sadd.s32 s6, s22  }
0x19: {  	s9 =	sadd.s32 s0, s24;
	s0 =	sadd.s32 s0, s8;
	s24 =	simm.s32 $0x3  }
0x1a: {  	s21 =	simm.s32 $0x2C80;
	[dreg:$0xb] =	wrdreg s0;
	s0 =	sshrl.u32 @!p0 s18, $0x3  }
0x1b: {  	s25 =	sadd.s32 $0x24900, s9;
	[dreg:$0xe] =	wrdreg s0;
	s0 =	sshll.u32 @!p1 s13, $0x6  }
0x1c: {  	s22 =	simm.s32 $0x1580;
	[dreg:$0xc] =	wrdreg s25;
	s0 =	sor.u32 @!p1 $0x1C05, s0  }
0x1d: {  	s9 =	simm.s32 $0x0;
	[dreg:$0xf] =	wrdreg s0;
	s0 =	sshrl.u32 @!p1 s17, $0x3  }
0x1e: {  	s25 =	simm.s32 $0xC00;
	[dreg:$0x10] =	wrdreg s0;
	s0 =	simm.s32 $0x7000  }
.LBB2_1:
0x1f: {  	[dreg:$0x11] =	wrdreg s9  }
0x20: {  	s8 =	rddreg [dreg:$0x4]  }
0x21: {  	s5 =	simm.s32 @!p0 $0x1FC5;
	s9 =	rddreg [dreg:$0xe]  }
0x22: {  	[spmem:s9], [sflag:s5] =	dma.local @!p0 [hbm:s8], $0x2800  }
0x23: {  	s5 =	simm.s32 @!p0 $0x5  }
0x24: {  	_ =	swait.ge @!p0 [sflag:s5], $0x2800  }
0x25: {  	[sflag:s5] =	ssyncset.done @!p0 $0x0;
	s9 =	rddreg [dreg:$0x10]  }
0x26: {  	[sflag:s5] =	ssyncadd.s32 @!p0 $0xFFFFD800;
	s5 =	rddreg [dreg:$0xf]  }
0x27: {  	[spmem:s9], [sflag:s5] =	dma.local @!p1 [hbm:s8], $0x2700  }
0x28: {  	s5 =	simm.s32 @!p1 $0x5  }
0x29: {  	_ =	swait.ge @!p1 [sflag:s5], $0x2700  }
0x2a: {  	s8 =	simm.s32 @!p2 $0x1FC5;
	[sflag:s5] =	ssyncset.done @!p1 $0x0  }
0x2b: {  	s9 =	rddreg [dreg:$0x8];
	[sflag:s5] =	ssyncadd.s32 @!p1 $0xFFFFD900;
	s5 =	sshrl.u32 @!p2 s18, $0x3  }
0x2c: {  	[spmem:s5], [sflag:s8] =	dma.local @!p2 [hbm:s9], $0x2800  }
0x2d: {  	s5 =	simm.s32 @!p2 $0x5  }
0x2e: {  	_ =	swait.ge @!p2 [sflag:s5], $0x2800  }
0x2f: {  	s8 =	sshll.u32 @!p3 s13, $0x6;
	[sflag:s5] =	ssyncset.done @!p2 $0x0;
	s9 =	rddreg [dreg:$0x7]  }
0x30: {  	[sflag:s5] =	ssyncadd.s32 @!p2 $0xFFFFD800;
	s5 =	sor.u32 @!p3 $0x1C05, s8;
	s8 =	sshrl.u32 @!p3 s17, $0x3  }
0x31: {  	[spmem:s8], [sflag:s5] =	dma.local @!p3 [hbm:s9], $0x2700  }
0x32: {  	s5 =	simm.s32 @!p3 $0x5  }
0x33: {  	_ =	swait.ge @!p3 [sflag:s5], $0x2700  }
0x34: {  	[sflag:s5] =	ssyncset.done @!p3 $0x0  }
0x35: {  	[sflag:s5] =	ssyncadd.s32 @!p3 $0xFFFFD900  }
0x36: {  	[bflag:$0x0] =	sbarrier.arrive $0xFFFF  }
0x37: {  	p5 =	por $0x1, $0x1;
	s18 =	simm.s32 $0x1800;
	s13 =	rddreg [dreg:$0x9]  }
0x38: {  	[tilespmem:s3], [sflag:$0x3] =	stream.linear.gather [hbm4b:s13+s3], $0xA00, $0x38;
	[tilespmem:$0x1E880] =	vst v63  }
0x39: {  	s9 =	simm.s32 $0x2B00;
	s5 =	simm.s32 $0x0;
	s17 =	rddreg [dreg:$0xa]  }
0x3a: {  	[tilespmem:s18], [sflag:$0x3] =	stream.linear.gather [hbm4b:s17+s3], $0xA00, $0x38;
	[tilespmem:$0x1E880] =	vst v63  }
0x3b: {  	s13 =	simm.s32 $0x1380;
	s17 =	simm.s32 $0x1400;
	s18 =	simm.s32 $0x2B80  }
.LBB2_2:
0x3c: {  	_ =	swait.ge [sflag:s24], $0xA00  }
0x3d: {  	[sflag:s24] =	ssyncset.done $0x0  }
0x3e: {  	[sflag:s24] =	ssyncadd.s32 $0xFFFFF600  }
0x3f: {  	s5 =	sadd.s32 s5, s14;
	_ =	swait.ge [sflag:s24], $0xA00  }
0x40: {  	s5 =	sshrl.u32 s5, $0x3;
	[sflag:s24] =	ssyncset.done $0x0  }
0x41: {  	s8 =	sadd.s32 s4, s5;
	[sflag:s24] =	ssyncadd.s32 $0xFFFFF600  }
0x42: {  	[tilespmem:s25], [sflag:$0x4] =	stream.linear.gather [hbm4b:s8+s3], $0xA00, $0x38;
	[tilespmem:$0x1E880] =	vst v63  }
0x43: {  	s5 =	sadd.s32 s6, s5  }
0x44: {  	[tilespmem:s26], [sflag:$0x4] =	stream.linear.gather [hbm4b:s5+s3], $0xA00, $0x38;
	[tilespmem:$0x1E880] =	vst v63  }
0x45: {  	_ = 	snop  }
0x46: {  	[tilespmem:s29], [sflag:$0x1] =	stream.indirect.gather [hbm4b:s1+s28], $0x80, s3, s28, $0xb8;
	[tilespmem:$0x1E880] =	vst v63  }
0x47: {  	_ =	swait.ge [sflag:s30], $0x3E80  }
0x48: {  	[sflag:s30] =	ssyncset.done $0x0  }
0x49: {  	s8 =	simm.s32 $0x80;
	[sflag:s30] =	ssyncadd.s32 $0xFFFFC180  }
0x4a: {  	[tilespmem:s0], [sflag:$0x2] =	stream.indirect.gather [hbm4b:s1+s28], $0x80, s8, s28, $0xb8;
	[tilespmem:$0x1E880] =	vst v63  }
0x4b: {  	s8 =	simm.s32 $0x1800  }
0x4c: {  	[spmem:s2] =	stream.indirect.scatter.add.f32 [tilespmem:s29], [sflag:$0x5], $0x80, s8, s28, $0xb8;
	[tilespmem:$0x1E880] =	vst v63  }
0x4d: {  	_ =	swait.ge [sflag:s10], $0x3E80  }
0x4e: {  	[sflag:s10] =	ssyncset.done $0x0  }
0x4f: {  	[sflag:s10] =	ssyncadd.s32 $0xFFFFC180  }
0x50: {  	_ =	swait.ge [sflag:s11], $0x3E80  }
0x51: {  	[sflag:s11] =	ssyncset.done $0x0  }
0x52: {  	s8 =	simm.s32 $0x100;
	[sflag:s11] =	ssyncadd.s32 $0xFFFFC180  }
0x53: {  	[tilespmem:s29], [sflag:$0x1] =	stream.indirect.gather [hbm4b:s1+s28], $0x80, s8, s28, $0xb8;
	[tilespmem:$0x1E880] =	vst v63  }
0x54: {  	s8 =	simm.s32 $0x1880  }
0x55: {  	[spmem:s2] =	stream.indirect.scatter.add.f32 [tilespmem:s0], [sflag:$0x5], $0x80, s8, s28, $0xb8;
	[tilespmem:$0x1E880] =	vst v63  }
0x56: {  	_ =	swait.ge [sflag:s10], $0x3E80  }
0x57: {  	[sflag:s10] =	ssyncset.done $0x0  }
0x58: {  	[sflag:s10] =	ssyncadd.s32 $0xFFFFC180  }
0x59: {  	_ =	swait.ge [sflag:s30], $0x3E80  }
0x5a: {  	[sflag:s30] =	ssyncset.done $0x0  }
0x5b: {  	s8 =	simm.s32 $0x180;
	[sflag:s30] =	ssyncadd.s32 $0xFFFFC180  }
0x5c: {  	[tilespmem:s0], [sflag:$0x2] =	stream.indirect.gather [hbm4b:s1+s28], $0x80, s8, s28, $0xb8;
	[tilespmem:$0x1E880] =	vst v63  }
0x5d: {  	s8 =	simm.s32 $0x1900  }
0x5e: {  	[spmem:s2] =	stream.indirect.scatter.add.f32 [tilespmem:s29], [sflag:$0x5], $0x80, s8, s28, $0xb8;
	[tilespmem:$0x1E880] =	vst v63  }
0x5f: {  	_ =	swait.ge [sflag:s10], $0x3E80  }
0x60: {  	[sflag:s10] =	ssyncset.done $0x0  }
0x61: {  	[sflag:s10] =	ssyncadd.s32 $0xFFFFC180  }
0x62: {  	_ =	swait.ge [sflag:s11], $0x3E80  }
0x63: {  	[sflag:s11] =	ssyncset.done $0x0  }
0x64: {  	s8 =	simm.s32 $0x200;
	[sflag:s11] =	ssyncadd.s32 $0xFFFFC180  }
0x65: {  	[tilespmem:s29], [sflag:$0x1] =	stream.indirect.gather [hbm4b:s1+s28], $0x80, s8, s28, $0xb8;
	[tilespmem:$0x1E880] =	vst v63  }
0x66: {  	s8 =	simm.s32 $0x1980  }
0x67: {  	[spmem:s2] =	stream.indirect.scatter.add.f32 [tilespmem:s0], [sflag:$0x5], $0x80, s8, s28, $0xb8;
	[tilespmem:$0x1E880] =	vst v63  }
0x68: {  	_ =	swait.ge [sflag:s10], $0x3E80  }
0x69: {  	[sflag:s10] =	ssyncset.done $0x0  }
0x6a: {  	[sflag:s10] =	ssyncadd.s32 $0xFFFFC180  }
0x6b: {  	_ =	swait.ge [sflag:s30], $0x3E80  }
0x6c: {  	[sflag:s30] =	ssyncset.done $0x0  }
0x6d: {  	s8 =	simm.s32 $0x280;
	[sflag:s30] =	ssyncadd.s32 $0xFFFFC180  }
0x6e: {  	[tilespmem:s0], [sflag:$0x2] =	stream.indirect.gather [hbm4b:s1+s28], $0x80, s8, s28, $0xb8;
	[tilespmem:$0x1E880] =	vst v63  }
0x6f: {  	s8 =	simm.s32 $0x1A00  }
0x70: {  	[spmem:s2] =	stream.indirect.scatter.add.f32 [tilespmem:s29], [sflag:$0x5], $0x80, s8, s28, $0xb8;
	[tilespmem:$0x1E880] =	vst v63  }
0x71: {  	_ =	swait.ge [sflag:s10], $0x3E80  }
0x72: {  	[sflag:s10] =	ssyncset.done $0x0  }
0x73: {  	[sflag:s10] =	ssyncadd.s32 $0xFFFFC180  }
0x74: {  	_ =	swait.ge [sflag:s11], $0x3E80  }
0x75: {  	[sflag:s11] =	ssyncset.done $0x0  }
0x76: {  	s8 =	simm.s32 $0x300;
	[sflag:s11] =	ssyncadd.s32 $0xFFFFC180  }
0x77: {  	[tilespmem:s29], [sflag:$0x1] =	stream.indirect.gather [hbm4b:s1+s28], $0x80, s8, s28, $0xb8;
	[tilespmem:$0x1E880] =	vst v63  }
0x78: {  	s8 =	simm.s32 $0x1A80  }
0x79: {  	[spmem:s2] =	stream.indirect.scatter.add.f32 [tilespmem:s0], [sflag:$0x5], $0x80, s8, s28, $0xb8;
	[tilespmem:$0x1E880] =	vst v63  }
0x7a: {  	_ =	swait.ge [sflag:s10], $0x3E80  }
0x7b: {  	[sflag:s10] =	ssyncset.done $0x0  }
0x7c: {  	[sflag:s10] =	ssyncadd.s32 $0xFFFFC180  }
0x7d: {  	_ =	swait.ge [sflag:s30], $0x3E80  }
0x7e: {  	[sflag:s30] =	ssyncset.done $0x0  }
0x7f: {  	s8 =	simm.s32 $0x380;
	[sflag:s30] =	ssyncadd.s32 $0xFFFFC180  }
0x80: {  	[tilespmem:s0], [sflag:$0x2] =	stream.indirect.gather [hbm4b:s1+s28], $0x80, s8, s28, $0xb8;
	[tilespmem:$0x1E880] =	vst v63  }
0x81: {  	s8 =	simm.s32 $0x1B00  }
0x82: {  	[spmem:s2] =	stream.indirect.scatter.add.f32 [tilespmem:s29], [sflag:$0x5], $0x80, s8, s28, $0xb8;
	[tilespmem:$0x1E880] =	vst v63  }
0x83: {  	_ =	swait.ge [sflag:s10], $0x3E80  }
0x84: {  	[sflag:s10] =	ssyncset.done $0x0  }
0x85: {  	[sflag:s10] =	ssyncadd.s32 $0xFFFFC180  }
0x86: {  	_ =	swait.ge [sflag:s11], $0x3E80  }
0x87: {  	[sflag:s11] =	ssyncset.done $0x0  }
0x88: {  	s8 =	simm.s32 $0x400;
	[sflag:s11] =	ssyncadd.s32 $0xFFFFC180  }
0x89: {  	[tilespmem:s29], [sflag:$0x1] =	stream.indirect.gather [hbm4b:s1+s28], $0x80, s8, s28, $0xb8;
	[tilespmem:$0x1E880] =	vst v63  }
0x8a: {  	s8 =	simm.s32 $0x1B80  }
0x8b: {  	[spmem:s2] =	stream.indirect.scatter.add.f32 [tilespmem:s0], [sflag:$0x5], $0x80, s8, s28, $0xb8;
	[tilespmem:$0x1E880] =	vst v63  }
0x8c: {  	_ =	swait.ge [sflag:s10], $0x3E80  }
0x8d: {  	[sflag:s10] =	ssyncset.done $0x0  }
0x8e: {  	[sflag:s10] =	ssyncadd.s32 $0xFFFFC180  }
0x8f: {  	_ =	swait.ge [sflag:s30], $0x3E80  }
0x90: {  	[sflag:s30] =	ssyncset.done $0x0  }
0x91: {  	s8 =	simm.s32 $0x480;
	[sflag:s30] =	ssyncadd.s32 $0xFFFFC180  }
0x92: {  	[tilespmem:s0], [sflag:$0x2] =	stream.indirect.gather [hbm4b:s1+s28], $0x80, s8, s28, $0xb8;
	[tilespmem:$0x1E880] =	vst v63  }
0x93: {  	s8 =	simm.s32 $0x1C00  }
0x94: {  	[spmem:s2] =	stream.indirect.scatter.add.f32 [tilespmem:s29], [sflag:$0x5], $0x80, s8, s28, $0xb8;
	[tilespmem:$0x1E880] =	vst v63  }
0x95: {  	_ =	swait.ge [sflag:s10], $0x3E80  }
0x96: {  	[sflag:s10] =	ssyncset.done $0x0  }
0x97: {  	[sflag:s10] =	ssyncadd.s32 $0xFFFFC180  }
0x98: {  	_ =	swait.ge [sflag:s11], $0x3E80  }
0x99: {  	[sflag:s11] =	ssyncset.done $0x0  }
0x9a: {  	s8 =	simm.s32 $0x500;
	[sflag:s11] =	ssyncadd.s32 $0xFFFFC180  }
0x9b: {  	[tilespmem:s29], [sflag:$0x1] =	stream.indirect.gather [hbm4b:s1+s28], $0x80, s8, s28, $0xb8;
	[tilespmem:$0x1E880] =	vst v63  }
0x9c: {  	s8 =	simm.s32 $0x1C80  }
0x9d: {  	[spmem:s2] =	stream.indirect.scatter.add.f32 [tilespmem:s0], [sflag:$0x5], $0x80, s8, s28, $0xb8;
	[tilespmem:$0x1E880] =	vst v63  }
0x9e: {  	_ =	swait.ge [sflag:s10], $0x3E80  }
0x9f: {  	[sflag:s10] =	ssyncset.done $0x0  }
0xa0: {  	[sflag:s10] =	ssyncadd.s32 $0xFFFFC180  }
0xa1: {  	_ =	swait.ge [sflag:s30], $0x3E80  }
0xa2: {  	[sflag:s30] =	ssyncset.done $0x0  }
0xa3: {  	s8 =	simm.s32 $0x580;
	[sflag:s30] =	ssyncadd.s32 $0xFFFFC180  }
0xa4: {  	[tilespmem:s0], [sflag:$0x2] =	stream.indirect.gather [hbm4b:s1+s28], $0x80, s8, s28, $0xb8;
	[tilespmem:$0x1E880] =	vst v63  }
0xa5: {  	s8 =	simm.s32 $0x1D00  }
0xa6: {  	[spmem:s2] =	stream.indirect.scatter.add.f32 [tilespmem:s29], [sflag:$0x5], $0x80, s8, s28, $0xb8;
	[tilespmem:$0x1E880] =	vst v63  }
0xa7: {  	_ =	swait.ge [sflag:s10], $0x3E80  }
0xa8: {  	[sflag:s10] =	ssyncset.done $0x0  }
0xa9: {  	[sflag:s10] =	ssyncadd.s32 $0xFFFFC180  }
0xaa: {  	_ =	swait.ge [sflag:s11], $0x3E80  }
0xab: {  	[sflag:s11] =	ssyncset.done $0x0  }
0xac: {  	s8 =	simm.s32 $0x600;
	[sflag:s11] =	ssyncadd.s32 $0xFFFFC180  }
0xad: {  	[tilespmem:s29], [sflag:$0x1] =	stream.indirect.gather [hbm4b:s1+s28], $0x80, s8, s28, $0xb8;
	[tilespmem:$0x1E880] =	vst v63  }
0xae: {  	s8 =	simm.s32 $0x1D80  }
0xaf: {  	[spmem:s2] =	stream.indirect.scatter.add.f32 [tilespmem:s0], [sflag:$0x5], $0x80, s8, s28, $0xb8;
	[tilespmem:$0x1E880] =	vst v63  }
0xb0: {  	_ =	swait.ge [sflag:s10], $0x3E80  }
0xb1: {  	[sflag:s10] =	ssyncset.done $0x0  }
0xb2: {  	[sflag:s10] =	ssyncadd.s32 $0xFFFFC180  }
0xb3: {  	_ =	swait.ge [sflag:s30], $0x3E80  }
0xb4: {  	[sflag:s30] =	ssyncset.done $0x0  }
0xb5: {  	s8 =	simm.s32 $0x680;
	[sflag:s30] =	ssyncadd.s32 $0xFFFFC180  }
0xb6: {  	[tilespmem:s0], [sflag:$0x2] =	stream.indirect.gather [hbm4b:s1+s28], $0x80, s8, s28, $0xb8;
	[tilespmem:$0x1E880] =	vst v63  }
0xb7: {  	s8 =	simm.s32 $0x1E00  }
0xb8: {  	[spmem:s2] =	stream.indirect.scatter.add.f32 [tilespmem:s29], [sflag:$0x5], $0x80, s8, s28, $0xb8;
	[tilespmem:$0x1E880] =	vst v63  }
0xb9: {  	_ =	swait.ge [sflag:s10], $0x3E80  }
0xba: {  	[sflag:s10] =	ssyncset.done $0x0  }
0xbb: {  	[sflag:s10] =	ssyncadd.s32 $0xFFFFC180  }
0xbc: {  	_ =	swait.ge [sflag:s11], $0x3E80  }
0xbd: {  	[sflag:s11] =	ssyncset.done $0x0  }
0xbe: {  	s8 =	simm.s32 $0x700;
	[sflag:s11] =	ssyncadd.s32 $0xFFFFC180  }
0xbf: {  	[tilespmem:s29], [sflag:$0x1] =	stream.indirect.gather [hbm4b:s1+s28], $0x80, s8, s28, $0xb8;
	[tilespmem:$0x1E880] =	vst v63  }
0xc0: {  	s8 =	simm.s32 $0x1E80  }
0xc1: {  	[spmem:s2] =	stream.indirect.scatter.add.f32 [tilespmem:s0], [sflag:$0x5], $0x80, s8, s28, $0xb8;
	[tilespmem:$0x1E880] =	vst v63  }
0xc2: {  	_ =	swait.ge [sflag:s10], $0x3E80  }
0xc3: {  	[sflag:s10] =	ssyncset.done $0x0  }
0xc4: {  	[sflag:s10] =	ssyncadd.s32 $0xFFFFC180  }
0xc5: {  	_ =	swait.ge [sflag:s30], $0x3E80  }
0xc6: {  	[sflag:s30] =	ssyncset.done $0x0  }
0xc7: {  	s8 =	simm.s32 $0x780;
	[sflag:s30] =	ssyncadd.s32 $0xFFFFC180  }
0xc8: {  	[tilespmem:s0], [sflag:$0x2] =	stream.indirect.gather [hbm4b:s1+s28], $0x80, s8, s28, $0xb8;
	[tilespmem:$0x1E880] =	vst v63  }
0xc9: {  	s8 =	simm.s32 $0x1F00  }
0xca: {  	[spmem:s2] =	stream.indirect.scatter.add.f32 [tilespmem:s29], [sflag:$0x5], $0x80, s8, s28, $0xb8;
	[tilespmem:$0x1E880] =	vst v63  }
0xcb: {  	_ =	swait.ge [sflag:s10], $0x3E80  }
0xcc: {  	[sflag:s10] =	ssyncset.done $0x0  }
0xcd: {  	[sflag:s10] =	ssyncadd.s32 $0xFFFFC180  }
0xce: {  	_ =	swait.ge [sflag:s11], $0x3E80  }
0xcf: {  	[sflag:s11] =	ssyncset.done $0x0  }
0xd0: {  	s8 =	simm.s32 $0x800;
	[sflag:s11] =	ssyncadd.s32 $0xFFFFC180  }
0xd1: {  	[tilespmem:s29], [sflag:$0x1] =	stream.indirect.gather [hbm4b:s1+s28], $0x80, s8, s28, $0xb8;
	[tilespmem:$0x1E880] =	vst v63  }
0xd2: {  	s8 =	simm.s32 $0x1F80  }
0xd3: {  	[spmem:s2] =	stream.indirect.scatter.add.f32 [tilespmem:s0], [sflag:$0x5], $0x80, s8, s28, $0xb8;
	[tilespmem:$0x1E880] =	vst v63  }
0xd4: {  	_ =	swait.ge [sflag:s10], $0x3E80  }
0xd5: {  	[sflag:s10] =	ssyncset.done $0x0  }
0xd6: {  	[sflag:s10] =	ssyncadd.s32 $0xFFFFC180  }
0xd7: {  	_ =	swait.ge [sflag:s30], $0x3E80  }
0xd8: {  	[sflag:s30] =	ssyncset.done $0x0  }
0xd9: {  	s8 =	simm.s32 $0x880;
	[sflag:s30] =	ssyncadd.s32 $0xFFFFC180  }
0xda: {  	[tilespmem:s0], [sflag:$0x2] =	stream.indirect.gather [hbm4b:s1+s28], $0x80, s8, s28, $0xb8;
	[tilespmem:$0x1E880] =	vst v63  }
0xdb: {  	s8 =	simm.s32 $0x2000  }
0xdc: {  	[spmem:s2] =	stream.indirect.scatter.add.f32 [tilespmem:s29], [sflag:$0x5], $0x80, s8, s28, $0xb8;
	[tilespmem:$0x1E880] =	vst v63  }
0xdd: {  	_ =	swait.ge [sflag:s10], $0x3E80  }
0xde: {  	[sflag:s10] =	ssyncset.done $0x0  }
0xdf: {  	[sflag:s10] =	ssyncadd.s32 $0xFFFFC180  }
0xe0: {  	_ =	swait.ge [sflag:s11], $0x3E80  }
0xe1: {  	[sflag:s11] =	ssyncset.done $0x0  }
0xe2: {  	s8 =	simm.s32 $0x900;
	[sflag:s11] =	ssyncadd.s32 $0xFFFFC180  }
0xe3: {  	[tilespmem:s29], [sflag:$0x1] =	stream.indirect.gather [hbm4b:s1+s28], $0x80, s8, s28, $0xb8;
	[tilespmem:$0x1E880] =	vst v63  }
0xe4: {  	s8 =	simm.s32 $0x2080  }
0xe5: {  	[spmem:s2] =	stream.indirect.scatter.add.f32 [tilespmem:s0], [sflag:$0x5], $0x80, s8, s28, $0xb8;
	[tilespmem:$0x1E880] =	vst v63  }
0xe6: {  	_ =	swait.ge [sflag:s10], $0x3E80  }
0xe7: {  	[sflag:s10] =	ssyncset.done $0x0  }
0xe8: {  	[sflag:s10] =	ssyncadd.s32 $0xFFFFC180  }
0xe9: {  	_ =	swait.ge [sflag:s30], $0x3E80  }
0xea: {  	[sflag:s30] =	ssyncset.done $0x0  }
0xeb: {  	s8 =	simm.s32 $0x980;
	[sflag:s30] =	ssyncadd.s32 $0xFFFFC180  }
0xec: {  	[tilespmem:s0], [sflag:$0x2] =	stream.indirect.gather [hbm4b:s1+s28], $0x80, s8, s28, $0xb8;
	[tilespmem:$0x1E880] =	vst v63  }
0xed: {  	s8 =	simm.s32 $0x2100  }
0xee: {  	[spmem:s2] =	stream.indirect.scatter.add.f32 [tilespmem:s29], [sflag:$0x5], $0x80, s8, s28, $0xb8;
	[tilespmem:$0x1E880] =	vst v63  }
0xef: {  	_ =	swait.ge [sflag:s10], $0x3E80  }
0xf0: {  	[sflag:s10] =	ssyncset.done $0x0  }
0xf1: {  	[sflag:s10] =	ssyncadd.s32 $0xFFFFC180  }
0xf2: {  	_ =	swait.ge [sflag:s11], $0x3E80  }
0xf3: {  	[sflag:s11] =	ssyncset.done $0x0  }
0xf4: {  	s8 =	simm.s32 $0x2180;
	[sflag:s11] =	ssyncadd.s32 $0xFFFFC180  }
0xf5: {  	[spmem:s2] =	stream.indirect.scatter.add.f32 [tilespmem:s0], [sflag:$0x5], $0x80, s8, s28, $0xb8;
	[tilespmem:$0x1E880] =	vst v63  }
0xf6: {  	_ =	swait.ge [sflag:s10], $0x3E80  }
0xf7: {  	[sflag:s10] =	ssyncset.done $0x0  }
0xf8: {  	[sflag:s10] =	ssyncadd.s32 $0xFFFFC180  }
0xf9: {  	_ =	swait.ge [sflag:s7], $0xA00  }
0xfa: {  	[sflag:s7] =	ssyncset.done $0x0  }
0xfb: {  	[sflag:s7] =	ssyncadd.s32 $0xFFFFF600  }
0xfc: {  	_ =	swait.ge [sflag:s7], $0xA00  }
0xfd: {  	[sflag:s7] =	ssyncset.done $0x0  }
0xfe: {  	s5 =	simm.s32 @p5 $0x0;
	[sflag:s7] =	ssyncadd.s32 $0xFFFFF600  }
0xff: {  	[tilespmem:s5], [sflag:$0x3] =	stream.linear.gather @p5 [hbm4b:s15+s5], $0xA00, $0x38;
	[tilespmem:$0x1E880] =	vst v63  }
0x100: {  	s8 =	simm.s32 @p5 $0x1800  }
0x101: {  	[tilespmem:s8], [sflag:$0x3] =	stream.linear.gather @p5 [hbm4b:s16+s5], $0xA00, $0x38;
	[tilespmem:$0x1E880] =	vst v63  }
0x102: {  	_ = 	snop  }
0x103: {  	[tilespmem:s29], [sflag:$0x1] =	stream.indirect.gather [hbm4b:s1+s28], $0x80, s25, s28, $0xb8;
	[tilespmem:$0x1E880] =	vst v63  }
0x104: {  	_ =	swait.ge [sflag:s30], $0x3E80  }
0x105: {  	[sflag:s30] =	ssyncset.done $0x0  }
0x106: {  	s8 =	simm.s32 $0xC80;
	[sflag:s30] =	ssyncadd.s32 $0xFFFFC180  }
0x107: {  	[tilespmem:s0], [sflag:$0x2] =	stream.indirect.gather [hbm4b:s1+s28], $0x80, s8, s28, $0xb8;
	[tilespmem:$0x1E880] =	vst v63  }
0x108: {  	_ = 	snop  }
0x109: {  	[spmem:s2] =	stream.indirect.scatter.add.f32 [tilespmem:s29], [sflag:$0x5], $0x80, s26, s28, $0xb8;
	[tilespmem:$0x1E880] =	vst v63  }
0x10a: {  	_ =	swait.ge [sflag:s10], $0x3E80  }
0x10b: {  	[sflag:s10] =	ssyncset.done $0x0  }
0x10c: {  	[sflag:s10] =	ssyncadd.s32 $0xFFFFC180  }
0x10d: {  	_ =	swait.ge [sflag:s11], $0x3E80  }
0x10e: {  	[sflag:s11] =	ssyncset.done $0x0  }
0x10f: {  	s8 =	simm.s32 $0xD00;
	[sflag:s11] =	ssyncadd.s32 $0xFFFFC180  }
0x110: {  	[tilespmem:s29], [sflag:$0x1] =	stream.indirect.gather [hbm4b:s1+s28], $0x80, s8, s28, $0xb8;
	[tilespmem:$0x1E880] =	vst v63  }
0x111: {  	s8 =	simm.s32 $0x2480  }
0x112: {  	[spmem:s2] =	stream.indirect.scatter.add.f32 [tilespmem:s0], [sflag:$0x5], $0x80, s8, s28, $0xb8;
	[tilespmem:$0x1E880] =	vst v63  }
0x113: {  	_ =	swait.ge [sflag:s10], $0x3E80  }
0x114: {  	[sflag:s10] =	ssyncset.done $0x0  }
0x115: {  	[sflag:s10] =	ssyncadd.s32 $0xFFFFC180  }
0x116: {  	_ =	swait.ge [sflag:s30], $0x3E80  }
0x117: {  	[sflag:s30] =	ssyncset.done $0x0  }
0x118: {  	s8 =	simm.s32 $0xD80;
	[sflag:s30] =	ssyncadd.s32 $0xFFFFC180  }
0x119: {  	[tilespmem:s0], [sflag:$0x2] =	stream.indirect.gather [hbm4b:s1+s28], $0x80, s8, s28, $0xb8;
	[tilespmem:$0x1E880] =	vst v63  }
0x11a: {  	s8 =	simm.s32 $0x2500  }
0x11b: {  	[spmem:s2] =	stream.indirect.scatter.add.f32 [tilespmem:s29], [sflag:$0x5], $0x80, s8, s28, $0xb8;
	[tilespmem:$0x1E880] =	vst v63  }
0x11c: {  	_ =	swait.ge [sflag:s10], $0x3E80  }
0x11d: {  	[sflag:s10] =	ssyncset.done $0x0  }
0x11e: {  	[sflag:s10] =	ssyncadd.s32 $0xFFFFC180  }
0x11f: {  	_ =	swait.ge [sflag:s11], $0x3E80  }
0x120: {  	[sflag:s11] =	ssyncset.done $0x0  }
0x121: {  	s8 =	simm.s32 $0xE00;
	[sflag:s11] =	ssyncadd.s32 $0xFFFFC180  }
0x122: {  	[tilespmem:s29], [sflag:$0x1] =	stream.indirect.gather [hbm4b:s1+s28], $0x80, s8, s28, $0xb8;
	[tilespmem:$0x1E880] =	vst v63  }
0x123: {  	s8 =	simm.s32 $0x2580  }
0x124: {  	[spmem:s2] =	stream.indirect.scatter.add.f32 [tilespmem:s0], [sflag:$0x5], $0x80, s8, s28, $0xb8;
	[tilespmem:$0x1E880] =	vst v63  }
0x125: {  	_ =	swait.ge [sflag:s10], $0x3E80  }
0x126: {  	[sflag:s10] =	ssyncset.done $0x0  }
0x127: {  	[sflag:s10] =	ssyncadd.s32 $0xFFFFC180  }
0x128: {  	_ =	swait.ge [sflag:s30], $0x3E80  }
0x129: {  	[sflag:s30] =	ssyncset.done $0x0  }
0x12a: {  	s8 =	simm.s32 $0xE80;
	[sflag:s30] =	ssyncadd.s32 $0xFFFFC180  }
0x12b: {  	[tilespmem:s0], [sflag:$0x2] =	stream.indirect.gather [hbm4b:s1+s28], $0x80, s8, s28, $0xb8;
	[tilespmem:$0x1E880] =	vst v63  }
0x12c: {  	s8 =	simm.s32 $0x2600  }
0x12d: {  	[spmem:s2] =	stream.indirect.scatter.add.f32 [tilespmem:s29], [sflag:$0x5], $0x80, s8, s28, $0xb8;
	[tilespmem:$0x1E880] =	vst v63  }
0x12e: {  	_ =	swait.ge [sflag:s10], $0x3E80  }
0x12f: {  	[sflag:s10] =	ssyncset.done $0x0  }
0x130: {  	[sflag:s10] =	ssyncadd.s32 $0xFFFFC180  }
0x131: {  	_ =	swait.ge [sflag:s11], $0x3E80  }
0x132: {  	[sflag:s11] =	ssyncset.done $0x0  }
0x133: {  	s8 =	simm.s32 $0xF00;
	[sflag:s11] =	ssyncadd.s32 $0xFFFFC180  }
0x134: {  	[tilespmem:s29], [sflag:$0x1] =	stream.indirect.gather [hbm4b:s1+s28], $0x80, s8, s28, $0xb8;
	[tilespmem:$0x1E880] =	vst v63  }
0x135: {  	s8 =	simm.s32 $0x2680  }
0x136: {  	[spmem:s2] =	stream.indirect.scatter.add.f32 [tilespmem:s0], [sflag:$0x5], $0x80, s8, s28, $0xb8;
	[tilespmem:$0x1E880] =	vst v63  }
0x137: {  	_ =	swait.ge [sflag:s10], $0x3E80  }
0x138: {  	[sflag:s10] =	ssyncset.done $0x0  }
0x139: {  	[sflag:s10] =	ssyncadd.s32 $0xFFFFC180  }
0x13a: {  	_ =	swait.ge [sflag:s30], $0x3E80  }
0x13b: {  	[sflag:s30] =	ssyncset.done $0x0  }
0x13c: {  	s8 =	simm.s32 $0xF80;
	[sflag:s30] =	ssyncadd.s32 $0xFFFFC180  }
0x13d: {  	[tilespmem:s0], [sflag:$0x2] =	stream.indirect.gather [hbm4b:s1+s28], $0x80, s8, s28, $0xb8;
	[tilespmem:$0x1E880] =	vst v63  }
0x13e: {  	s8 =	simm.s32 $0x2700  }
0x13f: {  	[spmem:s2] =	stream.indirect.scatter.add.f32 [tilespmem:s29], [sflag:$0x5], $0x80, s8, s28, $0xb8;
	[tilespmem:$0x1E880] =	vst v63  }
0x140: {  	_ =	swait.ge [sflag:s10], $0x3E80  }
0x141: {  	[sflag:s10] =	ssyncset.done $0x0  }
0x142: {  	[sflag:s10] =	ssyncadd.s32 $0xFFFFC180  }
0x143: {  	_ =	swait.ge [sflag:s11], $0x3E80  }
0x144: {  	[sflag:s11] =	ssyncset.done $0x0  }
0x145: {  	s8 =	simm.s32 $0x1000;
	[sflag:s11] =	ssyncadd.s32 $0xFFFFC180  }
0x146: {  	[tilespmem:s29], [sflag:$0x1] =	stream.indirect.gather [hbm4b:s1+s28], $0x80, s8, s28, $0xb8;
	[tilespmem:$0x1E880] =	vst v63  }
0x147: {  	s8 =	simm.s32 $0x2780  }
0x148: {  	[spmem:s2] =	stream.indirect.scatter.add.f32 [tilespmem:s0], [sflag:$0x5], $0x80, s8, s28, $0xb8;
	[tilespmem:$0x1E880] =	vst v63  }
0x149: {  	_ =	swait.ge [sflag:s10], $0x3E80  }
0x14a: {  	[sflag:s10] =	ssyncset.done $0x0  }
0x14b: {  	[sflag:s10] =	ssyncadd.s32 $0xFFFFC180  }
0x14c: {  	_ =	swait.ge [sflag:s30], $0x3E80  }
0x14d: {  	[sflag:s30] =	ssyncset.done $0x0  }
0x14e: {  	s8 =	simm.s32 $0x1080;
	[sflag:s30] =	ssyncadd.s32 $0xFFFFC180  }
0x14f: {  	[tilespmem:s0], [sflag:$0x2] =	stream.indirect.gather [hbm4b:s1+s28], $0x80, s8, s28, $0xb8;
	[tilespmem:$0x1E880] =	vst v63  }
0x150: {  	s8 =	simm.s32 $0x2800  }
0x151: {  	[spmem:s2] =	stream.indirect.scatter.add.f32 [tilespmem:s29], [sflag:$0x5], $0x80, s8, s28, $0xb8;
	[tilespmem:$0x1E880] =	vst v63  }
0x152: {  	_ =	swait.ge [sflag:s10], $0x3E80  }
0x153: {  	[sflag:s10] =	ssyncset.done $0x0  }
0x154: {  	[sflag:s10] =	ssyncadd.s32 $0xFFFFC180  }
0x155: {  	_ =	swait.ge [sflag:s11], $0x3E80  }
0x156: {  	[sflag:s11] =	ssyncset.done $0x0  }
0x157: {  	s8 =	simm.s32 $0x1100;
	[sflag:s11] =	ssyncadd.s32 $0xFFFFC180  }
0x158: {  	[tilespmem:s29], [sflag:$0x1] =	stream.indirect.gather [hbm4b:s1+s28], $0x80, s8, s28, $0xb8;
	[tilespmem:$0x1E880] =	vst v63  }
0x159: {  	s8 =	simm.s32 $0x2880  }
0x15a: {  	[spmem:s2] =	stream.indirect.scatter.add.f32 [tilespmem:s0], [sflag:$0x5], $0x80, s8, s28, $0xb8;
	[tilespmem:$0x1E880] =	vst v63  }
0x15b: {  	_ =	swait.ge [sflag:s10], $0x3E80  }
0x15c: {  	[sflag:s10] =	ssyncset.done $0x0  }
0x15d: {  	[sflag:s10] =	ssyncadd.s32 $0xFFFFC180  }
0x15e: {  	_ =	swait.ge [sflag:s30], $0x3E80  }
0x15f: {  	[sflag:s30] =	ssyncset.done $0x0  }
0x160: {  	s8 =	simm.s32 $0x1180;
	[sflag:s30] =	ssyncadd.s32 $0xFFFFC180  }
0x161: {  	[tilespmem:s0], [sflag:$0x2] =	stream.indirect.gather [hbm4b:s1+s28], $0x80, s8, s28, $0xb8;
	[tilespmem:$0x1E880] =	vst v63  }
0x162: {  	s8 =	simm.s32 $0x2900  }
0x163: {  	[spmem:s2] =	stream.indirect.scatter.add.f32 [tilespmem:s29], [sflag:$0x5], $0x80, s8, s28, $0xb8;
	[tilespmem:$0x1E880] =	vst v63  }
0x164: {  	_ =	swait.ge [sflag:s10], $0x3E80  }
0x165: {  	[sflag:s10] =	ssyncset.done $0x0  }
0x166: {  	[sflag:s10] =	ssyncadd.s32 $0xFFFFC180  }
0x167: {  	_ =	swait.ge [sflag:s11], $0x3E80  }
0x168: {  	[sflag:s11] =	ssyncset.done $0x0  }
0x169: {  	s8 =	simm.s32 $0x1200;
	[sflag:s11] =	ssyncadd.s32 $0xFFFFC180  }
0x16a: {  	[tilespmem:s29], [sflag:$0x1] =	stream.indirect.gather [hbm4b:s1+s28], $0x80, s8, s28, $0xb8;
	[tilespmem:$0x1E880] =	vst v63  }
0x16b: {  	s8 =	simm.s32 $0x2980  }
0x16c: {  	[spmem:s2] =	stream.indirect.scatter.add.f32 [tilespmem:s0], [sflag:$0x5], $0x80, s8, s28, $0xb8;
	[tilespmem:$0x1E880] =	vst v63  }
0x16d: {  	_ =	swait.ge [sflag:s10], $0x3E80  }
0x16e: {  	[sflag:s10] =	ssyncset.done $0x0  }
0x16f: {  	[sflag:s10] =	ssyncadd.s32 $0xFFFFC180  }
0x170: {  	_ =	swait.ge [sflag:s30], $0x3E80  }
0x171: {  	[sflag:s30] =	ssyncset.done $0x0  }
0x172: {  	s8 =	simm.s32 $0x1280;
	[sflag:s30] =	ssyncadd.s32 $0xFFFFC180  }
0x173: {  	[tilespmem:s0], [sflag:$0x2] =	stream.indirect.gather [hbm4b:s1+s28], $0x80, s8, s28, $0xb8;
	[tilespmem:$0x1E880] =	vst v63  }
0x174: {  	s8 =	simm.s32 $0x2A00  }
0x175: {  	[spmem:s2] =	stream.indirect.scatter.add.f32 [tilespmem:s29], [sflag:$0x5], $0x80, s8, s28, $0xb8;
	[tilespmem:$0x1E880] =	vst v63  }
0x176: {  	_ =	swait.ge [sflag:s10], $0x3E80  }
0x177: {  	[sflag:s10] =	ssyncset.done $0x0  }
0x178: {  	[sflag:s10] =	ssyncadd.s32 $0xFFFFC180  }
0x179: {  	_ =	swait.ge [sflag:s11], $0x3E80  }
0x17a: {  	[sflag:s11] =	ssyncset.done $0x0  }
0x17b: {  	s8 =	simm.s32 $0x1300;
	[sflag:s11] =	ssyncadd.s32 $0xFFFFC180  }
0x17c: {  	[tilespmem:s29], [sflag:$0x1] =	stream.indirect.gather [hbm4b:s1+s28], $0x80, s8, s28, $0xb8;
	[tilespmem:$0x1E880] =	vst v63  }
0x17d: {  	s8 =	simm.s32 $0x2A80  }
0x17e: {  	[spmem:s2] =	stream.indirect.scatter.add.f32 [tilespmem:s0], [sflag:$0x5], $0x80, s8, s28, $0xb8;
	[tilespmem:$0x1E880] =	vst v63  }
0x17f: {  	_ =	swait.ge [sflag:s10], $0x3E80  }
0x180: {  	[sflag:s10] =	ssyncset.done $0x0  }
0x181: {  	[sflag:s10] =	ssyncadd.s32 $0xFFFFC180  }
0x182: {  	_ =	swait.ge [sflag:s30], $0x3E80  }
0x183: {  	[sflag:s30] =	ssyncset.done $0x0  }
0x184: {  	[sflag:s30] =	ssyncadd.s32 $0xFFFFC180  }
0x185: {  	[tilespmem:s0], [sflag:$0x2] =	stream.indirect.gather [hbm4b:s1+s28], $0x80, s13, s28, $0xb8;
	[tilespmem:$0x1E880] =	vst v63  }
0x186: {  	_ = 	snop  }
0x187: {  	[spmem:s2] =	stream.indirect.scatter.add.f32 [tilespmem:s29], [sflag:$0x5], $0x80, s9, s28, $0xb8;
	[tilespmem:$0x1E880] =	vst v63  }
0x188: {  	_ =	swait.ge [sflag:s10], $0x3E80  }
0x189: {  	[sflag:s10] =	ssyncset.done $0x0  }
0x18a: {  	[sflag:s10] =	ssyncadd.s32 $0xFFFFC180  }
0x18b: {  	_ =	swait.ge [sflag:s11], $0x3E80  }
0x18c: {  	[sflag:s11] =	ssyncset.done $0x0  }
0x18d: {  	[sflag:s11] =	ssyncadd.s32 $0xFFFFC180  }
0x18e: {  	[tilespmem:s29], [sflag:$0x1] =	stream.indirect.gather [hbm4b:s1+s28], $0x80, s17, s28, $0xb8;
	[tilespmem:$0x1E880] =	vst v63  }
0x18f: {  	_ = 	snop  }
0x190: {  	[spmem:s2] =	stream.indirect.scatter.add.f32 [tilespmem:s0], [sflag:$0x5], $0x80, s18, s28, $0xb8;
	[tilespmem:$0x1E880] =	vst v63  }
0x191: {  	_ =	swait.ge [sflag:s10], $0x3E80  }
0x192: {  	[sflag:s10] =	ssyncset.done $0x0  }
0x193: {  	[sflag:s10] =	ssyncadd.s32 $0xFFFFC180  }
0x194: {  	_ =	swait.ge [sflag:s30], $0x3E80  }
0x195: {  	[sflag:s30] =	ssyncset.done $0x0  }
0x196: {  	[sflag:s30] =	ssyncadd.s32 $0xFFFFC180  }
0x197: {  	[tilespmem:s0], [sflag:$0x2] =	stream.indirect.gather [hbm4b:s1+s28], $0x80, s23, s28, $0xb8;
	[tilespmem:$0x1E880] =	vst v63  }
0x198: {  	_ = 	snop  }
0x199: {  	[spmem:s2] =	stream.indirect.scatter.add.f32 [tilespmem:s29], [sflag:$0x5], $0x80, s19, s28, $0xb8;
	[tilespmem:$0x1E880] =	vst v63  }
0x19a: {  	_ =	swait.ge [sflag:s10], $0x3E80  }
0x19b: {  	[sflag:s10] =	ssyncset.done $0x0  }
0x19c: {  	[sflag:s10] =	ssyncadd.s32 $0xFFFFC180  }
0x19d: {  	_ =	swait.ge [sflag:s11], $0x3E80  }
0x19e: {  	[sflag:s11] =	ssyncset.done $0x0  }
0x19f: {  	[sflag:s11] =	ssyncadd.s32 $0xFFFFC180  }
0x1a0: {  	[tilespmem:s29], [sflag:$0x1] =	stream.indirect.gather [hbm4b:s1+s28], $0x80, s20, s28, $0xb8;
	[tilespmem:$0x1E880] =	vst v63  }
0x1a1: {  	_ = 	snop  }
0x1a2: {  	[spmem:s2] =	stream.indirect.scatter.add.f32 [tilespmem:s0], [sflag:$0x5], $0x80, s21, s28, $0xb8;
	[tilespmem:$0x1E880] =	vst v63  }
0x1a3: {  	_ =	swait.ge [sflag:s10], $0x3E80  }
0x1a4: {  	[sflag:s10] =	ssyncset.done $0x0  }
0x1a5: {  	[sflag:s10] =	ssyncadd.s32 $0xFFFFC180  }
0x1a6: {  	_ =	swait.ge [sflag:s30], $0x3E80  }
0x1a7: {  	[sflag:s30] =	ssyncset.done $0x0  }
0x1a8: {  	[sflag:s30] =	ssyncadd.s32 $0xFFFFC180  }
0x1a9: {  	[tilespmem:s0], [sflag:$0x2] =	stream.indirect.gather [hbm4b:s1+s28], $0x80, s22, s28, $0xb8;
	[tilespmem:$0x1E880] =	vst v63  }
0x1aa: {  	_ = 	snop  }
0x1ab: {  	[spmem:s2] =	stream.indirect.scatter.add.f32 [tilespmem:s29], [sflag:$0x5], $0x80, s31, s28, $0xb8;
	[tilespmem:$0x1E880] =	vst v63  }
0x1ac: {  	_ =	swait.ge [sflag:s10], $0x3E80  }
0x1ad: {  	[sflag:s10] =	ssyncset.done $0x0  }
0x1ae: {  	[sflag:s10] =	ssyncadd.s32 $0xFFFFC180  }
0x1af: {  	_ =	swait.ge [sflag:s11], $0x3E80  }
0x1b0: {  	p6 =	por p5, p5;
	[sflag:s11] =	ssyncset.done $0x0  }
.Ltmp0:
0x1b1: {  	[sflag:s11] =	ssyncadd.s32 $0xFFFFC180;
	(pc) =	sbr.rel @p6 .LBB2_2-.Ltmp0, $4  }
0x1b2: {  	[spmem:s2] =	stream.indirect.scatter.add.f32 [tilespmem:s0], [sflag:$0x5], $0x80, s12, s28, $0xb8;
	[tilespmem:$0x1E880] =	vst v63  }
0x1b3: {  	_ =	swait.ge [sflag:s10], $0x3E80  }
0x1b4: {  	[sflag:s10] =	ssyncset.done $0x0  }
0x1b5: {  	s5 =	simm.s32 $0x1800;
	p5 =	por $0x0, $0x0;
	[sflag:s10] =	ssyncadd.s32 $0xFFFFC180  }
0x1b6: {  	[bflag:$0x0] =	sbarrier.arrive $0xFFFF  }
0x1b7: {  	s18 =	rddreg [dreg:$0x6]  }
0x1b8: {  	s8 =	simm.s32 @p4 $0x1FC5;
	s9 =	rddreg [dreg:$0xc];
	s5 =	sshrl.u32 @p4 s18, $0x3  }
0x1b9: {  	[hbm:s9], [sflag:s8] =	dma.local @p4 [spmem:s5], $0x2800  }
0x1ba: {  	s5 =	simm.s32 @p4 $0x5  }
0x1bb: {  	_ =	swait.ge @p4 [sflag:s5], $0x2800  }
0x1bc: {  	s13 =	stileid.u32;
	s17 =	rddreg [dreg:$0x5]  }
0x1bd: {  	s8 =	sshll.u32 @!p4 s13, $0x6;
	[sflag:s5] =	ssyncset.done @p4 $0x0;
	s9 =	rddreg [dreg:$0xb]  }
0x1be: {  	[sflag:s5] =	ssyncadd.s32 @p4 $0xFFFFD800;
	s5 =	sor.u32 @!p4 $0x1C05, s8;
	s8 =	sshrl.u32 @!p4 s17, $0x3  }
0x1bf: {  	[hbm:s9], [sflag:s5] =	dma.local @!p4 [spmem:s8], $0x2700  }
0x1c0: {  	s5 =	simm.s32 @!p4 $0x5  }
0x1c1: {  	_ =	swait.ge @!p4 [sflag:s5], $0x2700  }
0x1c2: {  	s8 =	rddreg [dreg:$0x11]  }
0x1c3: {  	s9 =	sadd.s32 $0x1, s8;
	s8 =	rddreg [dreg:$0xd]  }
0x1c4: {  	p5 =	sne.s32 s9, s8  }
.Ltmp1:
0x1c5: {  	_ = 	snop;
	(pc) =	sbr.rel @p5 .LBB2_1-.Ltmp1, $3  }
0x1c6: {  	_ =	sdelay $0x1  }
0x1c7: {  	[sflag:s5] =	ssyncset.done @!p4 $0x0  }
0x1c8: {  	[sflag:s5] =	ssyncadd.s32 @!p4 $0xFFFFD900  }
0x1c9: {  	_ =	sfence.sel $0x180000  }
0x1ca: {  	[bflag:$0x0] =	sbarrier.arrive $0xFFFF  }
0x1cb: {  	_ =	strace $0x9000004D  }
0x1cc: {  	[bflag:$0x2] =	sbarrier.arrive $0xFFFF  }
0x1cd: {  	p0 =	sne.s32 s13, $0x0;
	s0 =	rddreg [dreg:$0x3]  }
0x1ce: {  	s0 =	sadd.s32 @!p0 $0x100000, s0  }
0x1cf: {  	[sflag:s0] =	ssyncadd.tile.s32 @!p0 $0x1;
	_ =	shalt  }
.Lfunc_end2:
_tile_overlayer_lowered:
.L_overlay_start_2:
0x1d0: {  	(tag) =	ssettag $0x2  }
0x1d1: {  	s0 =	rddreg [dreg:$0x0];
	s2 =	stileid.u32  }
0x1d2: {  	s1 =	rddreg [dreg:$0x1];
	p0 =	sne.s32 s2, $0x0  }
0x1d3: {  	s3 =	rddreg [dreg:$0x2];
	[bflag:$0x3] =	sbarrier.arrive $0xFFFF;
	s2 =	simm.s32 @!p0 $0x1C05  }
0x1d4: {  	[timem:s3], [sflag:s2] =	dma.local @!p0 [hbm:s0], s1  }
0x1d5: {  	s0 =	simm.s32 @!p0 $0x5  }
0x1d6: {  	_ =	swait.ge @!p0 [sflag:s0], s1  }
0x1d7: {  	s1 =	ssub.s32 @!p0 $0x0, s1;
	[sflag:s0] =	ssyncset.done @!p0 $0x0  }
0x1d8: {  	[sflag:s0] =	ssyncadd.s32 @!p0 s1  }
0x1d9: {  	[bflag:$0x3] =	sbarrier.arrive $0xFFFF  }
0x1da: {  	_ =	shalt  }

// kernel: kernel.8.cloned.1.call-start
scs
__scs_entry_jumppad:
0x0: {  	(pc) =	sbr.rel $0x88, $3  }
0x1: {  	(tag) =	ssettag $0x0;
	lr =	simm.s32 $0x1  }
0x2: {  	[smem:$0x3F97] =	sst lr;
	_ =	strace $0xD0000000  }
0x3: {  	_ = 	snop  }
0x4: {  	_ = 	snop  }
0x5: {  	_ = 	snop  }
0x6: {  	_ = 	snop  }
0x7: {  	_ = 	snop  }
__scs_overlays_trampoline_lowered:
0x8: {  	[smem:$0x3FA6] =	sst s0  }
0x9: {  	[smem:$0x3FA7] =	sst s1  }
0xa: {  	[smem:$0x3FA8] =	sst s2  }
0xb: {  	[smem:$0x3FA9] =	sst s3  }
0xc: {  	[smem:$0x3FAA] =	sst s4  }
0xd: {  	[smem:$0x3FAB] =	sst s5  }
0xe: {  	[smem:$0x3FAC] =	sst s6  }
0xf: {  	[smem:$0x3FAD] =	sst s7  }
0x10: {  	[smem:$0x3FAE] =	sst s8  }
0x11: {  	[smem:$0x3FAF] =	sst s9;
	s0 =	simm.s32 @!p0 $0x0  }
0x12: {  	s1 =	sld [smem:$0x3F95];
	s0 =	simm.s32 @p0 $0x1  }
0x13: {  	[smem:$0x3FB0] =	sst s0;
	s0 =	simm.s32 @!p1 $0x0  }
0x14: {  	s2 =	sld [smem:$0x3F94];
	s0 =	simm.s32 @p1 $0x1  }
0x15: {  	[smem:$0x3FB1] =	sst s0;
	s0 =	simm.s32 @!p2 $0x0  }
0x16: {  	s3 =	sld [smem:$0x3FDB];
	s0 =	simm.s32 @p2 $0x1  }
0x17: {  	s4 =	simm.s32 $0x1BF5;
	[smem:$0x3FB3] =	sst s0  }
0x18: {  	s0 =	sld [smem:$0x3F96];
	_ =	swait.ge [sflag:s4], $0x0  }
0x19: {  	s7 =	sld [smem:$0x3F97]  }
0x1a: {  	s8 =	sadd.s32 $0xFFFFE003, lr  }
0x1b: {  	s9 =	sadd.s32 $0xFFFFFEF7, lr;
	s5 =	simm.s32 $0xFFFFFFFF;
	p2 =	slt.u32 s8, $0xFFFFF086  }
0x1c: {  	p1 =	slt.u32 s9, $0xF7A;
	s5 =	simm.s32 @!p2 $0x0  }
0x1d: {  	s5 =	simm.s32 @p1 $0x1;
	p0 =	seq.s32 s7, s2  }
0x1e: {  	s7 =	smul.u32 @!p0 $0xF7A, s2;
	p2 =	seq.s32 @!p0 s5, $0x0  }
0x1f: {  	s9 =	smul.u32 $0xF7A, s1;
	s8 =	simm.s32 @!p0 $0x1BF5;
	p2 =	por !p2, p0  }
0x20: {  	[sflag:s8] =	ssyncset.s32 @!p0 $0xFFFFF086;
	s6 =	sadd.s32 @!p0 s3, s7;
	s7 =	simm.s32 @!p0 $0x108  }
0x21: {  	s3 =	sadd.s32 s3, s9;
	s6 =	sadd.s32 @!p0 $0x88, s6;
	s7 =	simm.s32 @p2 $0x1082  }
0x22: {  	[simem:s7], [sflag:s8] =	dma.local @!p0 [hbm:s6], $0xF7A  }
0x23: {  	s9 =	sor.u32 $0xD0000000, s2;
	s6 =	simm.s32 $0x108;
	_ =	swait.ge @!p0 [sflag:s8], $0x0  }
0x24: {  	s3 =	sadd.s32 $0x88, s3;
	s6 =	simm.s32 @!p1 $0x1082;
	[sflag:s4] =	ssyncset.s32 $0xFFFFF086  }
0x25: {  	[simem:s6], [sflag:s4] =	dma.local [hbm:s3], $0xF7A  }
0x26: {  	[smem:$0x3F97] =	sst s1;
	(tag) =	ssettag s2;
	_ =	strace s9  }
0x27: {  	s1 =	sld [smem:$0x3FA7]  }
0x28: {  	s2 =	sld [smem:$0x3FA8]  }
0x29: {  	s4 =	sld [smem:$0x3FAA]  }
0x2a: {  	p0 =	seq.s32 s5, $0x0;
	s5 =	sld [smem:$0x3FAB]  }
0x2b: {  	s6 =	sld [smem:$0x3FAC]  }
0x2c: {  	s7 =	sld [smem:$0x3FAD]  }
0x2d: {  	s3 =	simm.s32 $0x108;
	s8 =	sld [smem:$0x3FAE]  }
0x2e: {  	s3 =	simm.s32 @!p0 $0x1082;
	s9 =	sld [smem:$0x3FAF]  }
0x2f: {  	lr =	sadd.s32 s0, s3;
	s0 =	sld [smem:$0x3FA6]  }
0x30: {  	s3 =	sld [smem:$0x3FA9]  }
0x31: {  	[smem:$0x3FB2] =	sst s10  }
0x32: {  	s10 =	sld [smem:$0x3FB0];
	_ =	sdelay $0x3  }
0x33: {  	p0 =	seq.s32 s10, $0x1;
	s10 =	sld [smem:$0x3FB2];
	_ =	sdelay $0x3  }
0x34: {  	[smem:$0x3FB2] =	sst s10  }
0x35: {  	s10 =	sld [smem:$0x3FB1];
	_ =	sdelay $0x3  }
0x36: {  	p1 =	seq.s32 s10, $0x1;
	s10 =	sld [smem:$0x3FB2];
	_ =	sdelay $0x3  }
0x37: {  	[smem:$0x3FB2] =	sst s10  }
0x38: {  	s10 =	sld [smem:$0x3FB3]  }
0x39: {  	_ = 	snop;
	(pc) =	sbr.ind lr, $3  }
0x3a: {  	_ = 	snop  }
0x3b: {  	_ = 	snop  }
0x3c: {  	p2 =	seq.s32 s10, $0x1;
	s10 =	sld [smem:$0x3FB2]  }
0x3d: {  	_ =	shalt  }
0x3e: {  	_ =	shalt  }
0x3f: {  	_ =	shalt  }
0x40: {  	_ =	shalt  }
0x41: {  	_ =	shalt  }
0x42: {  	_ =	shalt  }
0x43: {  	_ =	shalt  }
0x44: {  	_ =	shalt  }
0x45: {  	_ =	shalt  }
0x46: {  	_ =	shalt  }
0x47: {  	_ =	shalt  }
0x48: {  	_ =	shalt  }
0x49: {  	_ =	shalt  }
0x4a: {  	_ =	shalt  }
0x4b: {  	_ =	shalt  }
0x4c: {  	_ =	shalt  }
0x4d: {  	_ =	shalt  }
0x4e: {  	_ =	shalt  }
0x4f: {  	_ =	shalt  }
0x50: {  	_ =	shalt  }
0x51: {  	_ =	shalt  }
0x52: {  	_ =	shalt  }
0x53: {  	_ =	shalt  }
0x54: {  	_ =	shalt  }
0x55: {  	_ =	shalt  }
0x56: {  	_ =	shalt  }
0x57: {  	_ =	shalt  }
0x58: {  	_ =	shalt  }
0x59: {  	_ =	shalt  }
0x5a: {  	_ =	shalt  }
0x5b: {  	_ =	shalt  }
0x5c: {  	_ =	shalt  }
0x5d: {  	_ =	shalt  }
0x5e: {  	_ =	shalt  }
0x5f: {  	_ =	shalt  }
0x60: {  	_ =	shalt  }
0x61: {  	_ =	shalt  }
0x62: {  	_ =	shalt  }
0x63: {  	_ =	shalt  }
0x64: {  	_ =	shalt  }
0x65: {  	_ =	shalt  }
0x66: {  	_ =	shalt  }
0x67: {  	_ =	shalt  }
0x68: {  	_ =	shalt  }
0x69: {  	_ =	shalt  }
0x6a: {  	_ =	shalt  }
0x6b: {  	_ =	shalt  }
0x6c: {  	_ =	shalt  }
0x6d: {  	_ =	shalt  }
0x6e: {  	_ =	shalt  }
0x6f: {  	_ =	shalt  }
0x70: {  	_ =	shalt  }
0x71: {  	_ =	shalt  }
0x72: {  	_ =	shalt  }
0x73: {  	_ =	shalt  }
0x74: {  	_ =	shalt  }
0x75: {  	_ =	shalt  }
0x76: {  	_ =	shalt  }
0x77: {  	_ =	shalt  }
0x78: {  	_ =	shalt  }
0x79: {  	_ =	shalt  }
0x7a: {  	_ =	shalt  }
0x7b: {  	_ =	shalt  }
0x7c: {  	_ =	shalt  }
0x7d: {  	_ =	shalt  }
0x7e: {  	_ =	shalt  }
0x7f: {  	_ =	shalt  }
0x80: {  	_ =	shalt  }
0x81: {  	_ =	shalt  }
0x82: {  	_ =	shalt  }
0x83: {  	_ =	shalt  }
0x84: {  	_ =	shalt  }
0x85: {  	_ =	shalt  }
0x86: {  	_ =	shalt  }
0x87: {  	_ =	shalt  }
.Lfunc_end0:
.L_simem_size_0:
called_computation_lowered:
.L_overlay_start_0:
0x88: {  	s2 =	sld [smem:$0x3FD9]  }
0x89: {  	s3 =	sld [smem:$0x3FFE];
	_ =	sdelay $0x1  }
0x8a: {  	s1 =	srdreg.scid  }
0x8b: {  	s0 =	sand.u32 $0x1, s1  }
0x8c: {  	s17 =	sshll.u32 s0, $0xA;
	s2 =	sadd.s32 s3, s2  }
0x8d: {  	s2 =	sadd.s32 s2, s17  }
0x8e: {  	[smem:$0x3FBE] =	sst s2  }
0x8f: {  	_ = 	snop  }
0x90: {  	s2 =	sld [smem:$0x3FD0];
	(tm) =	ssettm $0x1  }
0x91: {  	s18 =	sld [smem:$0x3FFB];
	_ =	sdelay $0x3  }
0x92: {  	_ =	strace s18  }
0x93: {  	s3 =	sld [smem:$0x3FFC];
	_ =	sdelay $0x3  }
0x94: {  	_ =	strace s3  }
0x95: {  	s3 =	sld [smem:$0x3FFD];
	_ =	sdelay $0x3  }
0x96: {  	_ =	strace s3  }
0x97: {  	_ =	strace $0x8FFFFFFF  }
0x98: {  	s19 =	sld [smem:$0x3FDB];
	_ =	sdelay $0x1  }
0x99: {  	s4 =	simm.s32 $_scs_section_size  }
0x9a: {  	s5 =	simm.s32 $_size__tile_overlayer_lowered;
	s6 =	simm.s32 $_tile_overlayer_lowered  }
0x9b: {  	s22 =	simm.s32 $0x1BFF;
	s21 =	sshll.u32 s6, $0x1;
	s3 =	sadd.s32 s4, s19  }
0x9c: {  	s7 =	simm.s32 $0x0;
	s20 =	sshll.u32 s5, $0x1;
	s5 =	sadd.s32 s21, s3  }
0x9d: {  	[timem:s7], [sflag:s22] =	dma.local [hbm:s5], s20  }
0x9e: {  	_ =	swait.ge [sflag:s22], s20  }
0x9f: {  	s4 =	ssub.s32 $0x0, s20;
	[sflag:s22] =	ssyncset.done $0x0  }
0xa0: {  	[sflag:s22] =	ssyncadd.s32 s4;
	_ =	sdelay $0x1  }
0xa1: {  	s23 =	simm.s32 $0x1B8B  }
0xa2: {  	_ =	swait.ge [sflag:s23], $0x1  }
0xa3: {  	[sflag:s23] =	ssyncset.done $0x0  }
0xa4: {  	s25 =	simm.s32 $0x1B8E;
	s24 =	sld [smem:$0x3FFE];
	[sflag:s23] =	ssyncadd.s32 $0xFFFFFFFF  }
0xa5: {  	s26 =	simm.s32 $execute0_lowered;
	[smem:$0x3FD2] =	sst s25  }
0xa6: {  	s5 =	sshll.u32 s26, $0x1;
	_ =	strace $0x80000046;
	[dreg:$0x1] =	wrdreg $0xFFFFFFFF  }
0xa7: {  	s28 =	simm.s32 $_size_execute0_lowered;
	s3 =	sadd.s32 s3, s5;
	[dreg:$0x0] =	wrdreg $0x0  }
0xa8: {  	s5 =	sshll.u32 s28, $0x1;
	[dreg:$0x2] =	wrdreg s3  }
0xa9: {  	[dreg:$0x3] =	wrdreg s5  }
0xaa: {  	[dreg:$0x4] =	wrdreg $0xC0  }
0xab: {  	_ =	task [dreg:s7], $0x5FFFF  }
0xac: {  	[dreg:$0x1] =	wrdreg $0xFFFFFFFF  }
0xad: {  	[dreg:$0x0] =	wrdreg $0x60  }
0xae: {  	[dreg:$0x2] =	wrdreg s24  }
0xaf: {  	[dreg:$0x3] =	wrdreg s2  }
0xb0: {  	[dreg:$0x4] =	wrdreg $0x30800  }
0xb1: {  	[dreg:$0x5] =	wrdreg $0x9  }
0xb2: {  	_ =	task.clear_ibuf [dreg:s7], $0x6FFFF;
	_ =	strace $0x90000046  }
0xb3: {  	s29 =	simm.s32 $0x9;
	_ =	strace $0x80000048  }
0xb4: {  	_ =	swait.ge [sflag:s29], $0x1  }
0xb5: {  	[sflag:s29] =	ssyncadd.s32 $0xFFFFFFFF  }
0xb6: {  	_ =	strace $0x90000048  }
0xb7: {  	_ =	sfence  }
0xb8: {  	s30 =	sld [smem:$0x0];
	_ =	sdelay $0x2  }
0xb9: {  	s31 =	sshll.u32 s1, $0xD;
	s1 =	sshrl.u32 s1, $0x2  }
0xba: {  	s3 =	sand.u32 $0x4000, s31;
	s1 =	sadd.s32 s1, s30  }
0xbb: {  	s0 =	sor.u32 s3, s0;
	s1 =	sshll.u32 s1, $0x11  }
0xbc: {  	s0 =	sor.u32 s1, s0  }
0xbd: {  	s0 =	sadd.s32 $0x8F2B, s0  }
0xbe: {  	[sflag:s0] =	ssyncadd.remote.s32 $0x1  }
0xbf: {  	_ =	sfence.sel $0xFFFF  }
0xc0: {  	[dreg:$0x0] =	wrdreg $0xFFFFFFFF;
	(pc) =	sbr.abs _section_cstart, $3  }
0xc1: {  	[dreg:$0x1] =	wrdreg $0xFFFFFFFF  }
0xc2: {  	_ =	task.clear_ibuf [dreg:s7], $0x2FFFF;
	_ =	strace $0x9FFFFFFF  }
0xc3: {  	(tm) =	ssettm $0x7FFFFFFF  }
tec
execute0_lowered:
.L_overlay_start_1:
0x0: {  	(tag) =	ssettag $0x1  }
0x1: {  	s4 =	rddreg [dreg:$0x0]  }
0x2: {  	s0 =	srdreg.scid;
	s7 =	rddreg [dreg:$0x1]  }
0x3: {  	s2 =	rddreg [dreg:$0x2];
	s1 =	stileid.u32  }
0x4: {  	s3 =	simm.s32 $0x0;
	s12 =	simm.s32 $0xC00;
	s14 =	simm.s32 $0x1800  }
0x5: {  	s16 =	simm.s32 $0x2400;
	s17 =	simm.s32 $0x7D;
	s18 =	simm.s32 $0x3000  }
0x6: {  	s19 =	simm.s32 $0x1;
	s20 =	simm.s32 $0x20;
	s21 =	simm.s32 $0x10  }
0x7: {  	s5 =	sand.u32 $0x1, s0;
	s0 =	rddreg [dreg:$0x3];
	s8 =	smul.u32 $0xA00, s1  }
0x8: {  	s22 =	simm.s32 $0x0;
	[smem:$0x7FF] =	sst s3;
	s10 =	smul.u32 $0x500, s1  }
0x9: {  	s30 =	sshll.u32 s1, $0x6;
	s6 =	sshll.u32 s5, $0x4;
	_ =	strace $0x80000047  }
0xa: {  	s9 =	ssub.s32 $0x2, s5;
	s5 =	sshll.u32 s5, $0x7;
	s6 =	sor.u32 s1, s6  }
0xb: {  	s11 =	sshrl.u32 s9, $0x1;
	s8 =	sshrl.u32 s8, $0x2;
	s5 =	sor.u32 s5, s10  }
0xc: {  	s10 =	simm.s32 $0x2;
	s6 =	smul.u32 $0x600, s6;
	s9 =	ssub.s32 s9, s11  }
0xd: {  	s29 =	sadd.s32 s8, s2;
	s31 =	sshrl.u32 s5, $0x3;
	s5 =	sor.u32 $0x1C02, s30  }
0xe: {  	s7 =	sadd.s32 s7, s31;
	s8 =	smax.u32 s9, $0x1;
	s6 =	sadd.s32 s6, s4  }
0xf: {  	s9 =	sshrl.u32 s29, $0x3;
	s4 =	sadd.s32 $0xE600, s4;
	s6 =	sadd.s32 $0x2600, s6  }
0x10: {  	v0 =	vimm.f32 $1.000000000e+00;
	s11 =	sadd.s32 $0x180, s6;
	s13 =	sadd.s32 $0x300, s6;
	s15 =	sadd.s32 $0x480, s6  }
.LBB2_1:
0x11: {  	[tilespmem:$0x3000] =	vst v0  }
0x12: {  	[tilespmem:$0x3010] =	vst v0  }
0x13: {  	[tilespmem:$0x3020] =	vst v0  }
0x14: {  	[tilespmem:$0x3030] =	vst v0  }
0x15: {  	[tilespmem:$0x3040] =	vst v0  }
0x16: {  	[tilespmem:$0x3050] =	vst v0  }
0x17: {  	[tilespmem:$0x3060] =	vst v0  }
0x18: {  	[tilespmem:$0x3070] =	vst v0  }
0x19: {  	[spmem:s9], [sflag:s5] =	dma.local [hbm:s4], $0x50  }
0x1a: {  	_ =	swait.ge [sflag:s10], $0x50  }
0x1b: {  	[sflag:s10] =	ssyncset.done $0x0  }
0x1c: {  	[sflag:s10] =	ssyncadd.s32 $0xFFFFFFB0  }
0x1d: {  	[tilespmem:s3], [sflag:$0x2] =	stream.linear.gather [hbm4b:s6+s3], $0xA00, $0x38;
	[tilespmem:$0x3300] =	vst v63  }
0x1e: {  	_ = 	snop  }
0x1f: {  	[tilespmem:s12], [sflag:$0x2] =	stream.linear.gather [hbm4b:s11+s3], $0xA00, $0x38;
	[tilespmem:$0x3300] =	vst v63  }
0x20: {  	_ = 	snop  }
0x21: {  	[tilespmem:s14], [sflag:$0x2] =	stream.linear.gather [hbm4b:s13+s3], $0xA00, $0x38;
	[tilespmem:$0x3300] =	vst v63  }
0x22: {  	s23 =	smulhi.u32 $0xCCCCCCCD, s3  }
0x23: {  	[tilespmem:s16], [sflag:$0x2] =	stream.linear.gather [hbm4b:s15+s3], $0xA00, $0x38;
	[tilespmem:$0x3300] =	vst v63  }
0x24: {  	_ =	swait.ge [sflag:s10], $0x2800  }
0x25: {  	s23 =	sshll.u32 s23, $0x5;
	[sflag:s10] =	ssyncset.done $0x0  }
0x26: {  	s23 =	sand.u32 $0x3FFFFE00, s23;
	[sflag:s10] =	ssyncadd.s32 $0xFFFFD800  }
0x27: {  	s23 =	sadd.s32 $0x0, s23;
	[bflag:$0x0] =	sbarrier.arrive $0xFFFF  }
0x28: {  	[spmem:s2] =	stream.indirect.scatter.add.f32 [tilespmem:s18], [sflag:$0x1], $0x1, s23, s17, $0xb8;
	[tilespmem:$0x3300] =	vst v63  }
0x29: {  	s24 =	simm.s32 $0x0;
	s23 =	simm.s32 $0x1  }
.LBB2_2:
0x2a: {  	s25 =	smulhi.u32 $0xCCCCCCCD, s23;
	p0 =	sne.s32 s23, $0x4F;
	s23 =	sadd.s32 $0x1, s23  }
.Ltmp0:
0x2b: {  	(pc) =	sbr.rel @p0 .LBB2_2-.Ltmp0, $4  }
0x2c: {  	s25 =	sshll.u32 s25, $0x5  }
0x2d: {  	s24 =	sadd.s32 $0x80, s24;
	s25 =	sand.u32 $0x3FFFFE00, s25  }
0x2e: {  	s25 =	sadd.s32 s25, s24  }
0x2f: {  	[spmem:s2] =	stream.indirect.scatter.add.f32 [tilespmem:s18], [sflag:$0x1], $0x1, s25, s17, $0xb8;
	[tilespmem:$0x3300] =	vst v63  }
0x30: {  	_ =	swait.ge [sflag:s19], $0x7D  }
0x31: {  	s23 =	simm.s32 $0x4F;
	[sflag:s19] =	ssyncset.done $0x0  }
.LBB2_4:
0x32: {  	p0 =	sne.s32 s23, $0x1;
	s23 =	sadd.s32 $0xFFFFFFFF, s23;
	[sflag:s19] =	ssyncadd.s32 $0xFFFFFF83  }
.Ltmp1:
0x33: {  	(pc) =	sbr.rel @p0 .LBB2_4-.Ltmp1, $3  }
0x34: {  	_ =	sdelay $0x1  }
0x35: {  	_ =	swait.ge [sflag:s19], $0x7D  }
0x36: {  	[sflag:s19] =	ssyncset.done $0x0  }
0x37: {  	s22 =	sadd.s32 $0x1, s22  }
0x38: {  	[sflag:s19] =	ssyncadd.s32 $0xFFFFFF83;
	p0 =	sne.s32 s22, s8  }
.Ltmp2:
0x39: {  	[bflag:$0x0] =	sbarrier.arrive $0xFFFF;
	(pc) =	sbr.rel @p0 .LBB2_1-.Ltmp2, $4  }
0x3a: {  	[hbm:s7@s20], [sflag:s5] =	dma.strided [spmem:s9@s21], $0x50, s19, $0x10   }
0x3b: {  	_ =	swait.ge [sflag:s10], $0x50  }
0x3c: {  	[sflag:s10] =	ssyncset.done $0x0  }
0x3d: {  	[sflag:s10] =	ssyncadd.s32 $0xFFFFFFB0  }
0x3e: {  	_ =	sfence.sel $0x180000  }
0x3f: {  	[bflag:$0x0] =	sbarrier.arrive $0xFFFF  }
0x40: {  	p0 =	sne.s32 s1, $0x0;
	_ =	strace $0x90000047  }
0x41: {  	s0 =	sadd.s32 @!p0 $0x100000, s0;
	[bflag:$0x2] =	sbarrier.arrive $0xFFFF  }
0x42: {  	[sflag:s0] =	ssyncadd.tile.s32 @!p0 $0x1;
	_ =	shalt  }
.Lfunc_end2:
_tile_overlayer_lowered:
.L_overlay_start_2:
0x43: {  	(tag) =	ssettag $0x2  }
0x44: {  	s0 =	rddreg [dreg:$0x0];
	s2 =	stileid.u32  }
0x45: {  	s1 =	rddreg [dreg:$0x1];
	p0 =	sne.s32 s2, $0x0  }
0x46: {  	s3 =	rddreg [dreg:$0x2];
	[bflag:$0x3] =	sbarrier.arrive $0xFFFF;
	s2 =	simm.s32 @!p0 $0x1C02  }
0x47: {  	[timem:s3], [sflag:s2] =	dma.local @!p0 [hbm:s0], s1  }
0x48: {  	s0 =	simm.s32 @!p0 $0x2  }
0x49: {  	_ =	swait.ge @!p0 [sflag:s0], s1  }
0x4a: {  	s1 =	ssub.s32 @!p0 $0x0, s1;
	[sflag:s0] =	ssyncset.done @!p0 $0x0  }
0x4b: {  	[sflag:s0] =	ssyncadd.s32 @!p0 s1  }
0x4c: {  	[bflag:$0x3] =	sbarrier.arrive $0xFFFF  }
0x4d: {  	_ =	shalt  }

</sc_bundles>
